<compile_context>
chip_gen: v7x
topology: tpu7x:2x2x1
jax: 0.10.2.dev20260603
libtpu: 0.0.44.dev20260713+nightly
codegen_flags: <defaults>
</compile_context>

<pallas_src>
import functools

import jax
import jax.numpy as jnp
from jax import lax
from jax.experimental import pallas as pl
from jax.experimental.pallas import tpu as pltpu
from jax.experimental.pallas import tpu_sc as plsc

_N = 10000
_E = 320000
_DIN = 128
_H1 = 8
_C1 = 8
_D1 = 64
_A1 = 80
_NCLS = 40
_D2 = 48

_NC = 2
_NS = 16
_NW = _NC * _NS

_KCH = 128
_EPAD = 327680
_PERW = _EPAD // _NW
_NCHUNK = _PERW // _KCH

_NPAD = 10240
_RPT = _NPAD // _NS
_RCH = 128
_NRCH = _RPT // _RCH

_BN = 1000
_BE = 2048
_TW = 128


def _iota2(shape, dim):
    return lax.broadcasted_iota(jnp.int32, shape, dim)


def _headsum_mat():
    return (_iota2((_D1, _H1), 0) // _C1 == _iota2((_D1, _H1), 1)).astype(jnp.float32)


def _headexp_mat():
    return (_iota2((_H1, _D1), 1) // _C1 == _iota2((_H1, _D1), 0)).astype(jnp.float32)


def _emb_num_mat():
    return (_iota2((_D1, _A1), 0) == _iota2((_D1, _A1), 1)).astype(jnp.float32)


def _emb_den_mat():
    return (_iota2((_H1, _A1), 0) + _D1 == _iota2((_H1, _A1), 1)).astype(jnp.float32)


def _ext_num_mat():
    return (_iota2((_A1, _D1), 0) == _iota2((_A1, _D1), 1)).astype(jnp.float32)


def _ext_den_mat():
    return (_iota2((_A1, _H1), 0) == _iota2((_A1, _H1), 1) + _D1).astype(jnp.float32)


def _pack_mat(w, off):
    return (_iota2((w, _TW), 0) + off == _iota2((w, _TW), 1)).astype(jnp.float32)


def _unpack_mat(w, off):
    return (_iota2((_TW, w), 0) == _iota2((_TW, w), 1) + off).astype(jnp.float32)


def _mask40():
    return (_iota2((1, _D2), 1) < _NCLS).astype(jnp.float32)


def _e40():
    return (_iota2((1, _D2), 1) == _NCLS).astype(jnp.float32)


def _leaky(s):
    return jnp.maximum(s, 0.2 * s)



def _node1_body(x_ref, wl_ref, wr_ref, attf_ref, t_ref, self_ref):
    x = x_ref[...]
    xl = jnp.dot(x, wl_ref[...], preferred_element_type=jnp.float32)
    xr = jnp.dot(x, wr_ref[...], preferred_element_type=jnp.float32)
    w = _leaky(xl + xr) * attf_ref[...]
    alpha = jnp.dot(w, _headsum_mat(), preferred_element_type=jnp.float32)
    ex = jnp.exp(alpha)
    ex_e = jnp.dot(ex, _headexp_mat(), preferred_element_type=jnp.float32)
    num = xl * ex_e
    self_ref[...] = 0.5 * (
        jnp.dot(num, _emb_num_mat(), preferred_element_type=jnp.float32)
        + jnp.dot(ex, _emb_den_mat(), preferred_element_type=jnp.float32))
    t_ref[...] = (jnp.dot(xl, _pack_mat(_D1, 0), preferred_element_type=jnp.float32)
                  + jnp.dot(xr, _pack_mat(_D1, _D1), preferred_element_type=jnp.float32))


def _node1(x, wl, wr, attf):
    return pl.pallas_call(
        _node1_body,
        grid=(_N // _BN,),
        in_specs=[
            pl.BlockSpec((_BN, _DIN), lambda i: (i, 0)),
            pl.BlockSpec((_DIN, _D1), lambda i: (0, 0)),
            pl.BlockSpec((_DIN, _D1), lambda i: (0, 0)),
            pl.BlockSpec((1, _D1), lambda i: (0, 0)),
        ],
        out_specs=[
            pl.BlockSpec((_BN, _TW), lambda i: (i, 0)),
            pl.BlockSpec((_BN, _A1), lambda i: (i, 0)),
        ],
        out_shape=[
            jax.ShapeDtypeStruct((_N, _TW), jnp.float32),
            jax.ShapeDtypeStruct((_N, _A1), jnp.float32),
        ],
    )(x, wl, wr, attf)


def _edge1_body(gl_ref, gr_ref, attf_ref, out_ref):
    pid = pl.program_id(0)
    xl = jnp.dot(gl_ref[...], _unpack_mat(_D1, 0), preferred_element_type=jnp.float32)
    xr = jnp.dot(gr_ref[...], _unpack_mat(_D1, _D1), preferred_element_type=jnp.float32)
    w = _leaky(xl + xr) * attf_ref[...]
    alpha = jnp.dot(w, _headsum_mat(), preferred_element_type=jnp.float32)
    ex = jnp.exp(alpha)
    ex_e = jnp.dot(ex, _headexp_mat(), preferred_element_type=jnp.float32)
    num = xl * ex_e
    contrib = (jnp.dot(num, _emb_num_mat(), preferred_element_type=jnp.float32)
               + jnp.dot(ex, _emb_den_mat(), preferred_element_type=jnp.float32))
    row = pid * _BE + _iota2((_BE, 1), 0)
    out_ref[...] = jnp.where(row < _E, contrib, 0.0)


def _edge1(xl_g, xr_g, attf):
    return pl.pallas_call(
        _edge1_body,
        grid=(_EPAD // _BE,),
        in_specs=[
            pl.BlockSpec((_BE, _TW), lambda i: (i, 0)),
            pl.BlockSpec((_BE, _TW), lambda i: (i, 0)),
            pl.BlockSpec((1, _D1), lambda i: (0, 0)),
        ],
        out_specs=pl.BlockSpec((_BE, _A1), lambda i: (i, 0)),
        out_shape=jax.ShapeDtypeStruct((_EPAD, _A1), jnp.float32),
    )(xl_g, xr_g, attf)


def _node2_body(p0_ref, p1_ref, b1_ref, wl_ref, wr_ref, att2_ref,
                t_ref, self_ref):
    tot = p0_ref[...] + p1_ref[...]
    num = jnp.dot(tot, _ext_num_mat(), preferred_element_type=jnp.float32)
    den = jnp.dot(tot, _ext_den_mat(), preferred_element_type=jnp.float32)
    den_e = jnp.dot(den, _headexp_mat(), preferred_element_type=jnp.float32)
    h = num / (den_e + 1e-16) + b1_ref[...]
    h = jnp.where(h > 0, h, jnp.exp(jnp.minimum(h, 0.0)) - 1.0)
    xl2 = jnp.dot(h, wl_ref[...], preferred_element_type=jnp.float32)
    xr2 = jnp.dot(h, wr_ref[...], preferred_element_type=jnp.float32)
    w = _leaky(xl2 + xr2) * att2_ref[...]
    alpha = jnp.sum(w, axis=1, keepdims=True)
    ex = jnp.exp(alpha)
    self_ref[...] = 0.5 * (xl2 * ex * _mask40() + ex * _e40())
    t_ref[...] = (jnp.dot(xl2, _pack_mat(_D2, 0), preferred_element_type=jnp.float32)
                  + jnp.dot(xr2, _pack_mat(_D2, _D1), preferred_element_type=jnp.float32))


def _node2(p0, p1, b1r, wl2, wr2, att2f):
    return pl.pallas_call(
        _node2_body,
        grid=(_N // _BN,),
        in_specs=[
            pl.BlockSpec((_BN, _A1), lambda i: (i, 0)),
            pl.BlockSpec((_BN, _A1), lambda i: (i, 0)),
            pl.BlockSpec((1, _D1), lambda i: (0, 0)),
            pl.BlockSpec((_D1, _D2), lambda i: (0, 0)),
            pl.BlockSpec((_D1, _D2), lambda i: (0, 0)),
            pl.BlockSpec((1, _D2), lambda i: (0, 0)),
        ],
        out_specs=[
            pl.BlockSpec((_BN, _TW), lambda i: (i, 0)),
            pl.BlockSpec((_BN, _D2), lambda i: (i, 0)),
        ],
        out_shape=[
            jax.ShapeDtypeStruct((_N, _TW), jnp.float32),
            jax.ShapeDtypeStruct((_N, _D2), jnp.float32),
        ],
    )(p0, p1, b1r, wl2, wr2, att2f)


def _edge2_body(gl_ref, gr_ref, att2_ref, out_ref):
    pid = pl.program_id(0)
    xl = jnp.dot(gl_ref[...], _unpack_mat(_D2, 0), preferred_element_type=jnp.float32)
    xr = jnp.dot(gr_ref[...], _unpack_mat(_D2, _D1), preferred_element_type=jnp.float32)
    w = _leaky(xl + xr) * att2_ref[...]
    alpha = jnp.sum(w, axis=1, keepdims=True)
    ex = jnp.exp(alpha)
    contrib = xl * ex * _mask40() + ex * _e40()
    row = pid * _BE + _iota2((_BE, 1), 0)
    out_ref[...] = jnp.where(row < _E, contrib, 0.0)


def _edge2(xl_g, xr_g, att2f):
    return pl.pallas_call(
        _edge2_body,
        grid=(_EPAD // _BE,),
        in_specs=[
            pl.BlockSpec((_BE, _TW), lambda i: (i, 0)),
            pl.BlockSpec((_BE, _TW), lambda i: (i, 0)),
            pl.BlockSpec((1, _D2), lambda i: (0, 0)),
        ],
        out_specs=pl.BlockSpec((_BE, _D2), lambda i: (i, 0)),
        out_shape=jax.ShapeDtypeStruct((_EPAD, _D2), jnp.float32),
    )(xl_g, xr_g, att2f)


def _final_body(q0_ref, q1_ref, b2_ref, out_ref):
    tot = q0_ref[...] + q1_ref[...]
    den = jnp.sum(tot * _e40(), axis=1, keepdims=True)
    logits = tot * _mask40() / (den + 1e-16) + b2_ref[...]
    z = jnp.where(_mask40() > 0, logits, -1e30)
    m = jnp.max(z, axis=1, keepdims=True)
    se = jnp.sum(jnp.exp(z - m), axis=1, keepdims=True)
    out48 = z - (jnp.log(se) + m)
    out_ref[...] = out48[:, :_NCLS]


def _final(q0, q1, b2p):
    return pl.pallas_call(
        _final_body,
        grid=(_N // _BN,),
        in_specs=[
            pl.BlockSpec((_BN, _D2), lambda i: (i, 0)),
            pl.BlockSpec((_BN, _D2), lambda i: (i, 0)),
            pl.BlockSpec((1, _D2), lambda i: (0, 0)),
        ],
        out_specs=pl.BlockSpec((_BN, _NCLS), lambda i: (i, 0)),
        out_shape=jax.ShapeDtypeStruct((_N, _NCLS), jnp.float32),
    )(q0, q1, b2p)



def _sc_mesh():
    return plsc.VectorSubcoreMesh(core_axis_name="c", subcore_axis_name="s")


def _make_sc_gather():

    def body(t, src2d, dst2d, outl, outr,
             idxs, idxd, rl0, rl1, rr0, rr1, sl0, sl1, sr0, sr1):
        wid = lax.axis_index("s") * _NC + lax.axis_index("c")
        pltpu.sync_copy(src2d.at[pl.ds(wid * _NCHUNK, _NCHUNK)], idxs)
        pltpu.sync_copy(dst2d.at[pl.ds(wid * _NCHUNK, _NCHUNK)], idxd)
        base = wid * _PERW
        bufs = ((rl0, sl0, rr0, sr0), (rl1, sl1, rr1, sr1))

        for b in range(2):
            rl, sl, rr, sr = bufs[b]
            pltpu.async_copy(t.at[idxs.at[b]], rl, sl)
            pltpu.async_copy(t.at[idxd.at[b]], rr, sr)

        def pair(g, carry):
            i = 2 * g
            for b in range(2):
                rl, sl, rr, sr = bufs[b]
                off = base + (i + b) * _KCH
                pltpu.make_async_copy(t.at[idxs.at[i + b]], rl, sl).wait()
                pltpu.sync_copy(rl, outl.at[pl.ds(off, _KCH)])
                pltpu.async_copy(t.at[idxs.at[i + b + 2]], rl, sl)
                pltpu.make_async_copy(t.at[idxd.at[i + b]], rr, sr).wait()
                pltpu.sync_copy(rr, outr.at[pl.ds(off, _KCH)])
                pltpu.async_copy(t.at[idxd.at[i + b + 2]], rr, sr)
            return carry

        lax.fori_loop(0, _NCHUNK // 2 - 1, pair, 0)

        i = _NCHUNK - 2
        for b in range(2):
            rl, sl, rr, sr = bufs[b]
            off = base + (i + b) * _KCH
            pltpu.make_async_copy(t.at[idxs.at[i + b]], rl, sl).wait()
            pltpu.sync_copy(rl, outl.at[pl.ds(off, _KCH)])
            pltpu.make_async_copy(t.at[idxd.at[i + b]], rr, sr).wait()
            pltpu.sync_copy(rr, outr.at[pl.ds(off, _KCH)])

    return functools.partial(
        pl.kernel, body,
        out_type=[
            jax.ShapeDtypeStruct((_EPAD, _TW), jnp.float32),
            jax.ShapeDtypeStruct((_EPAD, _TW), jnp.float32),
        ],
        mesh=_sc_mesh(),
        scratch_types=[
            pltpu.VMEM((_NCHUNK, _KCH), jnp.int32),
            pltpu.VMEM((_NCHUNK, _KCH), jnp.int32),
            pltpu.VMEM((_KCH, _TW), jnp.float32),
            pltpu.VMEM((_KCH, _TW), jnp.float32),
            pltpu.VMEM((_KCH, _TW), jnp.float32),
            pltpu.VMEM((_KCH, _TW), jnp.float32),
            pltpu.SemaphoreType.DMA,
            pltpu.SemaphoreType.DMA,
            pltpu.SemaphoreType.DMA,
            pltpu.SemaphoreType.DMA,
        ],
    )()


def _make_sc_scatter(d):

    def body(contrib, dst2d, init, out, idxd, rowsv, acc):
        cid = lax.axis_index("c")
        sid = lax.axis_index("s")
        wid = sid * _NC + cid
        r0 = sid * _RPT

        def initchunk(j, carry):
            rr = r0 + j * _RCH
            pltpu.sync_copy(init.at[pl.ds(rr, _RCH)], rowsv)
            pltpu.sync_copy(rowsv, acc.at[pl.ds(rr, _RCH)])
            return carry

        lax.fori_loop(0, _NRCH, initchunk, 0)
        plsc.subcore_barrier()

        pltpu.sync_copy(dst2d.at[pl.ds(wid * _NCHUNK, _NCHUNK)], idxd)
        base = wid * _PERW

        def chunk(i, carry):
            off = base + i * _KCH
            pltpu.sync_copy(contrib.at[pl.ds(off, _KCH)], rowsv)
            pltpu.sync_copy(rowsv, acc.at[idxd.at[i]], add=True)
            return carry

        lax.fori_loop(0, _NCHUNK, chunk, 0)
        plsc.subcore_barrier()

        def outchunk(j, carry):
            rr = r0 + j * _RCH
            pltpu.sync_copy(acc.at[pl.ds(rr, _RCH)], rowsv)
            pltpu.sync_copy(rowsv, out.at[cid, pl.ds(rr, _RCH)])
            return carry

        lax.fori_loop(0, _NRCH, outchunk, 0)

    return functools.partial(
        pl.kernel, body,
        out_type=jax.ShapeDtypeStruct((_NC, _NPAD, d), jnp.float32),
        mesh=_sc_mesh(),
        scratch_types=[
            pltpu.VMEM((_NCHUNK, _KCH), jnp.int32),
            pltpu.VMEM((_KCH, d), jnp.float32),
            pltpu.VMEM_SHARED((_NPAD, d), jnp.float32),
        ],
    )()


def _gather_rows(t, src2d, dst2d):
    return _make_sc_gather()(t, src2d, dst2d)


def _scatter_rows(contrib, dst2d, init, d):
    return _make_sc_scatter(d)(contrib, dst2d, init)



def kernel(x, edge_index, Wl1, Wr1, att1, b1, Wl2, Wr2, att2, b2):
    padidx = (jnp.arange(_EPAD - _E, dtype=jnp.int32) * 16) % _N
    src = jnp.concatenate([edge_index[0], padidx]).reshape(-1, _KCH)
    dst = jnp.concatenate([edge_index[1], padidx]).reshape(-1, _KCH)

    attf1 = att1.reshape(1, _D1)
    b1r = b1.reshape(1, _D1)
    wl2p = jnp.pad(Wl2, ((0, 0), (0, _D2 - _NCLS)))
    wr2p = jnp.pad(Wr2, ((0, 0), (0, _D2 - _NCLS)))
    att2f = jnp.pad(att2.reshape(1, _NCLS), ((0, 0), (0, _D2 - _NCLS)))
    b2p = jnp.pad(b2.reshape(1, _NCLS), ((0, 0), (0, _D2 - _NCLS)))

    t1, self1 = _node1(x, Wl1, Wr1, attf1)
    xl_g, xr_g = _gather_rows(t1, src, dst)
    contrib1 = _edge1(xl_g, xr_g, attf1)
    self1p = jnp.pad(self1, ((0, _NPAD - _N), (0, 0)))
    p = _scatter_rows(contrib1, dst, self1p, _A1)

    t2, self2 = _node2(p[0, :_N], p[1, :_N], b1r, wl2p, wr2p, att2f)
    xl2_g, xr2_g = _gather_rows(t2, src, dst)
    contrib2 = _edge2(xl2_g, xr2_g, att2f)
    self2p = jnp.pad(self2, ((0, _NPAD - _N), (0, 0)))
    q = _scatter_rows(contrib2, dst, self2p, _D2)

    return _final(q[0, :_N], q[1, :_N], b2p)

# --- scband reference (transcript-rebuilt; emitter-appended) ---
"""Pipeline reference for scband-gatv2-15161234555390 (READ-ONLY COPY).

The authoritative reference and input builder live on the scoring server;
editing this copy changes nothing except your own understanding.
"""

import jax, jax.numpy as jnp
import numpy as np

N = 10000
E = 320000
D_IN = 128
NUM_CHANNELS = 8
NUM_HEADS = 8
NUM_CLASSES = 40
D_HID = NUM_CHANNELS * NUM_HEADS


def setup_inputs(seed: int = 0):
    key = jax.random.key(seed)
    ks = jax.random.split(key, 12)
    x = jax.random.normal(ks[0], (N, D_IN), dtype=jnp.float32)
    edge_index = jax.random.randint(ks[1], (2, E), 0, N, dtype=jnp.int32)
    s1 = 1.0 / np.sqrt(D_IN)
    Wl1 = jax.random.normal(ks[2], (D_IN, D_HID), dtype=jnp.float32) * s1
    Wr1 = jax.random.normal(ks[3], (D_IN, D_HID), dtype=jnp.float32) * s1
    att1 = jax.random.normal(ks[4], (NUM_HEADS, NUM_CHANNELS), dtype=jnp.float32) * (1.0 / np.sqrt(NUM_CHANNELS))
    b1 = jnp.zeros((D_HID,), dtype=jnp.float32)
    s2 = 1.0 / np.sqrt(D_HID)
    Wl2 = jax.random.normal(ks[5], (D_HID, NUM_CLASSES), dtype=jnp.float32) * s2
    Wr2 = jax.random.normal(ks[6], (D_HID, NUM_CLASSES), dtype=jnp.float32) * s2
    att2 = jax.random.normal(ks[7], (1, NUM_CLASSES), dtype=jnp.float32) * (1.0 / np.sqrt(NUM_CLASSES))
    b2 = jnp.zeros((NUM_CLASSES,), dtype=jnp.float32)
    return {"x": x, "edge_index": edge_index, "Wl1": Wl1, "Wr1": Wr1, "att1": att1, "b1": b1, "Wl2": Wl2, "Wr2": Wr2, "att2": att2, "b2": b2}


def _gatv2_layer(x, src, dst, Wl, Wr, att, bias, heads, ch, concat):
    # GATv2Conv (PyG semantics, eval mode: dropout is identity)
    xl = (x @ Wl).reshape(-1, heads, ch)
    xr = (x @ Wr).reshape(-1, heads, ch)
    e = jax.nn.leaky_relu(xl[src] + xr[dst], negative_slope=0.2)  # [E, H, C]
    alpha = jnp.sum(e * att[None, :, :], axis=-1)  # [E, H]
    amax = jax.ops.segment_max(alpha, dst, num_segments=N)
    amax = jnp.where(jnp.isfinite(amax), amax, 0.0)
    ex = jnp.exp(alpha - amax[dst])
    denom = jax.ops.segment_sum(ex, dst, num_segments=N)
    alpha = ex / (denom[dst] + 1e-16)
    out = jax.ops.segment_sum(xl[src] * alpha[:, :, None], dst, num_segments=N)  # [N, H, C]
    if concat:
        out = out.reshape(N, heads * ch)
    else:
        out = out.mean(axis=1)
    return out + bias


def reference(x, edge_index, Wl1, Wr1, att1, b1, Wl2, Wr2, att2, b2):
    # add self loops (PyG GATv2Conv default add_self_loops=True)
    loop = jnp.arange(N, dtype=edge_index.dtype)
    src = jnp.concatenate([edge_index[0], loop])
    dst = jnp.concatenate([edge_index[1], loop])
    h = _gatv2_layer(x, src, dst, Wl1, Wr1, att1, b1, NUM_HEADS, NUM_CHANNELS, True)
    h = jax.nn.elu(h)
    # F.dropout in eval mode: identity
    h = _gatv2_layer(h, src, dst, Wl2, Wr2, att2, b2, 1, NUM_CLASSES, False)
    return jax.nn.log_softmax(h, axis=1)

if __name__ == "__main__":
    import jax
    _d = setup_inputs()
    print(jax.jit(kernel)(*tuple(_d.values())))

</pallas_src>

<mosaic_0001>
#map = affine_map<(d0, d1) -> (0, 0)>
module attributes {stable_mosaic.version = 14 : i64} {
  func.func @body(%arg0: i32, %arg1: i32, %arg2: memref<10000x128xf32, #tpu.memory_space<hbm>>, %arg3: memref<2560x128xi32, #tpu.memory_space<hbm>>, %arg4: memref<2560x128xi32, #tpu.memory_space<hbm>>, %arg5: memref<327680x128xf32, #tpu.memory_space<hbm>>, %arg6: memref<327680x128xf32, #tpu.memory_space<hbm>>, %arg7: memref<80x128xi32, #tpu.memory_space<vmem>>, %arg8: memref<80x128xi32, #tpu.memory_space<vmem>>, %arg9: memref<128x128xf32, #tpu.memory_space<vmem>>, %arg10: memref<128x128xf32, #tpu.memory_space<vmem>>, %arg11: memref<128x128xf32, #tpu.memory_space<vmem>>, %arg12: memref<128x128xf32, #tpu.memory_space<vmem>>, %arg13: memref<!tpu.dma_semaphore, #tpu.memory_space<semaphore_mem>>, %arg14: memref<!tpu.dma_semaphore, #tpu.memory_space<semaphore_mem>>, %arg15: memref<!tpu.dma_semaphore, #tpu.memory_space<semaphore_mem>>, %arg16: memref<!tpu.dma_semaphore, #tpu.memory_space<semaphore_mem>>) attributes {dimension_semantics = [#tpu.dimension_semantics<core_parallel>, #tpu.dimension_semantics<subcore_parallel>], iteration_bounds = array<i64: 2, 16>, scalar_prefetch = 0 : i64, scratch_operands = 10 : i64, tpu.core_type = #tpu.core_type<sc_vector_subcore>, window_params = [{transform_indices = #map}, {transform_indices = #map}, {transform_indices = #map}, {transform_indices = #map}, {transform_indices = #map}]} {
    %mul3A = arith.constant 2 : i32
    %mul3A_0 = arith.muli %arg1, %mul3A : i32
    %add3A = arith.addi %mul3A_0, %arg0 : i32
    %mul3A_1 = arith.constant 80 : i32
    %mul3A_2 = arith.muli %add3A, %mul3A_1 : i32
    "tpu.region"() ({
      %run_scoped3A = tpu.sem_alloc : memref<!tpu.dma_semaphore, #tpu.memory_space<semaphore_mem>>
      %dma_start3A_70 = arith.constant 0 : i32
      %dma_start3A_71 = tpu.memref_slice %arg3[%mul3A_2, %dma_start3A_70] : memref<2560x128xi32, #tpu.memory_space<hbm>> -> memref<80x128xi32, #tpu.memory_space<hbm>>
      %dma_start3A_72 = arith.constant 0 : i32
      %dma_start3A_73 = tpu.memref_slice %arg3[%mul3A_2, %dma_start3A_72] : memref<2560x128xi32, #tpu.memory_space<hbm>> -> memref<80x128xi32, #tpu.memory_space<hbm>>
      tpu.enqueue_dma source(%dma_start3A_73 : memref<80x128xi32, #tpu.memory_space<hbm>>) target(%arg7 : memref<80x128xi32, #tpu.memory_space<vmem>>) target_semaphore(%run_scoped3A : memref<!tpu.dma_semaphore, #tpu.memory_space<semaphore_mem>>)
      %dma_wait3A_74 = arith.constant 0 : i32
      %dma_wait3A_75 = tpu.memref_slice %arg3[%mul3A_2, %dma_wait3A_74] : memref<2560x128xi32, #tpu.memory_space<hbm>> -> memref<80x128xi32, #tpu.memory_space<hbm>>
      %dma_wait3A_76 = arith.constant 0 : i32
      %dma_wait3A_77 = tpu.memref_slice %arg3[%mul3A_2, %dma_wait3A_76] : memref<2560x128xi32, #tpu.memory_space<hbm>> -> memref<80x128xi32, #tpu.memory_space<hbm>>
      tpu.wait_dma2 semaphore(%run_scoped3A : memref<!tpu.dma_semaphore, #tpu.memory_space<semaphore_mem>>) src(%dma_wait3A_77 : memref<80x128xi32, #tpu.memory_space<hbm>>) dst(%arg7 : memref<80x128xi32, #tpu.memory_space<vmem>>)
      tpu.yield
    }) : () -> ()
    %mul3A_3 = arith.constant 80 : i32
    %mul3A_4 = arith.muli %add3A, %mul3A_3 : i32
    "tpu.region"() ({
      %run_scoped3A = tpu.sem_alloc : memref<!tpu.dma_semaphore, #tpu.memory_space<semaphore_mem>>
      %dma_start3A_70 = arith.constant 0 : i32
      %dma_start3A_71 = tpu.memref_slice %arg4[%mul3A_4, %dma_start3A_70] : memref<2560x128xi32, #tpu.memory_space<hbm>> -> memref<80x128xi32, #tpu.memory_space<hbm>>
      %dma_start3A_72 = arith.constant 0 : i32
      %dma_start3A_73 = tpu.memref_slice %arg4[%mul3A_4, %dma_start3A_72] : memref<2560x128xi32, #tpu.memory_space<hbm>> -> memref<80x128xi32, #tpu.memory_space<hbm>>
      tpu.enqueue_dma source(%dma_start3A_73 : memref<80x128xi32, #tpu.memory_space<hbm>>) target(%arg8 : memref<80x128xi32, #tpu.memory_space<vmem>>) target_semaphore(%run_scoped3A : memref<!tpu.dma_semaphore, #tpu.memory_space<semaphore_mem>>)
      %dma_wait3A_74 = arith.constant 0 : i32
      %dma_wait3A_75 = tpu.memref_slice %arg4[%mul3A_4, %dma_wait3A_74] : memref<2560x128xi32, #tpu.memory_space<hbm>> -> memref<80x128xi32, #tpu.memory_space<hbm>>
      %dma_wait3A_76 = arith.constant 0 : i32
      %dma_wait3A_77 = tpu.memref_slice %arg4[%mul3A_4, %dma_wait3A_76] : memref<2560x128xi32, #tpu.memory_space<hbm>> -> memref<80x128xi32, #tpu.memory_space<hbm>>
      tpu.wait_dma2 semaphore(%run_scoped3A : memref<!tpu.dma_semaphore, #tpu.memory_space<semaphore_mem>>) src(%dma_wait3A_77 : memref<80x128xi32, #tpu.memory_space<hbm>>) dst(%arg8 : memref<80x128xi32, #tpu.memory_space<vmem>>)
      tpu.yield
    }) : () -> ()
    %mul3A_5 = arith.constant 10240 : i32
    %mul3A_6 = arith.muli %add3A, %mul3A_5 : i32
    %dma_start3A = arith.constant 0 : i32
    %dma_start3A_7 = arith.constant 0 : i32
    %dma_start3A_8 = tpu.memref_slice %arg7[%dma_start3A, %dma_start3A_7] : memref<80x128xi32, #tpu.memory_space<vmem>> -> memref<1x128xi32, #tpu.memory_space<vmem>>
    %dma_start3A_9 = tpu.memref_squeeze %dma_start3A_8 : memref<1x128xi32, #tpu.memory_space<vmem>> -> memref<128xi32, #tpu.memory_space<vmem>>
    %dma_start3A_10 = arith.constant 0 : i32
    %dma_start3A_11 = arith.constant 0 : i32
    %dma_start3A_12 = tpu.memref_slice %arg2[%dma_start3A_10, %dma_start3A_11] : memref<10000x128xf32, #tpu.memory_space<hbm>> -> memref<10000x128xf32, #tpu.memory_space<hbm>>
    tpu.enqueue_indirect_dma source(%dma_start3A_12 : memref<10000x128xf32, #tpu.memory_space<hbm>>) target(%arg9 : memref<128x128xf32, #tpu.memory_space<vmem>>) offsets(%dma_start3A_9 : memref<128xi32, #tpu.memory_space<vmem>>) semaphore(%arg13 : memref<!tpu.dma_semaphore, #tpu.memory_space<semaphore_mem>>)
    %dma_start3A_13 = arith.constant 0 : i32
    %dma_start3A_14 = arith.constant 0 : i32
    %dma_start3A_15 = tpu.memref_slice %arg8[%dma_start3A_13, %dma_start3A_14] : memref<80x128xi32, #tpu.memory_space<vmem>> -> memref<1x128xi32, #tpu.memory_space<vmem>>
    %dma_start3A_16 = tpu.memref_squeeze %dma_start3A_15 : memref<1x128xi32, #tpu.memory_space<vmem>> -> memref<128xi32, #tpu.memory_space<vmem>>
    %dma_start3A_17 = arith.constant 0 : i32
    %dma_start3A_18 = arith.constant 0 : i32
    %dma_start3A_19 = tpu.memref_slice %arg2[%dma_start3A_17, %dma_start3A_18] : memref<10000x128xf32, #tpu.memory_space<hbm>> -> memref<10000x128xf32, #tpu.memory_space<hbm>>
    tpu.enqueue_indirect_dma source(%dma_start3A_19 : memref<10000x128xf32, #tpu.memory_space<hbm>>) target(%arg11 : memref<128x128xf32, #tpu.memory_space<vmem>>) offsets(%dma_start3A_16 : memref<128xi32, #tpu.memory_space<vmem>>) semaphore(%arg15 : memref<!tpu.dma_semaphore, #tpu.memory_space<semaphore_mem>>)
    %dma_start3A_20 = arith.constant 1 : i32
    %dma_start3A_21 = arith.constant 0 : i32
    %dma_start3A_22 = tpu.memref_slice %arg7[%dma_start3A_20, %dma_start3A_21] : memref<80x128xi32, #tpu.memory_space<vmem>> -> memref<1x128xi32, #tpu.memory_space<vmem>>
    %dma_start3A_23 = tpu.memref_squeeze %dma_start3A_22 : memref<1x128xi32, #tpu.memory_space<vmem>> -> memref<128xi32, #tpu.memory_space<vmem>>
    %dma_start3A_24 = arith.constant 0 : i32
    %dma_start3A_25 = arith.constant 0 : i32
    %dma_start3A_26 = tpu.memref_slice %arg2[%dma_start3A_24, %dma_start3A_25] : memref<10000x128xf32, #tpu.memory_space<hbm>> -> memref<10000x128xf32, #tpu.memory_space<hbm>>
    tpu.enqueue_indirect_dma source(%dma_start3A_26 : memref<10000x128xf32, #tpu.memory_space<hbm>>) target(%arg10 : memref<128x128xf32, #tpu.memory_space<vmem>>) offsets(%dma_start3A_23 : memref<128xi32, #tpu.memory_space<vmem>>) semaphore(%arg14 : memref<!tpu.dma_semaphore, #tpu.memory_space<semaphore_mem>>)
    %dma_start3A_27 = arith.constant 1 : i32
    %dma_start3A_28 = arith.constant 0 : i32
    %dma_start3A_29 = tpu.memref_slice %arg8[%dma_start3A_27, %dma_start3A_28] : memref<80x128xi32, #tpu.memory_space<vmem>> -> memref<1x128xi32, #tpu.memory_space<vmem>>
    %dma_start3A_30 = tpu.memref_squeeze %dma_start3A_29 : memref<1x128xi32, #tpu.memory_space<vmem>> -> memref<128xi32, #tpu.memory_space<vmem>>
    %dma_start3A_31 = arith.constant 0 : i32
    %dma_start3A_32 = arith.constant 0 : i32
    %dma_start3A_33 = tpu.memref_slice %arg2[%dma_start3A_31, %dma_start3A_32] : memref<10000x128xf32, #tpu.memory_space<hbm>> -> memref<10000x128xf32, #tpu.memory_space<hbm>>
    tpu.enqueue_indirect_dma source(%dma_start3A_33 : memref<10000x128xf32, #tpu.memory_space<hbm>>) target(%arg12 : memref<128x128xf32, #tpu.memory_space<vmem>>) offsets(%dma_start3A_30 : memref<128xi32, #tpu.memory_space<vmem>>) semaphore(%arg16 : memref<!tpu.dma_semaphore, #tpu.memory_space<semaphore_mem>>)
    %scan3A = arith.constant 0 : i32
    %scan3A_34 = arith.constant 0 : i32
    %scan3A_35 = arith.constant 39 : i32
    %scan3A_36 = arith.addi %scan3A_34, %scan3A_35 : i32
    %scan3A_37 = arith.constant 1 : i32
    scf.for %scan3A_70 = %scan3A_34 to %scan3A_36 step %scan3A_37  : i32 {
      %mul3A_71 = arith.constant 2 : i32
      %mul3A_72 = arith.muli %mul3A_71, %scan3A_70 : i32
      %add3A_73 = arith.constant 0 : i32
      %add3A_74 = arith.addi %mul3A_72, %add3A_73 : i32
      %mul3A_75 = arith.constant 128 : i32
      %mul3A_76 = arith.muli %add3A_74, %mul3A_75 : i32
      %add3A_77 = arith.addi %mul3A_6, %mul3A_76 : i32
      %add3A_78 = arith.constant 0 : i32
      %add3A_79 = arith.addi %mul3A_72, %add3A_78 : i32
      %dma_wait3A_80 = arith.constant 0 : i32
      %dma_wait3A_81 = tpu.memref_slice %arg7[%add3A_79, %dma_wait3A_80] : memref<80x128xi32, #tpu.memory_space<vmem>> -> memref<1x128xi32, #tpu.memory_space<vmem>>
      %dma_wait3A_82 = tpu.memref_squeeze %dma_wait3A_81 : memref<1x128xi32, #tpu.memory_space<vmem>> -> memref<128xi32, #tpu.memory_space<vmem>>
      %dma_wait3A_83 = arith.constant 0 : i32
      %dma_wait3A_84 = arith.constant 0 : i32
      %dma_wait3A_85 = tpu.memref_slice %arg2[%dma_wait3A_83, %dma_wait3A_84] : memref<10000x128xf32, #tpu.memory_space<hbm>> -> memref<10000x128xf32, #tpu.memory_space<hbm>>
      tpu.wait_indirect_dma semaphore(%arg13 : memref<!tpu.dma_semaphore, #tpu.memory_space<semaphore_mem>>) src(%dma_wait3A_85 : memref<10000x128xf32, #tpu.memory_space<hbm>>) dst(%arg9 : memref<128x128xf32, #tpu.memory_space<vmem>>)
      "tpu.region"() ({
        %run_scoped3A = tpu.sem_alloc : memref<!tpu.dma_semaphore, #tpu.memory_space<semaphore_mem>>
        %dma_start3A_155 = arith.constant 0 : i32
        %dma_start3A_156 = tpu.memref_slice %arg5[%add3A_77, %dma_start3A_155] : memref<327680x128xf32, #tpu.memory_space<hbm>> -> memref<128x128xf32, #tpu.memory_space<hbm>>
        %dma_start3A_157 = arith.constant 0 : i32
        %dma_start3A_158 = tpu.memref_slice %arg5[%add3A_77, %dma_start3A_157] : memref<327680x128xf32, #tpu.memory_space<hbm>> -> memref<128x128xf32, #tpu.memory_space<hbm>>
        tpu.enqueue_dma source(%arg9 : memref<128x128xf32, #tpu.memory_space<vmem>>) target(%dma_start3A_158 : memref<128x128xf32, #tpu.memory_space<hbm>>) target_semaphore(%run_scoped3A : memref<!tpu.dma_semaphore, #tpu.memory_space<semaphore_mem>>)
        %dma_wait3A_159 = arith.constant 0 : i32
        %dma_wait3A_160 = tpu.memref_slice %arg5[%add3A_77, %dma_wait3A_159] : memref<327680x128xf32, #tpu.memory_space<hbm>> -> memref<128x128xf32, #tpu.memory_space<hbm>>
        %dma_wait3A_161 = arith.constant 0 : i32
        %dma_wait3A_162 = tpu.memref_slice %arg5[%add3A_77, %dma_wait3A_161] : memref<327680x128xf32, #tpu.memory_space<hbm>> -> memref<128x128xf32, #tpu.memory_space<hbm>>
        tpu.wait_dma2 semaphore(%run_scoped3A : memref<!tpu.dma_semaphore, #tpu.memory_space<semaphore_mem>>) src(%arg9 : memref<128x128xf32, #tpu.memory_space<vmem>>) dst(%dma_wait3A_162 : memref<128x128xf32, #tpu.memory_space<hbm>>)
        tpu.yield
      }) : () -> ()
      %add3A_86 = arith.constant 0 : i32
      %add3A_87 = arith.addi %mul3A_72, %add3A_86 : i32
      %add3A_88 = arith.constant 2 : i32
      %add3A_89 = arith.addi %add3A_87, %add3A_88 : i32
      %dma_start3A_90 = arith.constant 0 : i32
      %dma_start3A_91 = tpu.memref_slice %arg7[%add3A_89, %dma_start3A_90] : memref<80x128xi32, #tpu.memory_space<vmem>> -> memref<1x128xi32, #tpu.memory_space<vmem>>
      %dma_start3A_92 = tpu.memref_squeeze %dma_start3A_91 : memref<1x128xi32, #tpu.memory_space<vmem>> -> memref<128xi32, #tpu.memory_space<vmem>>
      %dma_start3A_93 = arith.constant 0 : i32
      %dma_start3A_94 = arith.constant 0 : i32
      %dma_start3A_95 = tpu.memref_slice %arg2[%dma_start3A_93, %dma_start3A_94] : memref<10000x128xf32, #tpu.memory_space<hbm>> -> memref<10000x128xf32, #tpu.memory_space<hbm>>
      tpu.enqueue_indirect_dma source(%dma_start3A_95 : memref<10000x128xf32, #tpu.memory_space<hbm>>) target(%arg9 : memref<128x128xf32, #tpu.memory_space<vmem>>) offsets(%dma_start3A_92 : memref<128xi32, #tpu.memory_space<vmem>>) semaphore(%arg13 : memref<!tpu.dma_semaphore, #tpu.memory_space<semaphore_mem>>)
      %add3A_96 = arith.constant 0 : i32
      %add3A_97 = arith.addi %mul3A_72, %add3A_96 : i32
      %dma_wait3A_98 = arith.constant 0 : i32
      %dma_wait3A_99 = tpu.memref_slice %arg8[%add3A_97, %dma_wait3A_98] : memref<80x128xi32, #tpu.memory_space<vmem>> -> memref<1x128xi32, #tpu.memory_space<vmem>>
      %dma_wait3A_100 = tpu.memref_squeeze %dma_wait3A_99 : memref<1x128xi32, #tpu.memory_space<vmem>> -> memref<128xi32, #tpu.memory_space<vmem>>
      %dma_wait3A_101 = arith.constant 0 : i32
      %dma_wait3A_102 = arith.constant 0 : i32
      %dma_wait3A_103 = tpu.memref_slice %arg2[%dma_wait3A_101, %dma_wait3A_102] : memref<10000x128xf32, #tpu.memory_space<hbm>> -> memref<10000x128xf32, #tpu.memory_space<hbm>>
      tpu.wait_indirect_dma semaphore(%arg15 : memref<!tpu.dma_semaphore, #tpu.memory_space<semaphore_mem>>) src(%dma_wait3A_103 : memref<10000x128xf32, #tpu.memory_space<hbm>>) dst(%arg11 : memref<128x128xf32, #tpu.memory_space<vmem>>)
      "tpu.region"() ({
        %run_scoped3A = tpu.sem_alloc : memref<!tpu.dma_semaphore, #tpu.memory_space<semaphore_mem>>
        %dma_start3A_155 = arith.constant 0 : i32
        %dma_start3A_156 = tpu.memref_slice %arg6[%add3A_77, %dma_start3A_155] : memref<327680x128xf32, #tpu.memory_space<hbm>> -> memref<128x128xf32, #tpu.memory_space<hbm>>
        %dma_start3A_157 = arith.constant 0 : i32
        %dma_start3A_158 = tpu.memref_slice %arg6[%add3A_77, %dma_start3A_157] : memref<327680x128xf32, #tpu.memory_space<hbm>> -> memref<128x128xf32, #tpu.memory_space<hbm>>
        tpu.enqueue_dma source(%arg11 : memref<128x128xf32, #tpu.memory_space<vmem>>) target(%dma_start3A_158 : memref<128x128xf32, #tpu.memory_space<hbm>>) target_semaphore(%run_scoped3A : memref<!tpu.dma_semaphore, #tpu.memory_space<semaphore_mem>>)
        %dma_wait3A_159 = arith.constant 0 : i32
        %dma_wait3A_160 = tpu.memref_slice %arg6[%add3A_77, %dma_wait3A_159] : memref<327680x128xf32, #tpu.memory_space<hbm>> -> memref<128x128xf32, #tpu.memory_space<hbm>>
        %dma_wait3A_161 = arith.constant 0 : i32
        %dma_wait3A_162 = tpu.memref_slice %arg6[%add3A_77, %dma_wait3A_161] : memref<327680x128xf32, #tpu.memory_space<hbm>> -> memref<128x128xf32, #tpu.memory_space<hbm>>
        tpu.wait_dma2 semaphore(%run_scoped3A : memref<!tpu.dma_semaphore, #tpu.memory_space<semaphore_mem>>) src(%arg11 : memref<128x128xf32, #tpu.memory_space<vmem>>) dst(%dma_wait3A_162 : memref<128x128xf32, #tpu.memory_space<hbm>>)
        tpu.yield
      }) : () -> ()
      %add3A_104 = arith.constant 0 : i32
      %add3A_105 = arith.addi %mul3A_72, %add3A_104 : i32
      %add3A_106 = arith.constant 2 : i32
      %add3A_107 = arith.addi %add3A_105, %add3A_106 : i32
      %dma_start3A_108 = arith.constant 0 : i32
      %dma_start3A_109 = tpu.memref_slice %arg8[%add3A_107, %dma_start3A_108] : memref<80x128xi32, #tpu.memory_space<vmem>> -> memref<1x128xi32, #tpu.memory_space<vmem>>
      %dma_start3A_110 = tpu.memref_squeeze %dma_start3A_109 : memref<1x128xi32, #tpu.memory_space<vmem>> -> memref<128xi32, #tpu.memory_space<vmem>>
      %dma_start3A_111 = arith.constant 0 : i32
      %dma_start3A_112 = arith.constant 0 : i32
      %dma_start3A_113 = tpu.memref_slice %arg2[%dma_start3A_111, %dma_start3A_112] : memref<10000x128xf32, #tpu.memory_space<hbm>> -> memref<10000x128xf32, #tpu.memory_space<hbm>>
      tpu.enqueue_indirect_dma source(%dma_start3A_113 : memref<10000x128xf32, #tpu.memory_space<hbm>>) target(%arg11 : memref<128x128xf32, #tpu.memory_space<vmem>>) offsets(%dma_start3A_110 : memref<128xi32, #tpu.memory_space<vmem>>) semaphore(%arg15 : memref<!tpu.dma_semaphore, #tpu.memory_space<semaphore_mem>>)
      %add3A_114 = arith.constant 1 : i32
      %add3A_115 = arith.addi %mul3A_72, %add3A_114 : i32
      %mul3A_116 = arith.constant 128 : i32
      %mul3A_117 = arith.muli %add3A_115, %mul3A_116 : i32
      %add3A_118 = arith.addi %mul3A_6, %mul3A_117 : i32
      %add3A_119 = arith.constant 1 : i32
      %add3A_120 = arith.addi %mul3A_72, %add3A_119 : i32
      %dma_wait3A_121 = arith.constant 0 : i32
      %dma_wait3A_122 = tpu.memref_slice %arg7[%add3A_120, %dma_wait3A_121] : memref<80x128xi32, #tpu.memory_space<vmem>> -> memref<1x128xi32, #tpu.memory_space<vmem>>
      %dma_wait3A_123 = tpu.memref_squeeze %dma_wait3A_122 : memref<1x128xi32, #tpu.memory_space<vmem>> -> memref<128xi32, #tpu.memory_space<vmem>>
      %dma_wait3A_124 = arith.constant 0 : i32
      %dma_wait3A_125 = arith.constant 0 : i32
      %dma_wait3A_126 = tpu.memref_slice %arg2[%dma_wait3A_124, %dma_wait3A_125] : memref<10000x128xf32, #tpu.memory_space<hbm>> -> memref<10000x128xf32, #tpu.memory_space<hbm>>
      tpu.wait_indirect_dma semaphore(%arg14 : memref<!tpu.dma_semaphore, #tpu.memory_space<semaphore_mem>>) src(%dma_wait3A_126 : memref<10000x128xf32, #tpu.memory_space<hbm>>) dst(%arg10 : memref<128x128xf32, #tpu.memory_space<vmem>>)
      "tpu.region"() ({
        %run_scoped3A = tpu.sem_alloc : memref<!tpu.dma_semaphore, #tpu.memory_space<semaphore_mem>>
        %dma_start3A_155 = arith.constant 0 : i32
        %dma_start3A_156 = tpu.memref_slice %arg5[%add3A_118, %dma_start3A_155] : memref<327680x128xf32, #tpu.memory_space<hbm>> -> memref<128x128xf32, #tpu.memory_space<hbm>>
        %dma_start3A_157 = arith.constant 0 : i32
        %dma_start3A_158 = tpu.memref_slice %arg5[%add3A_118, %dma_start3A_157] : memref<327680x128xf32, #tpu.memory_space<hbm>> -> memref<128x128xf32, #tpu.memory_space<hbm>>
        tpu.enqueue_dma source(%arg10 : memref<128x128xf32, #tpu.memory_space<vmem>>) target(%dma_start3A_158 : memref<128x128xf32, #tpu.memory_space<hbm>>) target_semaphore(%run_scoped3A : memref<!tpu.dma_semaphore, #tpu.memory_space<semaphore_mem>>)
        %dma_wait3A_159 = arith.constant 0 : i32
        %dma_wait3A_160 = tpu.memref_slice %arg5[%add3A_118, %dma_wait3A_159] : memref<327680x128xf32, #tpu.memory_space<hbm>> -> memref<128x128xf32, #tpu.memory_space<hbm>>
        %dma_wait3A_161 = arith.constant 0 : i32
        %dma_wait3A_162 = tpu.memref_slice %arg5[%add3A_118, %dma_wait3A_161] : memref<327680x128xf32, #tpu.memory_space<hbm>> -> memref<128x128xf32, #tpu.memory_space<hbm>>
        tpu.wait_dma2 semaphore(%run_scoped3A : memref<!tpu.dma_semaphore, #tpu.memory_space<semaphore_mem>>) src(%arg10 : memref<128x128xf32, #tpu.memory_space<vmem>>) dst(%dma_wait3A_162 : memref<128x128xf32, #tpu.memory_space<hbm>>)
        tpu.yield
      }) : () -> ()
      %add3A_127 = arith.constant 1 : i32
      %add3A_128 = arith.addi %mul3A_72, %add3A_127 : i32
      %add3A_129 = arith.constant 2 : i32
      %add3A_130 = arith.addi %add3A_128, %add3A_129 : i32
      %dma_start3A_131 = arith.constant 0 : i32
      %dma_start3A_132 = tpu.memref_slice %arg7[%add3A_130, %dma_start3A_131] : memref<80x128xi32, #tpu.memory_space<vmem>> -> memref<1x128xi32, #tpu.memory_space<vmem>>
      %dma_start3A_133 = tpu.memref_squeeze %dma_start3A_132 : memref<1x128xi32, #tpu.memory_space<vmem>> -> memref<128xi32, #tpu.memory_space<vmem>>
      %dma_start3A_134 = arith.constant 0 : i32
      %dma_start3A_135 = arith.constant 0 : i32
      %dma_start3A_136 = tpu.memref_slice %arg2[%dma_start3A_134, %dma_start3A_135] : memref<10000x128xf32, #tpu.memory_space<hbm>> -> memref<10000x128xf32, #tpu.memory_space<hbm>>
      tpu.enqueue_indirect_dma source(%dma_start3A_136 : memref<10000x128xf32, #tpu.memory_space<hbm>>) target(%arg10 : memref<128x128xf32, #tpu.memory_space<vmem>>) offsets(%dma_start3A_133 : memref<128xi32, #tpu.memory_space<vmem>>) semaphore(%arg14 : memref<!tpu.dma_semaphore, #tpu.memory_space<semaphore_mem>>)
      %add3A_137 = arith.constant 1 : i32
      %add3A_138 = arith.addi %mul3A_72, %add3A_137 : i32
      %dma_wait3A_139 = arith.constant 0 : i32
      %dma_wait3A_140 = tpu.memref_slice %arg8[%add3A_138, %dma_wait3A_139] : memref<80x128xi32, #tpu.memory_space<vmem>> -> memref<1x128xi32, #tpu.memory_space<vmem>>
      %dma_wait3A_141 = tpu.memref_squeeze %dma_wait3A_140 : memref<1x128xi32, #tpu.memory_space<vmem>> -> memref<128xi32, #tpu.memory_space<vmem>>
      %dma_wait3A_142 = arith.constant 0 : i32
      %dma_wait3A_143 = arith.constant 0 : i32
      %dma_wait3A_144 = tpu.memref_slice %arg2[%dma_wait3A_142, %dma_wait3A_143] : memref<10000x128xf32, #tpu.memory_space<hbm>> -> memref<10000x128xf32, #tpu.memory_space<hbm>>
      tpu.wait_indirect_dma semaphore(%arg16 : memref<!tpu.dma_semaphore, #tpu.memory_space<semaphore_mem>>) src(%dma_wait3A_144 : memref<10000x128xf32, #tpu.memory_space<hbm>>) dst(%arg12 : memref<128x128xf32, #tpu.memory_space<vmem>>)
      "tpu.region"() ({
        %run_scoped3A = tpu.sem_alloc : memref<!tpu.dma_semaphore, #tpu.memory_space<semaphore_mem>>
        %dma_start3A_155 = arith.constant 0 : i32
        %dma_start3A_156 = tpu.memref_slice %arg6[%add3A_118, %dma_start3A_155] : memref<327680x128xf32, #tpu.memory_space<hbm>> -> memref<128x128xf32, #tpu.memory_space<hbm>>
        %dma_start3A_157 = arith.constant 0 : i32
        %dma_start3A_158 = tpu.memref_slice %arg6[%add3A_118, %dma_start3A_157] : memref<327680x128xf32, #tpu.memory_space<hbm>> -> memref<128x128xf32, #tpu.memory_space<hbm>>
        tpu.enqueue_dma source(%arg12 : memref<128x128xf32, #tpu.memory_space<vmem>>) target(%dma_start3A_158 : memref<128x128xf32, #tpu.memory_space<hbm>>) target_semaphore(%run_scoped3A : memref<!tpu.dma_semaphore, #tpu.memory_space<semaphore_mem>>)
        %dma_wait3A_159 = arith.constant 0 : i32
        %dma_wait3A_160 = tpu.memref_slice %arg6[%add3A_118, %dma_wait3A_159] : memref<327680x128xf32, #tpu.memory_space<hbm>> -> memref<128x128xf32, #tpu.memory_space<hbm>>
        %dma_wait3A_161 = arith.constant 0 : i32
        %dma_wait3A_162 = tpu.memref_slice %arg6[%add3A_118, %dma_wait3A_161] : memref<327680x128xf32, #tpu.memory_space<hbm>> -> memref<128x128xf32, #tpu.memory_space<hbm>>
        tpu.wait_dma2 semaphore(%run_scoped3A : memref<!tpu.dma_semaphore, #tpu.memory_space<semaphore_mem>>) src(%arg12 : memref<128x128xf32, #tpu.memory_space<vmem>>) dst(%dma_wait3A_162 : memref<128x128xf32, #tpu.memory_space<hbm>>)
        tpu.yield
      }) : () -> ()
      %add3A_145 = arith.constant 1 : i32
      %add3A_146 = arith.addi %mul3A_72, %add3A_145 : i32
      %add3A_147 = arith.constant 2 : i32
      %add3A_148 = arith.addi %add3A_146, %add3A_147 : i32
      %dma_start3A_149 = arith.constant 0 : i32
      %dma_start3A_150 = tpu.memref_slice %arg8[%add3A_148, %dma_start3A_149] : memref<80x128xi32, #tpu.memory_space<vmem>> -> memref<1x128xi32, #tpu.memory_space<vmem>>
      %dma_start3A_151 = tpu.memref_squeeze %dma_start3A_150 : memref<1x128xi32, #tpu.memory_space<vmem>> -> memref<128xi32, #tpu.memory_space<vmem>>
      %dma_start3A_152 = arith.constant 0 : i32
      %dma_start3A_153 = arith.constant 0 : i32
      %dma_start3A_154 = tpu.memref_slice %arg2[%dma_start3A_152, %dma_start3A_153] : memref<10000x128xf32, #tpu.memory_space<hbm>> -> memref<10000x128xf32, #tpu.memory_space<hbm>>
      tpu.enqueue_indirect_dma source(%dma_start3A_154 : memref<10000x128xf32, #tpu.memory_space<hbm>>) target(%arg12 : memref<128x128xf32, #tpu.memory_space<vmem>>) offsets(%dma_start3A_151 : memref<128xi32, #tpu.memory_space<vmem>>) semaphore(%arg16 : memref<!tpu.dma_semaphore, #tpu.memory_space<semaphore_mem>>)
    }
    %scan3A_38 = arith.constant 39 : i32
    %add3A_39 = arith.constant 9984 : i32
    %add3A_40 = arith.addi %mul3A_6, %add3A_39 : i32
    %dma_wait3A = arith.constant 78 : i32
    %dma_wait3A_41 = arith.constant 0 : i32
    %dma_wait3A_42 = tpu.memref_slice %arg7[%dma_wait3A, %dma_wait3A_41] : memref<80x128xi32, #tpu.memory_space<vmem>> -> memref<1x128xi32, #tpu.memory_space<vmem>>
    %dma_wait3A_43 = tpu.memref_squeeze %dma_wait3A_42 : memref<1x128xi32, #tpu.memory_space<vmem>> -> memref<128xi32, #tpu.memory_space<vmem>>
    %dma_wait3A_44 = arith.constant 0 : i32
    %dma_wait3A_45 = arith.constant 0 : i32
    %dma_wait3A_46 = tpu.memref_slice %arg2[%dma_wait3A_44, %dma_wait3A_45] : memref<10000x128xf32, #tpu.memory_space<hbm>> -> memref<10000x128xf32, #tpu.memory_space<hbm>>
    tpu.wait_indirect_dma semaphore(%arg13 : memref<!tpu.dma_semaphore, #tpu.memory_space<semaphore_mem>>) src(%dma_wait3A_46 : memref<10000x128xf32, #tpu.memory_space<hbm>>) dst(%arg9 : memref<128x128xf32, #tpu.memory_space<vmem>>)
    "tpu.region"() ({
      %run_scoped3A = tpu.sem_alloc : memref<!tpu.dma_semaphore, #tpu.memory_space<semaphore_mem>>
      %dma_start3A_70 = arith.constant 0 : i32
      %dma_start3A_71 = tpu.memref_slice %arg5[%add3A_40, %dma_start3A_70] : memref<327680x128xf32, #tpu.memory_space<hbm>> -> memref<128x128xf32, #tpu.memory_space<hbm>>
      %dma_start3A_72 = arith.constant 0 : i32
      %dma_start3A_73 = tpu.memref_slice %arg5[%add3A_40, %dma_start3A_72] : memref<327680x128xf32, #tpu.memory_space<hbm>> -> memref<128x128xf32, #tpu.memory_space<hbm>>
      tpu.enqueue_dma source(%arg9 : memref<128x128xf32, #tpu.memory_space<vmem>>) target(%dma_start3A_73 : memref<128x128xf32, #tpu.memory_space<hbm>>) target_semaphore(%run_scoped3A : memref<!tpu.dma_semaphore, #tpu.memory_space<semaphore_mem>>)
      %dma_wait3A_74 = arith.constant 0 : i32
      %dma_wait3A_75 = tpu.memref_slice %arg5[%add3A_40, %dma_wait3A_74] : memref<327680x128xf32, #tpu.memory_space<hbm>> -> memref<128x128xf32, #tpu.memory_space<hbm>>
      %dma_wait3A_76 = arith.constant 0 : i32
      %dma_wait3A_77 = tpu.memref_slice %arg5[%add3A_40, %dma_wait3A_76] : memref<327680x128xf32, #tpu.memory_space<hbm>> -> memref<128x128xf32, #tpu.memory_space<hbm>>
      tpu.wait_dma2 semaphore(%run_scoped3A : memref<!tpu.dma_semaphore, #tpu.memory_space<semaphore_mem>>) src(%arg9 : memref<128x128xf32, #tpu.memory_space<vmem>>) dst(%dma_wait3A_77 : memref<128x128xf32, #tpu.memory_space<hbm>>)
      tpu.yield
    }) : () -> ()
    %dma_wait3A_47 = arith.constant 78 : i32
    %dma_wait3A_48 = arith.constant 0 : i32
    %dma_wait3A_49 = tpu.memref_slice %arg8[%dma_wait3A_47, %dma_wait3A_48] : memref<80x128xi32, #tpu.memory_space<vmem>> -> memref<1x128xi32, #tpu.memory_space<vmem>>
    %dma_wait3A_50 = tpu.memref_squeeze %dma_wait3A_49 : memref<1x128xi32, #tpu.memory_space<vmem>> -> memref<128xi32, #tpu.memory_space<vmem>>
    %dma_wait3A_51 = arith.constant 0 : i32
    %dma_wait3A_52 = arith.constant 0 : i32
    %dma_wait3A_53 = tpu.memref_slice %arg2[%dma_wait3A_51, %dma_wait3A_52] : memref<10000x128xf32, #tpu.memory_space<hbm>> -> memref<10000x128xf32, #tpu.memory_space<hbm>>
    tpu.wait_indirect_dma semaphore(%arg15 : memref<!tpu.dma_semaphore, #tpu.memory_space<semaphore_mem>>) src(%dma_wait3A_53 : memref<10000x128xf32, #tpu.memory_space<hbm>>) dst(%arg11 : memref<128x128xf32, #tpu.memory_space<vmem>>)
    "tpu.region"() ({
      %run_scoped3A = tpu.sem_alloc : memref<!tpu.dma_semaphore, #tpu.memory_space<semaphore_mem>>
      %dma_start3A_70 = arith.constant 0 : i32
      %dma_start3A_71 = tpu.memref_slice %arg6[%add3A_40, %dma_start3A_70] : memref<327680x128xf32, #tpu.memory_space<hbm>> -> memref<128x128xf32, #tpu.memory_space<hbm>>
      %dma_start3A_72 = arith.constant 0 : i32
      %dma_start3A_73 = tpu.memref_slice %arg6[%add3A_40, %dma_start3A_72] : memref<327680x128xf32, #tpu.memory_space<hbm>> -> memref<128x128xf32, #tpu.memory_space<hbm>>
      tpu.enqueue_dma source(%arg11 : memref<128x128xf32, #tpu.memory_space<vmem>>) target(%dma_start3A_73 : memref<128x128xf32, #tpu.memory_space<hbm>>) target_semaphore(%run_scoped3A : memref<!tpu.dma_semaphore, #tpu.memory_space<semaphore_mem>>)
      %dma_wait3A_74 = arith.constant 0 : i32
      %dma_wait3A_75 = tpu.memref_slice %arg6[%add3A_40, %dma_wait3A_74] : memref<327680x128xf32, #tpu.memory_space<hbm>> -> memref<128x128xf32, #tpu.memory_space<hbm>>
      %dma_wait3A_76 = arith.constant 0 : i32
      %dma_wait3A_77 = tpu.memref_slice %arg6[%add3A_40, %dma_wait3A_76] : memref<327680x128xf32, #tpu.memory_space<hbm>> -> memref<128x128xf32, #tpu.memory_space<hbm>>
      tpu.wait_dma2 semaphore(%run_scoped3A : memref<!tpu.dma_semaphore, #tpu.memory_space<semaphore_mem>>) src(%arg11 : memref<128x128xf32, #tpu.memory_space<vmem>>) dst(%dma_wait3A_77 : memref<128x128xf32, #tpu.memory_space<hbm>>)
      tpu.yield
    }) : () -> ()
    %add3A_54 = arith.constant 10112 : i32
    %add3A_55 = arith.addi %mul3A_6, %add3A_54 : i32
    %dma_wait3A_56 = arith.constant 79 : i32
    %dma_wait3A_57 = arith.constant 0 : i32
    %dma_wait3A_58 = tpu.memref_slice %arg7[%dma_wait3A_56, %dma_wait3A_57] : memref<80x128xi32, #tpu.memory_space<vmem>> -> memref<1x128xi32, #tpu.memory_space<vmem>>
    %dma_wait3A_59 = tpu.memref_squeeze %dma_wait3A_58 : memref<1x128xi32, #tpu.memory_space<vmem>> -> memref<128xi32, #tpu.memory_space<vmem>>
    %dma_wait3A_60 = arith.constant 0 : i32
    %dma_wait3A_61 = arith.constant 0 : i32
    %dma_wait3A_62 = tpu.memref_slice %arg2[%dma_wait3A_60, %dma_wait3A_61] : memref<10000x128xf32, #tpu.memory_space<hbm>> -> memref<10000x128xf32, #tpu.memory_space<hbm>>
    tpu.wait_indirect_dma semaphore(%arg14 : memref<!tpu.dma_semaphore, #tpu.memory_space<semaphore_mem>>) src(%dma_wait3A_62 : memref<10000x128xf32, #tpu.memory_space<hbm>>) dst(%arg10 : memref<128x128xf32, #tpu.memory_space<vmem>>)
    "tpu.region"() ({
      %run_scoped3A = tpu.sem_alloc : memref<!tpu.dma_semaphore, #tpu.memory_space<semaphore_mem>>
      %dma_start3A_70 = arith.constant 0 : i32
      %dma_start3A_71 = tpu.memref_slice %arg5[%add3A_55, %dma_start3A_70] : memref<327680x128xf32, #tpu.memory_space<hbm>> -> memref<128x128xf32, #tpu.memory_space<hbm>>
      %dma_start3A_72 = arith.constant 0 : i32
      %dma_start3A_73 = tpu.memref_slice %arg5[%add3A_55, %dma_start3A_72] : memref<327680x128xf32, #tpu.memory_space<hbm>> -> memref<128x128xf32, #tpu.memory_space<hbm>>
      tpu.enqueue_dma source(%arg10 : memref<128x128xf32, #tpu.memory_space<vmem>>) target(%dma_start3A_73 : memref<128x128xf32, #tpu.memory_space<hbm>>) target_semaphore(%run_scoped3A : memref<!tpu.dma_semaphore, #tpu.memory_space<semaphore_mem>>)
      %dma_wait3A_74 = arith.constant 0 : i32
      %dma_wait3A_75 = tpu.memref_slice %arg5[%add3A_55, %dma_wait3A_74] : memref<327680x128xf32, #tpu.memory_space<hbm>> -> memref<128x128xf32, #tpu.memory_space<hbm>>
      %dma_wait3A_76 = arith.constant 0 : i32
      %dma_wait3A_77 = tpu.memref_slice %arg5[%add3A_55, %dma_wait3A_76] : memref<327680x128xf32, #tpu.memory_space<hbm>> -> memref<128x128xf32, #tpu.memory_space<hbm>>
      tpu.wait_dma2 semaphore(%run_scoped3A : memref<!tpu.dma_semaphore, #tpu.memory_space<semaphore_mem>>) src(%arg10 : memref<128x128xf32, #tpu.memory_space<vmem>>) dst(%dma_wait3A_77 : memref<128x128xf32, #tpu.memory_space<hbm>>)
      tpu.yield
    }) : () -> ()
    %dma_wait3A_63 = arith.constant 79 : i32
    %dma_wait3A_64 = arith.constant 0 : i32
    %dma_wait3A_65 = tpu.memref_slice %arg8[%dma_wait3A_63, %dma_wait3A_64] : memref<80x128xi32, #tpu.memory_space<vmem>> -> memref<1x128xi32, #tpu.memory_space<vmem>>
    %dma_wait3A_66 = tpu.memref_squeeze %dma_wait3A_65 : memref<1x128xi32, #tpu.memory_space<vmem>> -> memref<128xi32, #tpu.memory_space<vmem>>
    %dma_wait3A_67 = arith.constant 0 : i32
    %dma_wait3A_68 = arith.constant 0 : i32
    %dma_wait3A_69 = tpu.memref_slice %arg2[%dma_wait3A_67, %dma_wait3A_68] : memref<10000x128xf32, #tpu.memory_space<hbm>> -> memref<10000x128xf32, #tpu.memory_space<hbm>>
    tpu.wait_indirect_dma semaphore(%arg16 : memref<!tpu.dma_semaphore, #tpu.memory_space<semaphore_mem>>) src(%dma_wait3A_69 : memref<10000x128xf32, #tpu.memory_space<hbm>>) dst(%arg12 : memref<128x128xf32, #tpu.memory_space<vmem>>)
    "tpu.region"() ({
      %run_scoped3A = tpu.sem_alloc : memref<!tpu.dma_semaphore, #tpu.memory_space<semaphore_mem>>
      %dma_start3A_70 = arith.constant 0 : i32
      %dma_start3A_71 = tpu.memref_slice %arg6[%add3A_55, %dma_start3A_70] : memref<327680x128xf32, #tpu.memory_space<hbm>> -> memref<128x128xf32, #tpu.memory_space<hbm>>
      %dma_start3A_72 = arith.constant 0 : i32
      %dma_start3A_73 = tpu.memref_slice %arg6[%add3A_55, %dma_start3A_72] : memref<327680x128xf32, #tpu.memory_space<hbm>> -> memref<128x128xf32, #tpu.memory_space<hbm>>
      tpu.enqueue_dma source(%arg12 : memref<128x128xf32, #tpu.memory_space<vmem>>) target(%dma_start3A_73 : memref<128x128xf32, #tpu.memory_space<hbm>>) target_semaphore(%run_scoped3A : memref<!tpu.dma_semaphore, #tpu.memory_space<semaphore_mem>>)
      %dma_wait3A_74 = arith.constant 0 : i32
      %dma_wait3A_75 = tpu.memref_slice %arg6[%add3A_55, %dma_wait3A_74] : memref<327680x128xf32, #tpu.memory_space<hbm>> -> memref<128x128xf32, #tpu.memory_space<hbm>>
      %dma_wait3A_76 = arith.constant 0 : i32
      %dma_wait3A_77 = tpu.memref_slice %arg6[%add3A_55, %dma_wait3A_76] : memref<327680x128xf32, #tpu.memory_space<hbm>> -> memref<128x128xf32, #tpu.memory_space<hbm>>
      tpu.wait_dma2 semaphore(%run_scoped3A : memref<!tpu.dma_semaphore, #tpu.memory_space<semaphore_mem>>) src(%arg12 : memref<128x128xf32, #tpu.memory_space<vmem>>) dst(%dma_wait3A_77 : memref<128x128xf32, #tpu.memory_space<hbm>>)
      tpu.yield
    }) : () -> ()
    return
  }
}

#map = affine_map<(d0, d1) -> (0, 0)>
#map1 = affine_map<(d0, d1) -> (0, 0, 0)>
module attributes {stable_mosaic.version = 14 : i64} {
  func.func @body(%arg0: i32, %arg1: i32, %arg2: memref<327680x48xf32, #tpu.memory_space<hbm>>, %arg3: memref<2560x128xi32, #tpu.memory_space<hbm>>, %arg4: memref<10240x48xf32, #tpu.memory_space<hbm>>, %arg5: memref<2x10240x48xf32, #tpu.memory_space<hbm>>, %arg6: memref<80x128xi32, #tpu.memory_space<vmem>>, %arg7: memref<128x48xf32, #tpu.memory_space<vmem>>, %arg8: memref<10240x48xf32, #tpu.memory_space<vmem_shared>>) attributes {dimension_semantics = [#tpu.dimension_semantics<core_parallel>, #tpu.dimension_semantics<subcore_parallel>], iteration_bounds = array<i64: 2, 16>, scalar_prefetch = 0 : i64, scratch_operands = 3 : i64, tpu.core_type = #tpu.core_type<sc_vector_subcore>, window_params = [{transform_indices = #map}, {transform_indices = #map}, {transform_indices = #map}, {transform_indices = #map1}]} {
    %mul3A = arith.constant 2 : i32
    %mul3A_0 = arith.muli %arg1, %mul3A : i32
    %add3A = arith.addi %mul3A_0, %arg0 : i32
    %mul3A_1 = arith.constant 640 : i32
    %mul3A_2 = arith.muli %arg1, %mul3A_1 : i32
    %scan3A = arith.constant 0 : i32
    %scan3A_3 = arith.constant 0 : i32
    %scan3A_4 = arith.constant 5 : i32
    %scan3A_5 = arith.addi %scan3A_3, %scan3A_4 : i32
    %scan3A_6 = arith.constant 1 : i32
    scf.for %scan3A_25 = %scan3A_3 to %scan3A_5 step %scan3A_6  : i32 {
      %mul3A_26 = arith.constant 128 : i32
      %mul3A_27 = arith.muli %scan3A_25, %mul3A_26 : i32
      %add3A_28 = arith.addi %mul3A_2, %mul3A_27 : i32
      "tpu.region"() ({
        %run_scoped3A = tpu.sem_alloc : memref<!tpu.dma_semaphore, #tpu.memory_space<semaphore_mem>>
        %dma_start3A = arith.constant 0 : i32
        %dma_start3A_29 = tpu.memref_slice %arg4[%add3A_28, %dma_start3A] : memref<10240x48xf32, #tpu.memory_space<hbm>> -> memref<128x48xf32, #tpu.memory_space<hbm>>
        %dma_start3A_30 = arith.constant 0 : i32
        %dma_start3A_31 = tpu.memref_slice %arg4[%add3A_28, %dma_start3A_30] : memref<10240x48xf32, #tpu.memory_space<hbm>> -> memref<128x48xf32, #tpu.memory_space<hbm>>
        tpu.enqueue_dma source(%dma_start3A_31 : memref<128x48xf32, #tpu.memory_space<hbm>>) target(%arg7 : memref<128x48xf32, #tpu.memory_space<vmem>>) target_semaphore(%run_scoped3A : memref<!tpu.dma_semaphore, #tpu.memory_space<semaphore_mem>>)
        %dma_wait3A = arith.constant 0 : i32
        %dma_wait3A_32 = tpu.memref_slice %arg4[%add3A_28, %dma_wait3A] : memref<10240x48xf32, #tpu.memory_space<hbm>> -> memref<128x48xf32, #tpu.memory_space<hbm>>
        %dma_wait3A_33 = arith.constant 0 : i32
        %dma_wait3A_34 = tpu.memref_slice %arg4[%add3A_28, %dma_wait3A_33] : memref<10240x48xf32, #tpu.memory_space<hbm>> -> memref<128x48xf32, #tpu.memory_space<hbm>>
        tpu.wait_dma2 semaphore(%run_scoped3A : memref<!tpu.dma_semaphore, #tpu.memory_space<semaphore_mem>>) src(%dma_wait3A_34 : memref<128x48xf32, #tpu.memory_space<hbm>>) dst(%arg7 : memref<128x48xf32, #tpu.memory_space<vmem>>)
        tpu.yield
      }) : () -> ()
      "tpu.region"() ({
        %run_scoped3A = tpu.sem_alloc : memref<!tpu.dma_semaphore, #tpu.memory_space<semaphore_mem>>
        %dma_start3A = arith.constant 0 : i32
        %dma_start3A_29 = tpu.memref_slice %arg8[%add3A_28, %dma_start3A] : memref<10240x48xf32, #tpu.memory_space<vmem_shared>> -> memref<128x48xf32, #tpu.memory_space<vmem_shared>>
        %dma_start3A_30 = arith.constant 0 : i32
        %dma_start3A_31 = tpu.memref_slice %arg8[%add3A_28, %dma_start3A_30] : memref<10240x48xf32, #tpu.memory_space<vmem_shared>> -> memref<128x48xf32, #tpu.memory_space<vmem_shared>>
        tpu.enqueue_dma source(%arg7 : memref<128x48xf32, #tpu.memory_space<vmem>>) target(%dma_start3A_31 : memref<128x48xf32, #tpu.memory_space<vmem_shared>>) target_semaphore(%run_scoped3A : memref<!tpu.dma_semaphore, #tpu.memory_space<semaphore_mem>>)
        %dma_wait3A = arith.constant 0 : i32
        %dma_wait3A_32 = tpu.memref_slice %arg8[%add3A_28, %dma_wait3A] : memref<10240x48xf32, #tpu.memory_space<vmem_shared>> -> memref<128x48xf32, #tpu.memory_space<vmem_shared>>
        %dma_wait3A_33 = arith.constant 0 : i32
        %dma_wait3A_34 = tpu.memref_slice %arg8[%add3A_28, %dma_wait3A_33] : memref<10240x48xf32, #tpu.memory_space<vmem_shared>> -> memref<128x48xf32, #tpu.memory_space<vmem_shared>>
        tpu.wait_dma2 semaphore(%run_scoped3A : memref<!tpu.dma_semaphore, #tpu.memory_space<semaphore_mem>>) src(%arg7 : memref<128x48xf32, #tpu.memory_space<vmem>>) dst(%dma_wait3A_34 : memref<128x48xf32, #tpu.memory_space<vmem_shared>>)
        tpu.yield
      }) : () -> ()
    }
    %scan3A_7 = arith.constant 5 : i32
    %barrier3A = arith.constant 0 : index
    tpu.barrier barrier_id(%barrier3A)
    %mul3A_8 = arith.constant 80 : i32
    %mul3A_9 = arith.muli %add3A, %mul3A_8 : i32
    "tpu.region"() ({
      %run_scoped3A = tpu.sem_alloc : memref<!tpu.dma_semaphore, #tpu.memory_space<semaphore_mem>>
      %dma_start3A = arith.constant 0 : i32
      %dma_start3A_25 = tpu.memref_slice %arg3[%mul3A_9, %dma_start3A] : memref<2560x128xi32, #tpu.memory_space<hbm>> -> memref<80x128xi32, #tpu.memory_space<hbm>>
      %dma_start3A_26 = arith.constant 0 : i32
      %dma_start3A_27 = tpu.memref_slice %arg3[%mul3A_9, %dma_start3A_26] : memref<2560x128xi32, #tpu.memory_space<hbm>> -> memref<80x128xi32, #tpu.memory_space<hbm>>
      tpu.enqueue_dma source(%dma_start3A_27 : memref<80x128xi32, #tpu.memory_space<hbm>>) target(%arg6 : memref<80x128xi32, #tpu.memory_space<vmem>>) target_semaphore(%run_scoped3A : memref<!tpu.dma_semaphore, #tpu.memory_space<semaphore_mem>>)
      %dma_wait3A = arith.constant 0 : i32
      %dma_wait3A_28 = tpu.memref_slice %arg3[%mul3A_9, %dma_wait3A] : memref<2560x128xi32, #tpu.memory_space<hbm>> -> memref<80x128xi32, #tpu.memory_space<hbm>>
      %dma_wait3A_29 = arith.constant 0 : i32
      %dma_wait3A_30 = tpu.memref_slice %arg3[%mul3A_9, %dma_wait3A_29] : memref<2560x128xi32, #tpu.memory_space<hbm>> -> memref<80x128xi32, #tpu.memory_space<hbm>>
      tpu.wait_dma2 semaphore(%run_scoped3A : memref<!tpu.dma_semaphore, #tpu.memory_space<semaphore_mem>>) src(%dma_wait3A_30 : memref<80x128xi32, #tpu.memory_space<hbm>>) dst(%arg6 : memref<80x128xi32, #tpu.memory_space<vmem>>)
      tpu.yield
    }) : () -> ()
    %mul3A_10 = arith.constant 10240 : i32
    %mul3A_11 = arith.muli %add3A, %mul3A_10 : i32
    %scan3A_12 = arith.constant 0 : i32
    %scan3A_13 = arith.constant 0 : i32
    %scan3A_14 = arith.constant 80 : i32
    %scan3A_15 = arith.addi %scan3A_13, %scan3A_14 : i32
    %scan3A_16 = arith.constant 1 : i32
    scf.for %scan3A_25 = %scan3A_13 to %scan3A_15 step %scan3A_16  : i32 {
      %mul3A_26 = arith.constant 128 : i32
      %mul3A_27 = arith.muli %scan3A_25, %mul3A_26 : i32
      %add3A_28 = arith.addi %mul3A_11, %mul3A_27 : i32
      "tpu.region"() ({
        %run_scoped3A = tpu.sem_alloc : memref<!tpu.dma_semaphore, #tpu.memory_space<semaphore_mem>>
        %dma_start3A = arith.constant 0 : i32
        %dma_start3A_29 = tpu.memref_slice %arg2[%add3A_28, %dma_start3A] : memref<327680x48xf32, #tpu.memory_space<hbm>> -> memref<128x48xf32, #tpu.memory_space<hbm>>
        %dma_start3A_30 = arith.constant 0 : i32
        %dma_start3A_31 = tpu.memref_slice %arg2[%add3A_28, %dma_start3A_30] : memref<327680x48xf32, #tpu.memory_space<hbm>> -> memref<128x48xf32, #tpu.memory_space<hbm>>
        tpu.enqueue_dma source(%dma_start3A_31 : memref<128x48xf32, #tpu.memory_space<hbm>>) target(%arg7 : memref<128x48xf32, #tpu.memory_space<vmem>>) target_semaphore(%run_scoped3A : memref<!tpu.dma_semaphore, #tpu.memory_space<semaphore_mem>>)
        %dma_wait3A = arith.constant 0 : i32
        %dma_wait3A_32 = tpu.memref_slice %arg2[%add3A_28, %dma_wait3A] : memref<327680x48xf32, #tpu.memory_space<hbm>> -> memref<128x48xf32, #tpu.memory_space<hbm>>
        %dma_wait3A_33 = arith.constant 0 : i32
        %dma_wait3A_34 = tpu.memref_slice %arg2[%add3A_28, %dma_wait3A_33] : memref<327680x48xf32, #tpu.memory_space<hbm>> -> memref<128x48xf32, #tpu.memory_space<hbm>>
        tpu.wait_dma2 semaphore(%run_scoped3A : memref<!tpu.dma_semaphore, #tpu.memory_space<semaphore_mem>>) src(%dma_wait3A_34 : memref<128x48xf32, #tpu.memory_space<hbm>>) dst(%arg7 : memref<128x48xf32, #tpu.memory_space<vmem>>)
        tpu.yield
      }) : () -> ()
      "tpu.region"() ({
        %run_scoped3A = tpu.sem_alloc : memref<!tpu.dma_semaphore, #tpu.memory_space<semaphore_mem>>
        %dma_start3A = arith.constant 0 : i32
        %dma_start3A_29 = tpu.memref_slice %arg6[%scan3A_25, %dma_start3A] : memref<80x128xi32, #tpu.memory_space<vmem>> -> memref<1x128xi32, #tpu.memory_space<vmem>>
        %dma_start3A_30 = tpu.memref_squeeze %dma_start3A_29 : memref<1x128xi32, #tpu.memory_space<vmem>> -> memref<128xi32, #tpu.memory_space<vmem>>
        %dma_start3A_31 = arith.constant 0 : i32
        %dma_start3A_32 = arith.constant 0 : i32
        %dma_start3A_33 = tpu.memref_slice %arg8[%dma_start3A_31, %dma_start3A_32] : memref<10240x48xf32, #tpu.memory_space<vmem_shared>> -> memref<10240x48xf32, #tpu.memory_space<vmem_shared>>
        tpu.enqueue_indirect_dma source(%arg7 : memref<128x48xf32, #tpu.memory_space<vmem>>) target(%dma_start3A_33 : memref<10240x48xf32, #tpu.memory_space<vmem_shared>>) offsets(%dma_start3A_30 : memref<128xi32, #tpu.memory_space<vmem>>) semaphore(%run_scoped3A : memref<!tpu.dma_semaphore, #tpu.memory_space<semaphore_mem>>) {add = true}
        %dma_wait3A = arith.constant 0 : i32
        %dma_wait3A_34 = tpu.memref_slice %arg6[%scan3A_25, %dma_wait3A] : memref<80x128xi32, #tpu.memory_space<vmem>> -> memref<1x128xi32, #tpu.memory_space<vmem>>
        %dma_wait3A_35 = tpu.memref_squeeze %dma_wait3A_34 : memref<1x128xi32, #tpu.memory_space<vmem>> -> memref<128xi32, #tpu.memory_space<vmem>>
        %dma_wait3A_36 = arith.constant 0 : i32
        %dma_wait3A_37 = arith.constant 0 : i32
        %dma_wait3A_38 = tpu.memref_slice %arg8[%dma_wait3A_36, %dma_wait3A_37] : memref<10240x48xf32, #tpu.memory_space<vmem_shared>> -> memref<10240x48xf32, #tpu.memory_space<vmem_shared>>
        tpu.wait_indirect_dma semaphore(%run_scoped3A : memref<!tpu.dma_semaphore, #tpu.memory_space<semaphore_mem>>) src(%arg7 : memref<128x48xf32, #tpu.memory_space<vmem>>) dst(%dma_wait3A_38 : memref<10240x48xf32, #tpu.memory_space<vmem_shared>>)
        tpu.yield
      }) : () -> ()
    }
    %scan3A_17 = arith.constant 80 : i32
    %barrier3A_18 = arith.constant 0 : index
    tpu.barrier barrier_id(%barrier3A_18)
    %scan3A_19 = arith.constant 0 : i32
    %scan3A_20 = arith.constant 0 : i32
    %scan3A_21 = arith.constant 5 : i32
    %scan3A_22 = arith.addi %scan3A_20, %scan3A_21 : i32
    %scan3A_23 = arith.constant 1 : i32
    scf.for %scan3A_25 = %scan3A_20 to %scan3A_22 step %scan3A_23  : i32 {
      %mul3A_26 = arith.constant 128 : i32
      %mul3A_27 = arith.muli %scan3A_25, %mul3A_26 : i32
      %add3A_28 = arith.addi %mul3A_2, %mul3A_27 : i32
      "tpu.region"() ({
        %run_scoped3A = tpu.sem_alloc : memref<!tpu.dma_semaphore, #tpu.memory_space<semaphore_mem>>
        %dma_start3A = arith.constant 0 : i32
        %dma_start3A_29 = tpu.memref_slice %arg8[%add3A_28, %dma_start3A] : memref<10240x48xf32, #tpu.memory_space<vmem_shared>> -> memref<128x48xf32, #tpu.memory_space<vmem_shared>>
        %dma_start3A_30 = arith.constant 0 : i32
        %dma_start3A_31 = tpu.memref_slice %arg8[%add3A_28, %dma_start3A_30] : memref<10240x48xf32, #tpu.memory_space<vmem_shared>> -> memref<128x48xf32, #tpu.memory_space<vmem_shared>>
        tpu.enqueue_dma source(%dma_start3A_31 : memref<128x48xf32, #tpu.memory_space<vmem_shared>>) target(%arg7 : memref<128x48xf32, #tpu.memory_space<vmem>>) target_semaphore(%run_scoped3A : memref<!tpu.dma_semaphore, #tpu.memory_space<semaphore_mem>>)
        %dma_wait3A = arith.constant 0 : i32
        %dma_wait3A_32 = tpu.memref_slice %arg8[%add3A_28, %dma_wait3A] : memref<10240x48xf32, #tpu.memory_space<vmem_shared>> -> memref<128x48xf32, #tpu.memory_space<vmem_shared>>
        %dma_wait3A_33 = arith.constant 0 : i32
        %dma_wait3A_34 = tpu.memref_slice %arg8[%add3A_28, %dma_wait3A_33] : memref<10240x48xf32, #tpu.memory_space<vmem_shared>> -> memref<128x48xf32, #tpu.memory_space<vmem_shared>>
        tpu.wait_dma2 semaphore(%run_scoped3A : memref<!tpu.dma_semaphore, #tpu.memory_space<semaphore_mem>>) src(%dma_wait3A_34 : memref<128x48xf32, #tpu.memory_space<vmem_shared>>) dst(%arg7 : memref<128x48xf32, #tpu.memory_space<vmem>>)
        tpu.yield
      }) : () -> ()
      "tpu.region"() ({
        %run_scoped3A = tpu.sem_alloc : memref<!tpu.dma_semaphore, #tpu.memory_space<semaphore_mem>>
        %dma_start3A = arith.constant 0 : i32
        %dma_start3A_29 = tpu.memref_slice %arg5[%arg0, %add3A_28, %dma_start3A] : memref<2x10240x48xf32, #tpu.memory_space<hbm>> -> memref<1x128x48xf32, #tpu.memory_space<hbm>>
        %dma_start3A_30 = tpu.memref_squeeze %dma_start3A_29 : memref<1x128x48xf32, #tpu.memory_space<hbm>> -> memref<128x48xf32, #tpu.memory_space<hbm>>
        %dma_start3A_31 = arith.constant 0 : i32
        %dma_start3A_32 = tpu.memref_slice %arg5[%arg0, %add3A_28, %dma_start3A_31] : memref<2x10240x48xf32, #tpu.memory_space<hbm>> -> memref<1x128x48xf32, #tpu.memory_space<hbm>>
        %dma_start3A_33 = tpu.memref_squeeze %dma_start3A_32 : memref<1x128x48xf32, #tpu.memory_space<hbm>> -> memref<128x48xf32, #tpu.memory_space<hbm>>
        tpu.enqueue_dma source(%arg7 : memref<128x48xf32, #tpu.memory_space<vmem>>) target(%dma_start3A_33 : memref<128x48xf32, #tpu.memory_space<hbm>>) target_semaphore(%run_scoped3A : memref<!tpu.dma_semaphore, #tpu.memory_space<semaphore_mem>>)
        %dma_wait3A = arith.constant 0 : i32
        %dma_wait3A_34 = tpu.memref_slice %arg5[%arg0, %add3A_28, %dma_wait3A] : memref<2x10240x48xf32, #tpu.memory_space<hbm>> -> memref<1x128x48xf32, #tpu.memory_space<hbm>>
        %dma_wait3A_35 = tpu.memref_squeeze %dma_wait3A_34 : memref<1x128x48xf32, #tpu.memory_space<hbm>> -> memref<128x48xf32, #tpu.memory_space<hbm>>
        %dma_wait3A_36 = arith.constant 0 : i32
        %dma_wait3A_37 = tpu.memref_slice %arg5[%arg0, %add3A_28, %dma_wait3A_36] : memref<2x10240x48xf32, #tpu.memory_space<hbm>> -> memref<1x128x48xf32, #tpu.memory_space<hbm>>
        %dma_wait3A_38 = tpu.memref_squeeze %dma_wait3A_37 : memref<1x128x48xf32, #tpu.memory_space<hbm>> -> memref<128x48xf32, #tpu.memory_space<hbm>>
        tpu.wait_dma2 semaphore(%run_scoped3A : memref<!tpu.dma_semaphore, #tpu.memory_space<semaphore_mem>>) src(%arg7 : memref<128x48xf32, #tpu.memory_space<vmem>>) dst(%dma_wait3A_38 : memref<128x48xf32, #tpu.memory_space<hbm>>)
        tpu.yield
      }) : () -> ()
    }
    %scan3A_24 = arith.constant 5 : i32
    return
  }
}

#map = affine_map<(d0, d1) -> (0, 0)>
#map1 = affine_map<(d0, d1) -> (0, 0, 0)>
module attributes {stable_mosaic.version = 14 : i64} {
  func.func @body(%arg0: i32, %arg1: i32, %arg2: memref<327680x80xf32, #tpu.memory_space<hbm>>, %arg3: memref<2560x128xi32, #tpu.memory_space<hbm>>, %arg4: memref<10240x80xf32, #tpu.memory_space<hbm>>, %arg5: memref<2x10240x80xf32, #tpu.memory_space<hbm>>, %arg6: memref<80x128xi32, #tpu.memory_space<vmem>>, %arg7: memref<128x80xf32, #tpu.memory_space<vmem>>, %arg8: memref<10240x80xf32, #tpu.memory_space<vmem_shared>>) attributes {dimension_semantics = [#tpu.dimension_semantics<core_parallel>, #tpu.dimension_semantics<subcore_parallel>], iteration_bounds = array<i64: 2, 16>, scalar_prefetch = 0 : i64, scratch_operands = 3 : i64, tpu.core_type = #tpu.core_type<sc_vector_subcore>, window_params = [{transform_indices = #map}, {transform_indices = #map}, {transform_indices = #map}, {transform_indices = #map1}]} {
    %mul3A = arith.constant 2 : i32
    %mul3A_0 = arith.muli %arg1, %mul3A : i32
    %add3A = arith.addi %mul3A_0, %arg0 : i32
    %mul3A_1 = arith.constant 640 : i32
    %mul3A_2 = arith.muli %arg1, %mul3A_1 : i32
    %scan3A = arith.constant 0 : i32
    %scan3A_3 = arith.constant 0 : i32
    %scan3A_4 = arith.constant 5 : i32
    %scan3A_5 = arith.addi %scan3A_3, %scan3A_4 : i32
    %scan3A_6 = arith.constant 1 : i32
    scf.for %scan3A_25 = %scan3A_3 to %scan3A_5 step %scan3A_6  : i32 {
      %mul3A_26 = arith.constant 128 : i32
      %mul3A_27 = arith.muli %scan3A_25, %mul3A_26 : i32
      %add3A_28 = arith.addi %mul3A_2, %mul3A_27 : i32
      "tpu.region"() ({
        %run_scoped3A = tpu.sem_alloc : memref<!tpu.dma_semaphore, #tpu.memory_space<semaphore_mem>>
        %dma_start3A = arith.constant 0 : i32
        %dma_start3A_29 = tpu.memref_slice %arg4[%add3A_28, %dma_start3A] : memref<10240x80xf32, #tpu.memory_space<hbm>> -> memref<128x80xf32, #tpu.memory_space<hbm>>
        %dma_start3A_30 = arith.constant 0 : i32
        %dma_start3A_31 = tpu.memref_slice %arg4[%add3A_28, %dma_start3A_30] : memref<10240x80xf32, #tpu.memory_space<hbm>> -> memref<128x80xf32, #tpu.memory_space<hbm>>
        tpu.enqueue_dma source(%dma_start3A_31 : memref<128x80xf32, #tpu.memory_space<hbm>>) target(%arg7 : memref<128x80xf32, #tpu.memory_space<vmem>>) target_semaphore(%run_scoped3A : memref<!tpu.dma_semaphore, #tpu.memory_space<semaphore_mem>>)
        %dma_wait3A = arith.constant 0 : i32
        %dma_wait3A_32 = tpu.memref_slice %arg4[%add3A_28, %dma_wait3A] : memref<10240x80xf32, #tpu.memory_space<hbm>> -> memref<128x80xf32, #tpu.memory_space<hbm>>
        %dma_wait3A_33 = arith.constant 0 : i32
        %dma_wait3A_34 = tpu.memref_slice %arg4[%add3A_28, %dma_wait3A_33] : memref<10240x80xf32, #tpu.memory_space<hbm>> -> memref<128x80xf32, #tpu.memory_space<hbm>>
        tpu.wait_dma2 semaphore(%run_scoped3A : memref<!tpu.dma_semaphore, #tpu.memory_space<semaphore_mem>>) src(%dma_wait3A_34 : memref<128x80xf32, #tpu.memory_space<hbm>>) dst(%arg7 : memref<128x80xf32, #tpu.memory_space<vmem>>)
        tpu.yield
      }) : () -> ()
      "tpu.region"() ({
        %run_scoped3A = tpu.sem_alloc : memref<!tpu.dma_semaphore, #tpu.memory_space<semaphore_mem>>
        %dma_start3A = arith.constant 0 : i32
        %dma_start3A_29 = tpu.memref_slice %arg8[%add3A_28, %dma_start3A] : memref<10240x80xf32, #tpu.memory_space<vmem_shared>> -> memref<128x80xf32, #tpu.memory_space<vmem_shared>>
        %dma_start3A_30 = arith.constant 0 : i32
        %dma_start3A_31 = tpu.memref_slice %arg8[%add3A_28, %dma_start3A_30] : memref<10240x80xf32, #tpu.memory_space<vmem_shared>> -> memref<128x80xf32, #tpu.memory_space<vmem_shared>>
        tpu.enqueue_dma source(%arg7 : memref<128x80xf32, #tpu.memory_space<vmem>>) target(%dma_start3A_31 : memref<128x80xf32, #tpu.memory_space<vmem_shared>>) target_semaphore(%run_scoped3A : memref<!tpu.dma_semaphore, #tpu.memory_space<semaphore_mem>>)
        %dma_wait3A = arith.constant 0 : i32
        %dma_wait3A_32 = tpu.memref_slice %arg8[%add3A_28, %dma_wait3A] : memref<10240x80xf32, #tpu.memory_space<vmem_shared>> -> memref<128x80xf32, #tpu.memory_space<vmem_shared>>
        %dma_wait3A_33 = arith.constant 0 : i32
        %dma_wait3A_34 = tpu.memref_slice %arg8[%add3A_28, %dma_wait3A_33] : memref<10240x80xf32, #tpu.memory_space<vmem_shared>> -> memref<128x80xf32, #tpu.memory_space<vmem_shared>>
        tpu.wait_dma2 semaphore(%run_scoped3A : memref<!tpu.dma_semaphore, #tpu.memory_space<semaphore_mem>>) src(%arg7 : memref<128x80xf32, #tpu.memory_space<vmem>>) dst(%dma_wait3A_34 : memref<128x80xf32, #tpu.memory_space<vmem_shared>>)
        tpu.yield
      }) : () -> ()
    }
    %scan3A_7 = arith.constant 5 : i32
    %barrier3A = arith.constant 0 : index
    tpu.barrier barrier_id(%barrier3A)
    %mul3A_8 = arith.constant 80 : i32
    %mul3A_9 = arith.muli %add3A, %mul3A_8 : i32
    "tpu.region"() ({
      %run_scoped3A = tpu.sem_alloc : memref<!tpu.dma_semaphore, #tpu.memory_space<semaphore_mem>>
      %dma_start3A = arith.constant 0 : i32
      %dma_start3A_25 = tpu.memref_slice %arg3[%mul3A_9, %dma_start3A] : memref<2560x128xi32, #tpu.memory_space<hbm>> -> memref<80x128xi32, #tpu.memory_space<hbm>>
      %dma_start3A_26 = arith.constant 0 : i32
      %dma_start3A_27 = tpu.memref_slice %arg3[%mul3A_9, %dma_start3A_26] : memref<2560x128xi32, #tpu.memory_space<hbm>> -> memref<80x128xi32, #tpu.memory_space<hbm>>
      tpu.enqueue_dma source(%dma_start3A_27 : memref<80x128xi32, #tpu.memory_space<hbm>>) target(%arg6 : memref<80x128xi32, #tpu.memory_space<vmem>>) target_semaphore(%run_scoped3A : memref<!tpu.dma_semaphore, #tpu.memory_space<semaphore_mem>>)
      %dma_wait3A = arith.constant 0 : i32
      %dma_wait3A_28 = tpu.memref_slice %arg3[%mul3A_9, %dma_wait3A] : memref<2560x128xi32, #tpu.memory_space<hbm>> -> memref<80x128xi32, #tpu.memory_space<hbm>>
      %dma_wait3A_29 = arith.constant 0 : i32
      %dma_wait3A_30 = tpu.memref_slice %arg3[%mul3A_9, %dma_wait3A_29] : memref<2560x128xi32, #tpu.memory_space<hbm>> -> memref<80x128xi32, #tpu.memory_space<hbm>>
      tpu.wait_dma2 semaphore(%run_scoped3A : memref<!tpu.dma_semaphore, #tpu.memory_space<semaphore_mem>>) src(%dma_wait3A_30 : memref<80x128xi32, #tpu.memory_space<hbm>>) dst(%arg6 : memref<80x128xi32, #tpu.memory_space<vmem>>)
      tpu.yield
    }) : () -> ()
    %mul3A_10 = arith.constant 10240 : i32
    %mul3A_11 = arith.muli %add3A, %mul3A_10 : i32
    %scan3A_12 = arith.constant 0 : i32
    %scan3A_13 = arith.constant 0 : i32
    %scan3A_14 = arith.constant 80 : i32
    %scan3A_15 = arith.addi %scan3A_13, %scan3A_14 : i32
    %scan3A_16 = arith.constant 1 : i32
    scf.for %scan3A_25 = %scan3A_13 to %scan3A_15 step %scan3A_16  : i32 {
      %mul3A_26 = arith.constant 128 : i32
      %mul3A_27 = arith.muli %scan3A_25, %mul3A_26 : i32
      %add3A_28 = arith.addi %mul3A_11, %mul3A_27 : i32
      "tpu.region"() ({
        %run_scoped3A = tpu.sem_alloc : memref<!tpu.dma_semaphore, #tpu.memory_space<semaphore_mem>>
        %dma_start3A = arith.constant 0 : i32
        %dma_start3A_29 = tpu.memref_slice %arg2[%add3A_28, %dma_start3A] : memref<327680x80xf32, #tpu.memory_space<hbm>> -> memref<128x80xf32, #tpu.memory_space<hbm>>
        %dma_start3A_30 = arith.constant 0 : i32
        %dma_start3A_31 = tpu.memref_slice %arg2[%add3A_28, %dma_start3A_30] : memref<327680x80xf32, #tpu.memory_space<hbm>> -> memref<128x80xf32, #tpu.memory_space<hbm>>
        tpu.enqueue_dma source(%dma_start3A_31 : memref<128x80xf32, #tpu.memory_space<hbm>>) target(%arg7 : memref<128x80xf32, #tpu.memory_space<vmem>>) target_semaphore(%run_scoped3A : memref<!tpu.dma_semaphore, #tpu.memory_space<semaphore_mem>>)
        %dma_wait3A = arith.constant 0 : i32
        %dma_wait3A_32 = tpu.memref_slice %arg2[%add3A_28, %dma_wait3A] : memref<327680x80xf32, #tpu.memory_space<hbm>> -> memref<128x80xf32, #tpu.memory_space<hbm>>
        %dma_wait3A_33 = arith.constant 0 : i32
        %dma_wait3A_34 = tpu.memref_slice %arg2[%add3A_28, %dma_wait3A_33] : memref<327680x80xf32, #tpu.memory_space<hbm>> -> memref<128x80xf32, #tpu.memory_space<hbm>>
        tpu.wait_dma2 semaphore(%run_scoped3A : memref<!tpu.dma_semaphore, #tpu.memory_space<semaphore_mem>>) src(%dma_wait3A_34 : memref<128x80xf32, #tpu.memory_space<hbm>>) dst(%arg7 : memref<128x80xf32, #tpu.memory_space<vmem>>)
        tpu.yield
      }) : () -> ()
      "tpu.region"() ({
        %run_scoped3A = tpu.sem_alloc : memref<!tpu.dma_semaphore, #tpu.memory_space<semaphore_mem>>
        %dma_start3A = arith.constant 0 : i32
        %dma_start3A_29 = tpu.memref_slice %arg6[%scan3A_25, %dma_start3A] : memref<80x128xi32, #tpu.memory_space<vmem>> -> memref<1x128xi32, #tpu.memory_space<vmem>>
        %dma_start3A_30 = tpu.memref_squeeze %dma_start3A_29 : memref<1x128xi32, #tpu.memory_space<vmem>> -> memref<128xi32, #tpu.memory_space<vmem>>
        %dma_start3A_31 = arith.constant 0 : i32
        %dma_start3A_32 = arith.constant 0 : i32
        %dma_start3A_33 = tpu.memref_slice %arg8[%dma_start3A_31, %dma_start3A_32] : memref<10240x80xf32, #tpu.memory_space<vmem_shared>> -> memref<10240x80xf32, #tpu.memory_space<vmem_shared>>
        tpu.enqueue_indirect_dma source(%arg7 : memref<128x80xf32, #tpu.memory_space<vmem>>) target(%dma_start3A_33 : memref<10240x80xf32, #tpu.memory_space<vmem_shared>>) offsets(%dma_start3A_30 : memref<128xi32, #tpu.memory_space<vmem>>) semaphore(%run_scoped3A : memref<!tpu.dma_semaphore, #tpu.memory_space<semaphore_mem>>) {add = true}
        %dma_wait3A = arith.constant 0 : i32
        %dma_wait3A_34 = tpu.memref_slice %arg6[%scan3A_25, %dma_wait3A] : memref<80x128xi32, #tpu.memory_space<vmem>> -> memref<1x128xi32, #tpu.memory_space<vmem>>
        %dma_wait3A_35 = tpu.memref_squeeze %dma_wait3A_34 : memref<1x128xi32, #tpu.memory_space<vmem>> -> memref<128xi32, #tpu.memory_space<vmem>>
        %dma_wait3A_36 = arith.constant 0 : i32
        %dma_wait3A_37 = arith.constant 0 : i32
        %dma_wait3A_38 = tpu.memref_slice %arg8[%dma_wait3A_36, %dma_wait3A_37] : memref<10240x80xf32, #tpu.memory_space<vmem_shared>> -> memref<10240x80xf32, #tpu.memory_space<vmem_shared>>
        tpu.wait_indirect_dma semaphore(%run_scoped3A : memref<!tpu.dma_semaphore, #tpu.memory_space<semaphore_mem>>) src(%arg7 : memref<128x80xf32, #tpu.memory_space<vmem>>) dst(%dma_wait3A_38 : memref<10240x80xf32, #tpu.memory_space<vmem_shared>>)
        tpu.yield
      }) : () -> ()
    }
    %scan3A_17 = arith.constant 80 : i32
    %barrier3A_18 = arith.constant 0 : index
    tpu.barrier barrier_id(%barrier3A_18)
    %scan3A_19 = arith.constant 0 : i32
    %scan3A_20 = arith.constant 0 : i32
    %scan3A_21 = arith.constant 5 : i32
    %scan3A_22 = arith.addi %scan3A_20, %scan3A_21 : i32
    %scan3A_23 = arith.constant 1 : i32
    scf.for %scan3A_25 = %scan3A_20 to %scan3A_22 step %scan3A_23  : i32 {
      %mul3A_26 = arith.constant 128 : i32
      %mul3A_27 = arith.muli %scan3A_25, %mul3A_26 : i32
      %add3A_28 = arith.addi %mul3A_2, %mul3A_27 : i32
      "tpu.region"() ({
        %run_scoped3A = tpu.sem_alloc : memref<!tpu.dma_semaphore, #tpu.memory_space<semaphore_mem>>
        %dma_start3A = arith.constant 0 : i32
        %dma_start3A_29 = tpu.memref_slice %arg8[%add3A_28, %dma_start3A] : memref<10240x80xf32, #tpu.memory_space<vmem_shared>> -> memref<128x80xf32, #tpu.memory_space<vmem_shared>>
        %dma_start3A_30 = arith.constant 0 : i32
        %dma_start3A_31 = tpu.memref_slice %arg8[%add3A_28, %dma_start3A_30] : memref<10240x80xf32, #tpu.memory_space<vmem_shared>> -> memref<128x80xf32, #tpu.memory_space<vmem_shared>>
        tpu.enqueue_dma source(%dma_start3A_31 : memref<128x80xf32, #tpu.memory_space<vmem_shared>>) target(%arg7 : memref<128x80xf32, #tpu.memory_space<vmem>>) target_semaphore(%run_scoped3A : memref<!tpu.dma_semaphore, #tpu.memory_space<semaphore_mem>>)
        %dma_wait3A = arith.constant 0 : i32
        %dma_wait3A_32 = tpu.memref_slice %arg8[%add3A_28, %dma_wait3A] : memref<10240x80xf32, #tpu.memory_space<vmem_shared>> -> memref<128x80xf32, #tpu.memory_space<vmem_shared>>
        %dma_wait3A_33 = arith.constant 0 : i32
        %dma_wait3A_34 = tpu.memref_slice %arg8[%add3A_28, %dma_wait3A_33] : memref<10240x80xf32, #tpu.memory_space<vmem_shared>> -> memref<128x80xf32, #tpu.memory_space<vmem_shared>>
        tpu.wait_dma2 semaphore(%run_scoped3A : memref<!tpu.dma_semaphore, #tpu.memory_space<semaphore_mem>>) src(%dma_wait3A_34 : memref<128x80xf32, #tpu.memory_space<vmem_shared>>) dst(%arg7 : memref<128x80xf32, #tpu.memory_space<vmem>>)
        tpu.yield
      }) : () -> ()
      "tpu.region"() ({
        %run_scoped3A = tpu.sem_alloc : memref<!tpu.dma_semaphore, #tpu.memory_space<semaphore_mem>>
        %dma_start3A = arith.constant 0 : i32
        %dma_start3A_29 = tpu.memref_slice %arg5[%arg0, %add3A_28, %dma_start3A] : memref<2x10240x80xf32, #tpu.memory_space<hbm>> -> memref<1x128x80xf32, #tpu.memory_space<hbm>>
        %dma_start3A_30 = tpu.memref_squeeze %dma_start3A_29 : memref<1x128x80xf32, #tpu.memory_space<hbm>> -> memref<128x80xf32, #tpu.memory_space<hbm>>
        %dma_start3A_31 = arith.constant 0 : i32
        %dma_start3A_32 = tpu.memref_slice %arg5[%arg0, %add3A_28, %dma_start3A_31] : memref<2x10240x80xf32, #tpu.memory_space<hbm>> -> memref<1x128x80xf32, #tpu.memory_space<hbm>>
        %dma_start3A_33 = tpu.memref_squeeze %dma_start3A_32 : memref<1x128x80xf32, #tpu.memory_space<hbm>> -> memref<128x80xf32, #tpu.memory_space<hbm>>
        tpu.enqueue_dma source(%arg7 : memref<128x80xf32, #tpu.memory_space<vmem>>) target(%dma_start3A_33 : memref<128x80xf32, #tpu.memory_space<hbm>>) target_semaphore(%run_scoped3A : memref<!tpu.dma_semaphore, #tpu.memory_space<semaphore_mem>>)
        %dma_wait3A = arith.constant 0 : i32
        %dma_wait3A_34 = tpu.memref_slice %arg5[%arg0, %add3A_28, %dma_wait3A] : memref<2x10240x80xf32, #tpu.memory_space<hbm>> -> memref<1x128x80xf32, #tpu.memory_space<hbm>>
        %dma_wait3A_35 = tpu.memref_squeeze %dma_wait3A_34 : memref<1x128x80xf32, #tpu.memory_space<hbm>> -> memref<128x80xf32, #tpu.memory_space<hbm>>
        %dma_wait3A_36 = arith.constant 0 : i32
        %dma_wait3A_37 = tpu.memref_slice %arg5[%arg0, %add3A_28, %dma_wait3A_36] : memref<2x10240x80xf32, #tpu.memory_space<hbm>> -> memref<1x128x80xf32, #tpu.memory_space<hbm>>
        %dma_wait3A_38 = tpu.memref_squeeze %dma_wait3A_37 : memref<1x128x80xf32, #tpu.memory_space<hbm>> -> memref<128x80xf32, #tpu.memory_space<hbm>>
        tpu.wait_dma2 semaphore(%run_scoped3A : memref<!tpu.dma_semaphore, #tpu.memory_space<semaphore_mem>>) src(%arg7 : memref<128x80xf32, #tpu.memory_space<vmem>>) dst(%dma_wait3A_38 : memref<128x80xf32, #tpu.memory_space<hbm>>)
        tpu.yield
      }) : () -> ()
    }
    %scan3A_24 = arith.constant 5 : i32
    return
  }
}

#map = affine_map<(d0, d1) -> (0, 0)>
module attributes {stable_mosaic.version = 14 : i64} {
  func.func @body(%arg0: i32, %arg1: i32, %arg2: memref<10000x128xf32, #tpu.memory_space<hbm>>, %arg3: memref<2560x128xi32, #tpu.memory_space<hbm>>, %arg4: memref<2560x128xi32, #tpu.memory_space<hbm>>, %arg5: memref<327680x128xf32, #tpu.memory_space<hbm>>, %arg6: memref<327680x128xf32, #tpu.memory_space<hbm>>, %arg7: memref<80x128xi32, #tpu.memory_space<vmem>>, %arg8: memref<80x128xi32, #tpu.memory_space<vmem>>, %arg9: memref<128x128xf32, #tpu.memory_space<vmem>>, %arg10: memref<128x128xf32, #tpu.memory_space<vmem>>, %arg11: memref<128x128xf32, #tpu.memory_space<vmem>>, %arg12: memref<128x128xf32, #tpu.memory_space<vmem>>, %arg13: memref<!tpu.dma_semaphore, #tpu.memory_space<semaphore_mem>>, %arg14: memref<!tpu.dma_semaphore, #tpu.memory_space<semaphore_mem>>, %arg15: memref<!tpu.dma_semaphore, #tpu.memory_space<semaphore_mem>>, %arg16: memref<!tpu.dma_semaphore, #tpu.memory_space<semaphore_mem>>) attributes {dimension_semantics = [#tpu.dimension_semantics<core_parallel>, #tpu.dimension_semantics<subcore_parallel>], iteration_bounds = array<i64: 2, 16>, scalar_prefetch = 0 : i64, scratch_operands = 10 : i64, tpu.core_type = #tpu.core_type<sc_vector_subcore>, window_params = [{transform_indices = #map}, {transform_indices = #map}, {transform_indices = #map}, {transform_indices = #map}, {transform_indices = #map}]} {
    %mul3A = arith.constant 2 : i32
    %mul3A_0 = arith.muli %arg1, %mul3A : i32
    %add3A = arith.addi %mul3A_0, %arg0 : i32
    %mul3A_1 = arith.constant 80 : i32
    %mul3A_2 = arith.muli %add3A, %mul3A_1 : i32
    "tpu.region"() ({
      %run_scoped3A = tpu.sem_alloc : memref<!tpu.dma_semaphore, #tpu.memory_space<semaphore_mem>>
      %dma_start3A_70 = arith.constant 0 : i32
      %dma_start3A_71 = tpu.memref_slice %arg3[%mul3A_2, %dma_start3A_70] : memref<2560x128xi32, #tpu.memory_space<hbm>> -> memref<80x128xi32, #tpu.memory_space<hbm>>
      %dma_start3A_72 = arith.constant 0 : i32
      %dma_start3A_73 = tpu.memref_slice %arg3[%mul3A_2, %dma_start3A_72] : memref<2560x128xi32, #tpu.memory_space<hbm>> -> memref<80x128xi32, #tpu.memory_space<hbm>>
      tpu.enqueue_dma source(%dma_start3A_73 : memref<80x128xi32, #tpu.memory_space<hbm>>) target(%arg7 : memref<80x128xi32, #tpu.memory_space<vmem>>) target_semaphore(%run_scoped3A : memref<!tpu.dma_semaphore, #tpu.memory_space<semaphore_mem>>)
      %dma_wait3A_74 = arith.constant 0 : i32
      %dma_wait3A_75 = tpu.memref_slice %arg3[%mul3A_2, %dma_wait3A_74] : memref<2560x128xi32, #tpu.memory_space<hbm>> -> memref<80x128xi32, #tpu.memory_space<hbm>>
      %dma_wait3A_76 = arith.constant 0 : i32
      %dma_wait3A_77 = tpu.memref_slice %arg3[%mul3A_2, %dma_wait3A_76] : memref<2560x128xi32, #tpu.memory_space<hbm>> -> memref<80x128xi32, #tpu.memory_space<hbm>>
      tpu.wait_dma2 semaphore(%run_scoped3A : memref<!tpu.dma_semaphore, #tpu.memory_space<semaphore_mem>>) src(%dma_wait3A_77 : memref<80x128xi32, #tpu.memory_space<hbm>>) dst(%arg7 : memref<80x128xi32, #tpu.memory_space<vmem>>)
      tpu.yield
    }) : () -> ()
    %mul3A_3 = arith.constant 80 : i32
    %mul3A_4 = arith.muli %add3A, %mul3A_3 : i32
    "tpu.region"() ({
      %run_scoped3A = tpu.sem_alloc : memref<!tpu.dma_semaphore, #tpu.memory_space<semaphore_mem>>
      %dma_start3A_70 = arith.constant 0 : i32
      %dma_start3A_71 = tpu.memref_slice %arg4[%mul3A_4, %dma_start3A_70] : memref<2560x128xi32, #tpu.memory_space<hbm>> -> memref<80x128xi32, #tpu.memory_space<hbm>>
      %dma_start3A_72 = arith.constant 0 : i32
      %dma_start3A_73 = tpu.memref_slice %arg4[%mul3A_4, %dma_start3A_72] : memref<2560x128xi32, #tpu.memory_space<hbm>> -> memref<80x128xi32, #tpu.memory_space<hbm>>
      tpu.enqueue_dma source(%dma_start3A_73 : memref<80x128xi32, #tpu.memory_space<hbm>>) target(%arg8 : memref<80x128xi32, #tpu.memory_space<vmem>>) target_semaphore(%run_scoped3A : memref<!tpu.dma_semaphore, #tpu.memory_space<semaphore_mem>>)
      %dma_wait3A_74 = arith.constant 0 : i32
      %dma_wait3A_75 = tpu.memref_slice %arg4[%mul3A_4, %dma_wait3A_74] : memref<2560x128xi32, #tpu.memory_space<hbm>> -> memref<80x128xi32, #tpu.memory_space<hbm>>
      %dma_wait3A_76 = arith.constant 0 : i32
      %dma_wait3A_77 = tpu.memref_slice %arg4[%mul3A_4, %dma_wait3A_76] : memref<2560x128xi32, #tpu.memory_space<hbm>> -> memref<80x128xi32, #tpu.memory_space<hbm>>
      tpu.wait_dma2 semaphore(%run_scoped3A : memref<!tpu.dma_semaphore, #tpu.memory_space<semaphore_mem>>) src(%dma_wait3A_77 : memref<80x128xi32, #tpu.memory_space<hbm>>) dst(%arg8 : memref<80x128xi32, #tpu.memory_space<vmem>>)
      tpu.yield
    }) : () -> ()
    %mul3A_5 = arith.constant 10240 : i32
    %mul3A_6 = arith.muli %add3A, %mul3A_5 : i32
    %dma_start3A = arith.constant 0 : i32
    %dma_start3A_7 = arith.constant 0 : i32
    %dma_start3A_8 = tpu.memref_slice %arg7[%dma_start3A, %dma_start3A_7] : memref<80x128xi32, #tpu.memory_space<vmem>> -> memref<1x128xi32, #tpu.memory_space<vmem>>
    %dma_start3A_9 = tpu.memref_squeeze %dma_start3A_8 : memref<1x128xi32, #tpu.memory_space<vmem>> -> memref<128xi32, #tpu.memory_space<vmem>>
    %dma_start3A_10 = arith.constant 0 : i32
    %dma_start3A_11 = arith.constant 0 : i32
    %dma_start3A_12 = tpu.memref_slice %arg2[%dma_start3A_10, %dma_start3A_11] : memref<10000x128xf32, #tpu.memory_space<hbm>> -> memref<10000x128xf32, #tpu.memory_space<hbm>>
    tpu.enqueue_indirect_dma source(%dma_start3A_12 : memref<10000x128xf32, #tpu.memory_space<hbm>>) target(%arg9 : memref<128x128xf32, #tpu.memory_space<vmem>>) offsets(%dma_start3A_9 : memref<128xi32, #tpu.memory_space<vmem>>) semaphore(%arg13 : memref<!tpu.dma_semaphore, #tpu.memory_space<semaphore_mem>>)
    %dma_start3A_13 = arith.constant 0 : i32
    %dma_start3A_14 = arith.constant 0 : i32
    %dma_start3A_15 = tpu.memref_slice %arg8[%dma_start3A_13, %dma_start3A_14] : memref<80x128xi32, #tpu.memory_space<vmem>> -> memref<1x128xi32, #tpu.memory_space<vmem>>
    %dma_start3A_16 = tpu.memref_squeeze %dma_start3A_15 : memref<1x128xi32, #tpu.memory_space<vmem>> -> memref<128xi32, #tpu.memory_space<vmem>>
    %dma_start3A_17 = arith.constant 0 : i32
    %dma_start3A_18 = arith.constant 0 : i32
    %dma_start3A_19 = tpu.memref_slice %arg2[%dma_start3A_17, %dma_start3A_18] : memref<10000x128xf32, #tpu.memory_space<hbm>> -> memref<10000x128xf32, #tpu.memory_space<hbm>>
    tpu.enqueue_indirect_dma source(%dma_start3A_19 : memref<10000x128xf32, #tpu.memory_space<hbm>>) target(%arg11 : memref<128x128xf32, #tpu.memory_space<vmem>>) offsets(%dma_start3A_16 : memref<128xi32, #tpu.memory_space<vmem>>) semaphore(%arg15 : memref<!tpu.dma_semaphore, #tpu.memory_space<semaphore_mem>>)
    %dma_start3A_20 = arith.constant 1 : i32
    %dma_start3A_21 = arith.constant 0 : i32
    %dma_start3A_22 = tpu.memref_slice %arg7[%dma_start3A_20, %dma_start3A_21] : memref<80x128xi32, #tpu.memory_space<vmem>> -> memref<1x128xi32, #tpu.memory_space<vmem>>
    %dma_start3A_23 = tpu.memref_squeeze %dma_start3A_22 : memref<1x128xi32, #tpu.memory_space<vmem>> -> memref<128xi32, #tpu.memory_space<vmem>>
    %dma_start3A_24 = arith.constant 0 : i32
    %dma_start3A_25 = arith.constant 0 : i32
    %dma_start3A_26 = tpu.memref_slice %arg2[%dma_start3A_24, %dma_start3A_25] : memref<10000x128xf32, #tpu.memory_space<hbm>> -> memref<10000x128xf32, #tpu.memory_space<hbm>>
    tpu.enqueue_indirect_dma source(%dma_start3A_26 : memref<10000x128xf32, #tpu.memory_space<hbm>>) target(%arg10 : memref<128x128xf32, #tpu.memory_space<vmem>>) offsets(%dma_start3A_23 : memref<128xi32, #tpu.memory_space<vmem>>) semaphore(%arg14 : memref<!tpu.dma_semaphore, #tpu.memory_space<semaphore_mem>>)
    %dma_start3A_27 = arith.constant 1 : i32
    %dma_start3A_28 = arith.constant 0 : i32
    %dma_start3A_29 = tpu.memref_slice %arg8[%dma_start3A_27, %dma_start3A_28] : memref<80x128xi32, #tpu.memory_space<vmem>> -> memref<1x128xi32, #tpu.memory_space<vmem>>
    %dma_start3A_30 = tpu.memref_squeeze %dma_start3A_29 : memref<1x128xi32, #tpu.memory_space<vmem>> -> memref<128xi32, #tpu.memory_space<vmem>>
    %dma_start3A_31 = arith.constant 0 : i32
    %dma_start3A_32 = arith.constant 0 : i32
    %dma_start3A_33 = tpu.memref_slice %arg2[%dma_start3A_31, %dma_start3A_32] : memref<10000x128xf32, #tpu.memory_space<hbm>> -> memref<10000x128xf32, #tpu.memory_space<hbm>>
    tpu.enqueue_indirect_dma source(%dma_start3A_33 : memref<10000x128xf32, #tpu.memory_space<hbm>>) target(%arg12 : memref<128x128xf32, #tpu.memory_space<vmem>>) offsets(%dma_start3A_30 : memref<128xi32, #tpu.memory_space<vmem>>) semaphore(%arg16 : memref<!tpu.dma_semaphore, #tpu.memory_space<semaphore_mem>>)
    %scan3A = arith.constant 0 : i32
    %scan3A_34 = arith.constant 0 : i32
    %scan3A_35 = arith.constant 39 : i32
    %scan3A_36 = arith.addi %scan3A_34, %scan3A_35 : i32
    %scan3A_37 = arith.constant 1 : i32
    scf.for %scan3A_70 = %scan3A_34 to %scan3A_36 step %scan3A_37  : i32 {
      %mul3A_71 = arith.constant 2 : i32
      %mul3A_72 = arith.muli %mul3A_71, %scan3A_70 : i32
      %add3A_73 = arith.constant 0 : i32
      %add3A_74 = arith.addi %mul3A_72, %add3A_73 : i32
      %mul3A_75 = arith.constant 128 : i32
      %mul3A_76 = arith.muli %add3A_74, %mul3A_75 : i32
      %add3A_77 = arith.addi %mul3A_6, %mul3A_76 : i32
      %add3A_78 = arith.constant 0 : i32
      %add3A_79 = arith.addi %mul3A_72, %add3A_78 : i32
      %dma_wait3A_80 = arith.constant 0 : i32
      %dma_wait3A_81 = tpu.memref_slice %arg7[%add3A_79, %dma_wait3A_80] : memref<80x128xi32, #tpu.memory_space<vmem>> -> memref<1x128xi32, #tpu.memory_space<vmem>>
      %dma_wait3A_82 = tpu.memref_squeeze %dma_wait3A_81 : memref<1x128xi32, #tpu.memory_space<vmem>> -> memref<128xi32, #tpu.memory_space<vmem>>
      %dma_wait3A_83 = arith.constant 0 : i32
      %dma_wait3A_84 = arith.constant 0 : i32
      %dma_wait3A_85 = tpu.memref_slice %arg2[%dma_wait3A_83, %dma_wait3A_84] : memref<10000x128xf32, #tpu.memory_space<hbm>> -> memref<10000x128xf32, #tpu.memory_space<hbm>>
      tpu.wait_indirect_dma semaphore(%arg13 : memref<!tpu.dma_semaphore, #tpu.memory_space<semaphore_mem>>) src(%dma_wait3A_85 : memref<10000x128xf32, #tpu.memory_space<hbm>>) dst(%arg9 : memref<128x128xf32, #tpu.memory_space<vmem>>)
      "tpu.region"() ({
        %run_scoped3A = tpu.sem_alloc : memref<!tpu.dma_semaphore, #tpu.memory_space<semaphore_mem>>
        %dma_start3A_155 = arith.constant 0 : i32
        %dma_start3A_156 = tpu.memref_slice %arg5[%add3A_77, %dma_start3A_155] : memref<327680x128xf32, #tpu.memory_space<hbm>> -> memref<128x128xf32, #tpu.memory_space<hbm>>
        %dma_start3A_157 = arith.constant 0 : i32
        %dma_start3A_158 = tpu.memref_slice %arg5[%add3A_77, %dma_start3A_157] : memref<327680x128xf32, #tpu.memory_space<hbm>> -> memref<128x128xf32, #tpu.memory_space<hbm>>
        tpu.enqueue_dma source(%arg9 : memref<128x128xf32, #tpu.memory_space<vmem>>) target(%dma_start3A_158 : memref<128x128xf32, #tpu.memory_space<hbm>>) target_semaphore(%run_scoped3A : memref<!tpu.dma_semaphore, #tpu.memory_space<semaphore_mem>>)
        %dma_wait3A_159 = arith.constant 0 : i32
        %dma_wait3A_160 = tpu.memref_slice %arg5[%add3A_77, %dma_wait3A_159] : memref<327680x128xf32, #tpu.memory_space<hbm>> -> memref<128x128xf32, #tpu.memory_space<hbm>>
        %dma_wait3A_161 = arith.constant 0 : i32
        %dma_wait3A_162 = tpu.memref_slice %arg5[%add3A_77, %dma_wait3A_161] : memref<327680x128xf32, #tpu.memory_space<hbm>> -> memref<128x128xf32, #tpu.memory_space<hbm>>
        tpu.wait_dma2 semaphore(%run_scoped3A : memref<!tpu.dma_semaphore, #tpu.memory_space<semaphore_mem>>) src(%arg9 : memref<128x128xf32, #tpu.memory_space<vmem>>) dst(%dma_wait3A_162 : memref<128x128xf32, #tpu.memory_space<hbm>>)
        tpu.yield
      }) : () -> ()
      %add3A_86 = arith.constant 0 : i32
      %add3A_87 = arith.addi %mul3A_72, %add3A_86 : i32
      %add3A_88 = arith.constant 2 : i32
      %add3A_89 = arith.addi %add3A_87, %add3A_88 : i32
      %dma_start3A_90 = arith.constant 0 : i32
      %dma_start3A_91 = tpu.memref_slice %arg7[%add3A_89, %dma_start3A_90] : memref<80x128xi32, #tpu.memory_space<vmem>> -> memref<1x128xi32, #tpu.memory_space<vmem>>
      %dma_start3A_92 = tpu.memref_squeeze %dma_start3A_91 : memref<1x128xi32, #tpu.memory_space<vmem>> -> memref<128xi32, #tpu.memory_space<vmem>>
      %dma_start3A_93 = arith.constant 0 : i32
      %dma_start3A_94 = arith.constant 0 : i32
      %dma_start3A_95 = tpu.memref_slice %arg2[%dma_start3A_93, %dma_start3A_94] : memref<10000x128xf32, #tpu.memory_space<hbm>> -> memref<10000x128xf32, #tpu.memory_space<hbm>>
      tpu.enqueue_indirect_dma source(%dma_start3A_95 : memref<10000x128xf32, #tpu.memory_space<hbm>>) target(%arg9 : memref<128x128xf32, #tpu.memory_space<vmem>>) offsets(%dma_start3A_92 : memref<128xi32, #tpu.memory_space<vmem>>) semaphore(%arg13 : memref<!tpu.dma_semaphore, #tpu.memory_space<semaphore_mem>>)
      %add3A_96 = arith.constant 0 : i32
      %add3A_97 = arith.addi %mul3A_72, %add3A_96 : i32
      %dma_wait3A_98 = arith.constant 0 : i32
      %dma_wait3A_99 = tpu.memref_slice %arg8[%add3A_97, %dma_wait3A_98] : memref<80x128xi32, #tpu.memory_space<vmem>> -> memref<1x128xi32, #tpu.memory_space<vmem>>
      %dma_wait3A_100 = tpu.memref_squeeze %dma_wait3A_99 : memref<1x128xi32, #tpu.memory_space<vmem>> -> memref<128xi32, #tpu.memory_space<vmem>>
      %dma_wait3A_101 = arith.constant 0 : i32
      %dma_wait3A_102 = arith.constant 0 : i32
      %dma_wait3A_103 = tpu.memref_slice %arg2[%dma_wait3A_101, %dma_wait3A_102] : memref<10000x128xf32, #tpu.memory_space<hbm>> -> memref<10000x128xf32, #tpu.memory_space<hbm>>
      tpu.wait_indirect_dma semaphore(%arg15 : memref<!tpu.dma_semaphore, #tpu.memory_space<semaphore_mem>>) src(%dma_wait3A_103 : memref<10000x128xf32, #tpu.memory_space<hbm>>) dst(%arg11 : memref<128x128xf32, #tpu.memory_space<vmem>>)
      "tpu.region"() ({
        %run_scoped3A = tpu.sem_alloc : memref<!tpu.dma_semaphore, #tpu.memory_space<semaphore_mem>>
        %dma_start3A_155 = arith.constant 0 : i32
        %dma_start3A_156 = tpu.memref_slice %arg6[%add3A_77, %dma_start3A_155] : memref<327680x128xf32, #tpu.memory_space<hbm>> -> memref<128x128xf32, #tpu.memory_space<hbm>>
        %dma_start3A_157 = arith.constant 0 : i32
        %dma_start3A_158 = tpu.memref_slice %arg6[%add3A_77, %dma_start3A_157] : memref<327680x128xf32, #tpu.memory_space<hbm>> -> memref<128x128xf32, #tpu.memory_space<hbm>>
        tpu.enqueue_dma source(%arg11 : memref<128x128xf32, #tpu.memory_space<vmem>>) target(%dma_start3A_158 : memref<128x128xf32, #tpu.memory_space<hbm>>) target_semaphore(%run_scoped3A : memref<!tpu.dma_semaphore, #tpu.memory_space<semaphore_mem>>)
        %dma_wait3A_159 = arith.constant 0 : i32
        %dma_wait3A_160 = tpu.memref_slice %arg6[%add3A_77, %dma_wait3A_159] : memref<327680x128xf32, #tpu.memory_space<hbm>> -> memref<128x128xf32, #tpu.memory_space<hbm>>
        %dma_wait3A_161 = arith.constant 0 : i32
        %dma_wait3A_162 = tpu.memref_slice %arg6[%add3A_77, %dma_wait3A_161] : memref<327680x128xf32, #tpu.memory_space<hbm>> -> memref<128x128xf32, #tpu.memory_space<hbm>>
        tpu.wait_dma2 semaphore(%run_scoped3A : memref<!tpu.dma_semaphore, #tpu.memory_space<semaphore_mem>>) src(%arg11 : memref<128x128xf32, #tpu.memory_space<vmem>>) dst(%dma_wait3A_162 : memref<128x128xf32, #tpu.memory_space<hbm>>)
        tpu.yield
      }) : () -> ()
      %add3A_104 = arith.constant 0 : i32
      %add3A_105 = arith.addi %mul3A_72, %add3A_104 : i32
      %add3A_106 = arith.constant 2 : i32
      %add3A_107 = arith.addi %add3A_105, %add3A_106 : i32
      %dma_start3A_108 = arith.constant 0 : i32
      %dma_start3A_109 = tpu.memref_slice %arg8[%add3A_107, %dma_start3A_108] : memref<80x128xi32, #tpu.memory_space<vmem>> -> memref<1x128xi32, #tpu.memory_space<vmem>>
      %dma_start3A_110 = tpu.memref_squeeze %dma_start3A_109 : memref<1x128xi32, #tpu.memory_space<vmem>> -> memref<128xi32, #tpu.memory_space<vmem>>
      %dma_start3A_111 = arith.constant 0 : i32
      %dma_start3A_112 = arith.constant 0 : i32
      %dma_start3A_113 = tpu.memref_slice %arg2[%dma_start3A_111, %dma_start3A_112] : memref<10000x128xf32, #tpu.memory_space<hbm>> -> memref<10000x128xf32, #tpu.memory_space<hbm>>
      tpu.enqueue_indirect_dma source(%dma_start3A_113 : memref<10000x128xf32, #tpu.memory_space<hbm>>) target(%arg11 : memref<128x128xf32, #tpu.memory_space<vmem>>) offsets(%dma_start3A_110 : memref<128xi32, #tpu.memory_space<vmem>>) semaphore(%arg15 : memref<!tpu.dma_semaphore, #tpu.memory_space<semaphore_mem>>)
      %add3A_114 = arith.constant 1 : i32
      %add3A_115 = arith.addi %mul3A_72, %add3A_114 : i32
      %mul3A_116 = arith.constant 128 : i32
      %mul3A_117 = arith.muli %add3A_115, %mul3A_116 : i32
      %add3A_118 = arith.addi %mul3A_6, %mul3A_117 : i32
      %add3A_119 = arith.constant 1 : i32
      %add3A_120 = arith.addi %mul3A_72, %add3A_119 : i32
      %dma_wait3A_121 = arith.constant 0 : i32
      %dma_wait3A_122 = tpu.memref_slice %arg7[%add3A_120, %dma_wait3A_121] : memref<80x128xi32, #tpu.memory_space<vmem>> -> memref<1x128xi32, #tpu.memory_space<vmem>>
      %dma_wait3A_123 = tpu.memref_squeeze %dma_wait3A_122 : memref<1x128xi32, #tpu.memory_space<vmem>> -> memref<128xi32, #tpu.memory_space<vmem>>
      %dma_wait3A_124 = arith.constant 0 : i32
      %dma_wait3A_125 = arith.constant 0 : i32
      %dma_wait3A_126 = tpu.memref_slice %arg2[%dma_wait3A_124, %dma_wait3A_125] : memref<10000x128xf32, #tpu.memory_space<hbm>> -> memref<10000x128xf32, #tpu.memory_space<hbm>>
      tpu.wait_indirect_dma semaphore(%arg14 : memref<!tpu.dma_semaphore, #tpu.memory_space<semaphore_mem>>) src(%dma_wait3A_126 : memref<10000x128xf32, #tpu.memory_space<hbm>>) dst(%arg10 : memref<128x128xf32, #tpu.memory_space<vmem>>)
      "tpu.region"() ({
        %run_scoped3A = tpu.sem_alloc : memref<!tpu.dma_semaphore, #tpu.memory_space<semaphore_mem>>
        %dma_start3A_155 = arith.constant 0 : i32
        %dma_start3A_156 = tpu.memref_slice %arg5[%add3A_118, %dma_start3A_155] : memref<327680x128xf32, #tpu.memory_space<hbm>> -> memref<128x128xf32, #tpu.memory_space<hbm>>
        %dma_start3A_157 = arith.constant 0 : i32
        %dma_start3A_158 = tpu.memref_slice %arg5[%add3A_118, %dma_start3A_157] : memref<327680x128xf32, #tpu.memory_space<hbm>> -> memref<128x128xf32, #tpu.memory_space<hbm>>
        tpu.enqueue_dma source(%arg10 : memref<128x128xf32, #tpu.memory_space<vmem>>) target(%dma_start3A_158 : memref<128x128xf32, #tpu.memory_space<hbm>>) target_semaphore(%run_scoped3A : memref<!tpu.dma_semaphore, #tpu.memory_space<semaphore_mem>>)
        %dma_wait3A_159 = arith.constant 0 : i32
        %dma_wait3A_160 = tpu.memref_slice %arg5[%add3A_118, %dma_wait3A_159] : memref<327680x128xf32, #tpu.memory_space<hbm>> -> memref<128x128xf32, #tpu.memory_space<hbm>>
        %dma_wait3A_161 = arith.constant 0 : i32
        %dma_wait3A_162 = tpu.memref_slice %arg5[%add3A_118, %dma_wait3A_161] : memref<327680x128xf32, #tpu.memory_space<hbm>> -> memref<128x128xf32, #tpu.memory_space<hbm>>
        tpu.wait_dma2 semaphore(%run_scoped3A : memref<!tpu.dma_semaphore, #tpu.memory_space<semaphore_mem>>) src(%arg10 : memref<128x128xf32, #tpu.memory_space<vmem>>) dst(%dma_wait3A_162 : memref<128x128xf32, #tpu.memory_space<hbm>>)
        tpu.yield
      }) : () -> ()
      %add3A_127 = arith.constant 1 : i32
      %add3A_128 = arith.addi %mul3A_72, %add3A_127 : i32
      %add3A_129 = arith.constant 2 : i32
      %add3A_130 = arith.addi %add3A_128, %add3A_129 : i32
      %dma_start3A_131 = arith.constant 0 : i32
      %dma_start3A_132 = tpu.memref_slice %arg7[%add3A_130, %dma_start3A_131] : memref<80x128xi32, #tpu.memory_space<vmem>> -> memref<1x128xi32, #tpu.memory_space<vmem>>
      %dma_start3A_133 = tpu.memref_squeeze %dma_start3A_132 : memref<1x128xi32, #tpu.memory_space<vmem>> -> memref<128xi32, #tpu.memory_space<vmem>>
      %dma_start3A_134 = arith.constant 0 : i32
      %dma_start3A_135 = arith.constant 0 : i32
      %dma_start3A_136 = tpu.memref_slice %arg2[%dma_start3A_134, %dma_start3A_135] : memref<10000x128xf32, #tpu.memory_space<hbm>> -> memref<10000x128xf32, #tpu.memory_space<hbm>>
      tpu.enqueue_indirect_dma source(%dma_start3A_136 : memref<10000x128xf32, #tpu.memory_space<hbm>>) target(%arg10 : memref<128x128xf32, #tpu.memory_space<vmem>>) offsets(%dma_start3A_133 : memref<128xi32, #tpu.memory_space<vmem>>) semaphore(%arg14 : memref<!tpu.dma_semaphore, #tpu.memory_space<semaphore_mem>>)
      %add3A_137 = arith.constant 1 : i32
      %add3A_138 = arith.addi %mul3A_72, %add3A_137 : i32
      %dma_wait3A_139 = arith.constant 0 : i32
      %dma_wait3A_140 = tpu.memref_slice %arg8[%add3A_138, %dma_wait3A_139] : memref<80x128xi32, #tpu.memory_space<vmem>> -> memref<1x128xi32, #tpu.memory_space<vmem>>
      %dma_wait3A_141 = tpu.memref_squeeze %dma_wait3A_140 : memref<1x128xi32, #tpu.memory_space<vmem>> -> memref<128xi32, #tpu.memory_space<vmem>>
      %dma_wait3A_142 = arith.constant 0 : i32
      %dma_wait3A_143 = arith.constant 0 : i32
      %dma_wait3A_144 = tpu.memref_slice %arg2[%dma_wait3A_142, %dma_wait3A_143] : memref<10000x128xf32, #tpu.memory_space<hbm>> -> memref<10000x128xf32, #tpu.memory_space<hbm>>
      tpu.wait_indirect_dma semaphore(%arg16 : memref<!tpu.dma_semaphore, #tpu.memory_space<semaphore_mem>>) src(%dma_wait3A_144 : memref<10000x128xf32, #tpu.memory_space<hbm>>) dst(%arg12 : memref<128x128xf32, #tpu.memory_space<vmem>>)
      "tpu.region"() ({
        %run_scoped3A = tpu.sem_alloc : memref<!tpu.dma_semaphore, #tpu.memory_space<semaphore_mem>>
        %dma_start3A_155 = arith.constant 0 : i32
        %dma_start3A_156 = tpu.memref_slice %arg6[%add3A_118, %dma_start3A_155] : memref<327680x128xf32, #tpu.memory_space<hbm>> -> memref<128x128xf32, #tpu.memory_space<hbm>>
        %dma_start3A_157 = arith.constant 0 : i32
        %dma_start3A_158 = tpu.memref_slice %arg6[%add3A_118, %dma_start3A_157] : memref<327680x128xf32, #tpu.memory_space<hbm>> -> memref<128x128xf32, #tpu.memory_space<hbm>>
        tpu.enqueue_dma source(%arg12 : memref<128x128xf32, #tpu.memory_space<vmem>>) target(%dma_start3A_158 : memref<128x128xf32, #tpu.memory_space<hbm>>) target_semaphore(%run_scoped3A : memref<!tpu.dma_semaphore, #tpu.memory_space<semaphore_mem>>)
        %dma_wait3A_159 = arith.constant 0 : i32
        %dma_wait3A_160 = tpu.memref_slice %arg6[%add3A_118, %dma_wait3A_159] : memref<327680x128xf32, #tpu.memory_space<hbm>> -> memref<128x128xf32, #tpu.memory_space<hbm>>
        %dma_wait3A_161 = arith.constant 0 : i32
        %dma_wait3A_162 = tpu.memref_slice %arg6[%add3A_118, %dma_wait3A_161] : memref<327680x128xf32, #tpu.memory_space<hbm>> -> memref<128x128xf32, #tpu.memory_space<hbm>>
        tpu.wait_dma2 semaphore(%run_scoped3A : memref<!tpu.dma_semaphore, #tpu.memory_space<semaphore_mem>>) src(%arg12 : memref<128x128xf32, #tpu.memory_space<vmem>>) dst(%dma_wait3A_162 : memref<128x128xf32, #tpu.memory_space<hbm>>)
        tpu.yield
      }) : () -> ()
      %add3A_145 = arith.constant 1 : i32
      %add3A_146 = arith.addi %mul3A_72, %add3A_145 : i32
      %add3A_147 = arith.constant 2 : i32
      %add3A_148 = arith.addi %add3A_146, %add3A_147 : i32
      %dma_start3A_149 = arith.constant 0 : i32
      %dma_start3A_150 = tpu.memref_slice %arg8[%add3A_148, %dma_start3A_149] : memref<80x128xi32, #tpu.memory_space<vmem>> -> memref<1x128xi32, #tpu.memory_space<vmem>>
      %dma_start3A_151 = tpu.memref_squeeze %dma_start3A_150 : memref<1x128xi32, #tpu.memory_space<vmem>> -> memref<128xi32, #tpu.memory_space<vmem>>
      %dma_start3A_152 = arith.constant 0 : i32
      %dma_start3A_153 = arith.constant 0 : i32
      %dma_start3A_154 = tpu.memref_slice %arg2[%dma_start3A_152, %dma_start3A_153] : memref<10000x128xf32, #tpu.memory_space<hbm>> -> memref<10000x128xf32, #tpu.memory_space<hbm>>
      tpu.enqueue_indirect_dma source(%dma_start3A_154 : memref<10000x128xf32, #tpu.memory_space<hbm>>) target(%arg12 : memref<128x128xf32, #tpu.memory_space<vmem>>) offsets(%dma_start3A_151 : memref<128xi32, #tpu.memory_space<vmem>>) semaphore(%arg16 : memref<!tpu.dma_semaphore, #tpu.memory_space<semaphore_mem>>)
    }
    %scan3A_38 = arith.constant 39 : i32
    %add3A_39 = arith.constant 9984 : i32
    %add3A_40 = arith.addi %mul3A_6, %add3A_39 : i32
    %dma_wait3A = arith.constant 78 : i32
    %dma_wait3A_41 = arith.constant 0 : i32
    %dma_wait3A_42 = tpu.memref_slice %arg7[%dma_wait3A, %dma_wait3A_41] : memref<80x128xi32, #tpu.memory_space<vmem>> -> memref<1x128xi32, #tpu.memory_space<vmem>>
    %dma_wait3A_43 = tpu.memref_squeeze %dma_wait3A_42 : memref<1x128xi32, #tpu.memory_space<vmem>> -> memref<128xi32, #tpu.memory_space<vmem>>
    %dma_wait3A_44 = arith.constant 0 : i32
    %dma_wait3A_45 = arith.constant 0 : i32
    %dma_wait3A_46 = tpu.memref_slice %arg2[%dma_wait3A_44, %dma_wait3A_45] : memref<10000x128xf32, #tpu.memory_space<hbm>> -> memref<10000x128xf32, #tpu.memory_space<hbm>>
    tpu.wait_indirect_dma semaphore(%arg13 : memref<!tpu.dma_semaphore, #tpu.memory_space<semaphore_mem>>) src(%dma_wait3A_46 : memref<10000x128xf32, #tpu.memory_space<hbm>>) dst(%arg9 : memref<128x128xf32, #tpu.memory_space<vmem>>)
    "tpu.region"() ({
      %run_scoped3A = tpu.sem_alloc : memref<!tpu.dma_semaphore, #tpu.memory_space<semaphore_mem>>
      %dma_start3A_70 = arith.constant 0 : i32
      %dma_start3A_71 = tpu.memref_slice %arg5[%add3A_40, %dma_start3A_70] : memref<327680x128xf32, #tpu.memory_space<hbm>> -> memref<128x128xf32, #tpu.memory_space<hbm>>
      %dma_start3A_72 = arith.constant 0 : i32
      %dma_start3A_73 = tpu.memref_slice %arg5[%add3A_40, %dma_start3A_72] : memref<327680x128xf32, #tpu.memory_space<hbm>> -> memref<128x128xf32, #tpu.memory_space<hbm>>
      tpu.enqueue_dma source(%arg9 : memref<128x128xf32, #tpu.memory_space<vmem>>) target(%dma_start3A_73 : memref<128x128xf32, #tpu.memory_space<hbm>>) target_semaphore(%run_scoped3A : memref<!tpu.dma_semaphore, #tpu.memory_space<semaphore_mem>>)
      %dma_wait3A_74 = arith.constant 0 : i32
      %dma_wait3A_75 = tpu.memref_slice %arg5[%add3A_40, %dma_wait3A_74] : memref<327680x128xf32, #tpu.memory_space<hbm>> -> memref<128x128xf32, #tpu.memory_space<hbm>>
      %dma_wait3A_76 = arith.constant 0 : i32
      %dma_wait3A_77 = tpu.memref_slice %arg5[%add3A_40, %dma_wait3A_76] : memref<327680x128xf32, #tpu.memory_space<hbm>> -> memref<128x128xf32, #tpu.memory_space<hbm>>
      tpu.wait_dma2 semaphore(%run_scoped3A : memref<!tpu.dma_semaphore, #tpu.memory_space<semaphore_mem>>) src(%arg9 : memref<128x128xf32, #tpu.memory_space<vmem>>) dst(%dma_wait3A_77 : memref<128x128xf32, #tpu.memory_space<hbm>>)
      tpu.yield
    }) : () -> ()
    %dma_wait3A_47 = arith.constant 78 : i32
    %dma_wait3A_48 = arith.constant 0 : i32
    %dma_wait3A_49 = tpu.memref_slice %arg8[%dma_wait3A_47, %dma_wait3A_48] : memref<80x128xi32, #tpu.memory_space<vmem>> -> memref<1x128xi32, #tpu.memory_space<vmem>>
    %dma_wait3A_50 = tpu.memref_squeeze %dma_wait3A_49 : memref<1x128xi32, #tpu.memory_space<vmem>> -> memref<128xi32, #tpu.memory_space<vmem>>
    %dma_wait3A_51 = arith.constant 0 : i32
    %dma_wait3A_52 = arith.constant 0 : i32
    %dma_wait3A_53 = tpu.memref_slice %arg2[%dma_wait3A_51, %dma_wait3A_52] : memref<10000x128xf32, #tpu.memory_space<hbm>> -> memref<10000x128xf32, #tpu.memory_space<hbm>>
    tpu.wait_indirect_dma semaphore(%arg15 : memref<!tpu.dma_semaphore, #tpu.memory_space<semaphore_mem>>) src(%dma_wait3A_53 : memref<10000x128xf32, #tpu.memory_space<hbm>>) dst(%arg11 : memref<128x128xf32, #tpu.memory_space<vmem>>)
    "tpu.region"() ({
      %run_scoped3A = tpu.sem_alloc : memref<!tpu.dma_semaphore, #tpu.memory_space<semaphore_mem>>
      %dma_start3A_70 = arith.constant 0 : i32
      %dma_start3A_71 = tpu.memref_slice %arg6[%add3A_40, %dma_start3A_70] : memref<327680x128xf32, #tpu.memory_space<hbm>> -> memref<128x128xf32, #tpu.memory_space<hbm>>
      %dma_start3A_72 = arith.constant 0 : i32
      %dma_start3A_73 = tpu.memref_slice %arg6[%add3A_40, %dma_start3A_72] : memref<327680x128xf32, #tpu.memory_space<hbm>> -> memref<128x128xf32, #tpu.memory_space<hbm>>
      tpu.enqueue_dma source(%arg11 : memref<128x128xf32, #tpu.memory_space<vmem>>) target(%dma_start3A_73 : memref<128x128xf32, #tpu.memory_space<hbm>>) target_semaphore(%run_scoped3A : memref<!tpu.dma_semaphore, #tpu.memory_space<semaphore_mem>>)
      %dma_wait3A_74 = arith.constant 0 : i32
      %dma_wait3A_75 = tpu.memref_slice %arg6[%add3A_40, %dma_wait3A_74] : memref<327680x128xf32, #tpu.memory_space<hbm>> -> memref<128x128xf32, #tpu.memory_space<hbm>>
      %dma_wait3A_76 = arith.constant 0 : i32
      %dma_wait3A_77 = tpu.memref_slice %arg6[%add3A_40, %dma_wait3A_76] : memref<327680x128xf32, #tpu.memory_space<hbm>> -> memref<128x128xf32, #tpu.memory_space<hbm>>
      tpu.wait_dma2 semaphore(%run_scoped3A : memref<!tpu.dma_semaphore, #tpu.memory_space<semaphore_mem>>) src(%arg11 : memref<128x128xf32, #tpu.memory_space<vmem>>) dst(%dma_wait3A_77 : memref<128x128xf32, #tpu.memory_space<hbm>>)
      tpu.yield
    }) : () -> ()
    %add3A_54 = arith.constant 10112 : i32
    %add3A_55 = arith.addi %mul3A_6, %add3A_54 : i32
    %dma_wait3A_56 = arith.constant 79 : i32
    %dma_wait3A_57 = arith.constant 0 : i32
    %dma_wait3A_58 = tpu.memref_slice %arg7[%dma_wait3A_56, %dma_wait3A_57] : memref<80x128xi32, #tpu.memory_space<vmem>> -> memref<1x128xi32, #tpu.memory_space<vmem>>
    %dma_wait3A_59 = tpu.memref_squeeze %dma_wait3A_58 : memref<1x128xi32, #tpu.memory_space<vmem>> -> memref<128xi32, #tpu.memory_space<vmem>>
    %dma_wait3A_60 = arith.constant 0 : i32
    %dma_wait3A_61 = arith.constant 0 : i32
    %dma_wait3A_62 = tpu.memref_slice %arg2[%dma_wait3A_60, %dma_wait3A_61] : memref<10000x128xf32, #tpu.memory_space<hbm>> -> memref<10000x128xf32, #tpu.memory_space<hbm>>
    tpu.wait_indirect_dma semaphore(%arg14 : memref<!tpu.dma_semaphore, #tpu.memory_space<semaphore_mem>>) src(%dma_wait3A_62 : memref<10000x128xf32, #tpu.memory_space<hbm>>) dst(%arg10 : memref<128x128xf32, #tpu.memory_space<vmem>>)
    "tpu.region"() ({
      %run_scoped3A = tpu.sem_alloc : memref<!tpu.dma_semaphore, #tpu.memory_space<semaphore_mem>>
      %dma_start3A_70 = arith.constant 0 : i32
      %dma_start3A_71 = tpu.memref_slice %arg5[%add3A_55, %dma_start3A_70] : memref<327680x128xf32, #tpu.memory_space<hbm>> -> memref<128x128xf32, #tpu.memory_space<hbm>>
      %dma_start3A_72 = arith.constant 0 : i32
      %dma_start3A_73 = tpu.memref_slice %arg5[%add3A_55, %dma_start3A_72] : memref<327680x128xf32, #tpu.memory_space<hbm>> -> memref<128x128xf32, #tpu.memory_space<hbm>>
      tpu.enqueue_dma source(%arg10 : memref<128x128xf32, #tpu.memory_space<vmem>>) target(%dma_start3A_73 : memref<128x128xf32, #tpu.memory_space<hbm>>) target_semaphore(%run_scoped3A : memref<!tpu.dma_semaphore, #tpu.memory_space<semaphore_mem>>)
      %dma_wait3A_74 = arith.constant 0 : i32
      %dma_wait3A_75 = tpu.memref_slice %arg5[%add3A_55, %dma_wait3A_74] : memref<327680x128xf32, #tpu.memory_space<hbm>> -> memref<128x128xf32, #tpu.memory_space<hbm>>
      %dma_wait3A_76 = arith.constant 0 : i32
      %dma_wait3A_77 = tpu.memref_slice %arg5[%add3A_55, %dma_wait3A_76] : memref<327680x128xf32, #tpu.memory_space<hbm>> -> memref<128x128xf32, #tpu.memory_space<hbm>>
      tpu.wait_dma2 semaphore(%run_scoped3A : memref<!tpu.dma_semaphore, #tpu.memory_space<semaphore_mem>>) src(%arg10 : memref<128x128xf32, #tpu.memory_space<vmem>>) dst(%dma_wait3A_77 : memref<128x128xf32, #tpu.memory_space<hbm>>)
      tpu.yield
    }) : () -> ()
    %dma_wait3A_63 = arith.constant 79 : i32
    %dma_wait3A_64 = arith.constant 0 : i32
    %dma_wait3A_65 = tpu.memref_slice %arg8[%dma_wait3A_63, %dma_wait3A_64] : memref<80x128xi32, #tpu.memory_space<vmem>> -> memref<1x128xi32, #tpu.memory_space<vmem>>
    %dma_wait3A_66 = tpu.memref_squeeze %dma_wait3A_65 : memref<1x128xi32, #tpu.memory_space<vmem>> -> memref<128xi32, #tpu.memory_space<vmem>>
    %dma_wait3A_67 = arith.constant 0 : i32
    %dma_wait3A_68 = arith.constant 0 : i32
    %dma_wait3A_69 = tpu.memref_slice %arg2[%dma_wait3A_67, %dma_wait3A_68] : memref<10000x128xf32, #tpu.memory_space<hbm>> -> memref<10000x128xf32, #tpu.memory_space<hbm>>
    tpu.wait_indirect_dma semaphore(%arg16 : memref<!tpu.dma_semaphore, #tpu.memory_space<semaphore_mem>>) src(%dma_wait3A_69 : memref<10000x128xf32, #tpu.memory_space<hbm>>) dst(%arg12 : memref<128x128xf32, #tpu.memory_space<vmem>>)
    "tpu.region"() ({
      %run_scoped3A = tpu.sem_alloc : memref<!tpu.dma_semaphore, #tpu.memory_space<semaphore_mem>>
      %dma_start3A_70 = arith.constant 0 : i32
      %dma_start3A_71 = tpu.memref_slice %arg6[%add3A_55, %dma_start3A_70] : memref<327680x128xf32, #tpu.memory_space<hbm>> -> memref<128x128xf32, #tpu.memory_space<hbm>>
      %dma_start3A_72 = arith.constant 0 : i32
      %dma_start3A_73 = tpu.memref_slice %arg6[%add3A_55, %dma_start3A_72] : memref<327680x128xf32, #tpu.memory_space<hbm>> -> memref<128x128xf32, #tpu.memory_space<hbm>>
      tpu.enqueue_dma source(%arg12 : memref<128x128xf32, #tpu.memory_space<vmem>>) target(%dma_start3A_73 : memref<128x128xf32, #tpu.memory_space<hbm>>) target_semaphore(%run_scoped3A : memref<!tpu.dma_semaphore, #tpu.memory_space<semaphore_mem>>)
      %dma_wait3A_74 = arith.constant 0 : i32
      %dma_wait3A_75 = tpu.memref_slice %arg6[%add3A_55, %dma_wait3A_74] : memref<327680x128xf32, #tpu.memory_space<hbm>> -> memref<128x128xf32, #tpu.memory_space<hbm>>
      %dma_wait3A_76 = arith.constant 0 : i32
      %dma_wait3A_77 = tpu.memref_slice %arg6[%add3A_55, %dma_wait3A_76] : memref<327680x128xf32, #tpu.memory_space<hbm>> -> memref<128x128xf32, #tpu.memory_space<hbm>>
      tpu.wait_dma2 semaphore(%run_scoped3A : memref<!tpu.dma_semaphore, #tpu.memory_space<semaphore_mem>>) src(%arg12 : memref<128x128xf32, #tpu.memory_space<vmem>>) dst(%dma_wait3A_77 : memref<128x128xf32, #tpu.memory_space<hbm>>)
      tpu.yield
    }) : () -> ()
    return
  }
}

module attributes {stable_mosaic.version = 14 : i64} {
  func.func @_node1_body(%arg0: i32, %arg1: memref<1000x128xf32, #tpu.memory_space<vmem>>, %arg2: memref<128x64xf32, #tpu.memory_space<vmem>>, %arg3: memref<128x64xf32, #tpu.memory_space<vmem>>, %arg4: memref<1x64xf32, #tpu.memory_space<vmem>>, %arg5: memref<1000x128xf32, #tpu.memory_space<vmem>>, %arg6: memref<1000x80xf32, #tpu.memory_space<vmem>>) attributes {dimension_semantics = [#tpu.dimension_semantics<arbitrary>], iteration_bounds = array<i64: 10>, scalar_prefetch = 0 : i64, scratch_operands = 0 : i64, tpu.core_type = #tpu.core_type<tc>, window_params = [{transform_indices = @transform_0, window_bounds = array<i64: 1000, 128>}, {pipeline_mode = #tpu.pipeline_mode<synchronous>, transform_indices = @transform_1, window_bounds = array<i64: 128, 64>}, {pipeline_mode = #tpu.pipeline_mode<synchronous>, transform_indices = @transform_2, window_bounds = array<i64: 128, 64>}, {pipeline_mode = #tpu.pipeline_mode<synchronous>, transform_indices = @transform_3, window_bounds = array<i64: 1, 64>}, {transform_indices = @transform_4, window_bounds = array<i64: 1000, 128>}, {transform_indices = @transform_5, window_bounds = array<i64: 1000, 80>}]} {
    %get3A = arith.constant 0 : index
    %get3A_0 = arith.constant 0 : index
    %get3A_1 = vector.load %arg1[%get3A, %get3A_0] : memref<1000x128xf32, #tpu.memory_space<vmem>>, vector<1000x128xf32>
    %get3A_2 = arith.constant 0 : index
    %get3A_3 = arith.constant 0 : index
    %get3A_4 = vector.load %arg2[%get3A_2, %get3A_3] : memref<128x64xf32, #tpu.memory_space<vmem>>, vector<128x64xf32>
    %dot_general3A = arith.constant dense<0.000000e+00> : vector<1000x64xf32>
    %dot_general3A_5 = tpu.matmul %get3A_1, %get3A_4, %dot_general3A {dimension_numbers = #tpu.dot_dimension_numbers<[1], [0], [0], [1], [0, 0, 1, 1], [], []>, transpose_lhs_hint = false} : vector<1000x128xf32>, vector<128x64xf32>, vector<1000x64xf32> -> vector<1000x64xf32>
    %get3A_6 = arith.constant 0 : index
    %get3A_7 = arith.constant 0 : index
    %get3A_8 = vector.load %arg3[%get3A_6, %get3A_7] : memref<128x64xf32, #tpu.memory_space<vmem>>, vector<128x64xf32>
    %dot_general3A_9 = arith.constant dense<0.000000e+00> : vector<1000x64xf32>
    %dot_general3A_10 = tpu.matmul %get3A_1, %get3A_8, %dot_general3A_9 {dimension_numbers = #tpu.dot_dimension_numbers<[1], [0], [0], [1], [0, 0, 1, 1], [], []>, transpose_lhs_hint = false} : vector<1000x128xf32>, vector<128x64xf32>, vector<1000x64xf32> -> vector<1000x64xf32>
    %add3A = arith.addf %dot_general3A_5, %dot_general3A_10 : vector<1000x64xf32>
    %mul3A = arith.constant 2.000000e-01 : f32
    %mul3A_11 = vector.broadcast %mul3A : f32 to vector<1000x64xf32>
    %mul3A_12 = arith.mulf %mul3A_11, %add3A : vector<1000x64xf32>
    %max3A = arith.maximumf %add3A, %mul3A_12 : vector<1000x64xf32>
    %get3A_13 = arith.constant 0 : index
    %get3A_14 = arith.constant 0 : index
    %get3A_15 = vector.load %arg4[%get3A_13, %get3A_14] : memref<1x64xf32, #tpu.memory_space<vmem>>, vector<1x64xf32>
    %mul3A_16 = vector.broadcast %get3A_15 : vector<1x64xf32> to vector<1000x64xf32>
    %mul3A_17 = arith.mulf %max3A, %mul3A_16 : vector<1000x64xf32>
    %iota3A = tpu.iota {dimensions = array<i32: 0>} : vector<64x8xi32>
    %jit3A = arith.constant 8 : i32
    %div3A = vector.broadcast %jit3A : i32 to vector<64x8xi32>
    %div3A_18 = arith.divsi %iota3A, %div3A : vector<64x8xi32>
    %sign3A = arith.constant 0 : i32
    %sign3A_19 = vector.broadcast %sign3A : i32 to vector<64x8xi32>
    %sign3A_20 = arith.cmpi sgt, %iota3A, %sign3A_19 : vector<64x8xi32>
    %sign3A_21 = arith.extui %sign3A_20 : vector<64x8xi1> to vector<64x8xi32>
    %sign3A_22 = arith.constant 0 : i32
    %sign3A_23 = vector.broadcast %sign3A_22 : i32 to vector<64x8xi32>
    %sign3A_24 = arith.cmpi slt, %iota3A, %sign3A_23 : vector<64x8xi32>
    %sign3A_25 = arith.extui %sign3A_24 : vector<64x8xi1> to vector<64x8xi32>
    %sign3A_26 = arith.subi %sign3A_21, %sign3A_25 : vector<64x8xi32>
    %sign3A_27 = arith.constant 0 : i32
    %sign3A_28 = arith.cmpi sgt, %jit3A, %sign3A_27 : i32
    %sign3A_29 = arith.extui %sign3A_28 : i1 to i32
    %sign3A_30 = arith.constant 0 : i32
    %sign3A_31 = arith.cmpi slt, %jit3A, %sign3A_30 : i32
    %sign3A_32 = arith.extui %sign3A_31 : i1 to i32
    %sign3A_33 = arith.subi %sign3A_29, %sign3A_32 : i32
    %ne3A = vector.broadcast %sign3A_33 : i32 to vector<64x8xi32>
    %ne3A_34 = arith.cmpi ne, %sign3A_26, %ne3A : vector<64x8xi32>
    %rem3A = vector.broadcast %jit3A : i32 to vector<64x8xi32>
    %rem3A_35 = arith.remsi %iota3A, %rem3A : vector<64x8xi32>
    %ne3A_36 = arith.constant 0 : i32
    %ne3A_37 = vector.broadcast %ne3A_36 : i32 to vector<64x8xi32>
    %ne3A_38 = arith.cmpi ne, %rem3A_35, %ne3A_37 : vector<64x8xi32>
    %and3A = arith.andi %ne3A_34, %ne3A_38 : vector<64x8xi1>
    %sub3A = arith.constant 1 : i32
    %sub3A_39 = vector.broadcast %sub3A : i32 to vector<64x8xi32>
    %sub3A_40 = arith.subi %div3A_18, %sub3A_39 : vector<64x8xi32>
    %select_n3A = arith.select %and3A, %sub3A_40, %div3A_18 : vector<64x8xi1>, vector<64x8xi32>
    %iota3A_41 = tpu.iota {dimensions = array<i32: 1>} : vector<64x8xi32>
    %eq3A = arith.cmpi eq, %select_n3A, %iota3A_41 : vector<64x8xi32>
    %convert_element_type3A = arith.extui %eq3A : vector<64x8xi1> to vector<64x8xi32>
    %convert_element_type3A_42 = arith.sitofp %convert_element_type3A : vector<64x8xi32> to vector<64x8xf32>
    %dot_general3A_43 = arith.constant dense<0.000000e+00> : vector<1000x8xf32>
    %dot_general3A_44 = tpu.matmul %mul3A_17, %convert_element_type3A_42, %dot_general3A_43 {dimension_numbers = #tpu.dot_dimension_numbers<[1], [0], [0], [1], [0, 0, 1, 1], [], []>, transpose_lhs_hint = false} : vector<1000x64xf32>, vector<64x8xf32>, vector<1000x8xf32> -> vector<1000x8xf32>
    %exp3A = math.exp %dot_general3A_44 : vector<1000x8xf32>
    %iota3A_45 = tpu.iota {dimensions = array<i32: 1>} : vector<8x64xi32>
    %jit3A_46 = arith.constant 8 : i32
    %div3A_47 = vector.broadcast %jit3A_46 : i32 to vector<8x64xi32>
    %div3A_48 = arith.divsi %iota3A_45, %div3A_47 : vector<8x64xi32>
    %sign3A_49 = arith.constant 0 : i32
    %sign3A_50 = vector.broadcast %sign3A_49 : i32 to vector<8x64xi32>
    %sign3A_51 = arith.cmpi sgt, %iota3A_45, %sign3A_50 : vector<8x64xi32>
    %sign3A_52 = arith.extui %sign3A_51 : vector<8x64xi1> to vector<8x64xi32>
    %sign3A_53 = arith.constant 0 : i32
    %sign3A_54 = vector.broadcast %sign3A_53 : i32 to vector<8x64xi32>
    %sign3A_55 = arith.cmpi slt, %iota3A_45, %sign3A_54 : vector<8x64xi32>
    %sign3A_56 = arith.extui %sign3A_55 : vector<8x64xi1> to vector<8x64xi32>
    %sign3A_57 = arith.subi %sign3A_52, %sign3A_56 : vector<8x64xi32>
    %sign3A_58 = arith.constant 0 : i32
    %sign3A_59 = arith.cmpi sgt, %jit3A_46, %sign3A_58 : i32
    %sign3A_60 = arith.extui %sign3A_59 : i1 to i32
    %sign3A_61 = arith.constant 0 : i32
    %sign3A_62 = arith.cmpi slt, %jit3A_46, %sign3A_61 : i32
    %sign3A_63 = arith.extui %sign3A_62 : i1 to i32
    %sign3A_64 = arith.subi %sign3A_60, %sign3A_63 : i32
    %ne3A_65 = vector.broadcast %sign3A_64 : i32 to vector<8x64xi32>
    %ne3A_66 = arith.cmpi ne, %sign3A_57, %ne3A_65 : vector<8x64xi32>
    %rem3A_67 = vector.broadcast %jit3A_46 : i32 to vector<8x64xi32>
    %rem3A_68 = arith.remsi %iota3A_45, %rem3A_67 : vector<8x64xi32>
    %ne3A_69 = arith.constant 0 : i32
    %ne3A_70 = vector.broadcast %ne3A_69 : i32 to vector<8x64xi32>
    %ne3A_71 = arith.cmpi ne, %rem3A_68, %ne3A_70 : vector<8x64xi32>
    %and3A_72 = arith.andi %ne3A_66, %ne3A_71 : vector<8x64xi1>
    %sub3A_73 = arith.constant 1 : i32
    %sub3A_74 = vector.broadcast %sub3A_73 : i32 to vector<8x64xi32>
    %sub3A_75 = arith.subi %div3A_48, %sub3A_74 : vector<8x64xi32>
    %select_n3A_76 = arith.select %and3A_72, %sub3A_75, %div3A_48 : vector<8x64xi1>, vector<8x64xi32>
    %iota3A_77 = tpu.iota {dimensions = array<i32: 0>} : vector<8x64xi32>
    %eq3A_78 = arith.cmpi eq, %select_n3A_76, %iota3A_77 : vector<8x64xi32>
    %convert_element_type3A_79 = arith.extui %eq3A_78 : vector<8x64xi1> to vector<8x64xi32>
    %convert_element_type3A_80 = arith.sitofp %convert_element_type3A_79 : vector<8x64xi32> to vector<8x64xf32>
    %dot_general3A_81 = arith.constant dense<0.000000e+00> : vector<1000x64xf32>
    %dot_general3A_82 = tpu.matmul %exp3A, %convert_element_type3A_80, %dot_general3A_81 {dimension_numbers = #tpu.dot_dimension_numbers<[1], [0], [0], [1], [0, 0, 1, 1], [], []>, transpose_lhs_hint = false} : vector<1000x8xf32>, vector<8x64xf32>, vector<1000x64xf32> -> vector<1000x64xf32>
    %mul3A_83 = arith.mulf %dot_general3A_5, %dot_general3A_82 : vector<1000x64xf32>
    %iota3A_84 = tpu.iota {dimensions = array<i32: 0>} : vector<64x80xi32>
    %iota3A_85 = tpu.iota {dimensions = array<i32: 1>} : vector<64x80xi32>
    %eq3A_86 = arith.cmpi eq, %iota3A_84, %iota3A_85 : vector<64x80xi32>
    %convert_element_type3A_87 = arith.extui %eq3A_86 : vector<64x80xi1> to vector<64x80xi32>
    %convert_element_type3A_88 = arith.sitofp %convert_element_type3A_87 : vector<64x80xi32> to vector<64x80xf32>
    %dot_general3A_89 = arith.constant dense<0.000000e+00> : vector<1000x80xf32>
    %dot_general3A_90 = tpu.matmul %mul3A_83, %convert_element_type3A_88, %dot_general3A_89 {dimension_numbers = #tpu.dot_dimension_numbers<[1], [0], [0], [1], [0, 0, 1, 1], [], []>, transpose_lhs_hint = false} : vector<1000x64xf32>, vector<64x80xf32>, vector<1000x80xf32> -> vector<1000x80xf32>
    %iota3A_91 = tpu.iota {dimensions = array<i32: 0>} : vector<8x80xi32>
    %add3A_92 = arith.constant 64 : i32
    %add3A_93 = vector.broadcast %add3A_92 : i32 to vector<8x80xi32>
    %add3A_94 = arith.addi %iota3A_91, %add3A_93 : vector<8x80xi32>
    %iota3A_95 = tpu.iota {dimensions = array<i32: 1>} : vector<8x80xi32>
    %eq3A_96 = arith.cmpi eq, %add3A_94, %iota3A_95 : vector<8x80xi32>
    %convert_element_type3A_97 = arith.extui %eq3A_96 : vector<8x80xi1> to vector<8x80xi32>
    %convert_element_type3A_98 = arith.sitofp %convert_element_type3A_97 : vector<8x80xi32> to vector<8x80xf32>
    %dot_general3A_99 = arith.constant dense<0.000000e+00> : vector<1000x80xf32>
    %dot_general3A_100 = tpu.matmul %exp3A, %convert_element_type3A_98, %dot_general3A_99 {dimension_numbers = #tpu.dot_dimension_numbers<[1], [0], [0], [1], [0, 0, 1, 1], [], []>, transpose_lhs_hint = false} : vector<1000x8xf32>, vector<8x80xf32>, vector<1000x80xf32> -> vector<1000x80xf32>
    %add3A_101 = arith.addf %dot_general3A_90, %dot_general3A_100 : vector<1000x80xf32>
    %mul3A_102 = arith.constant 5.000000e-01 : f32
    %mul3A_103 = vector.broadcast %mul3A_102 : f32 to vector<1000x80xf32>
    %mul3A_104 = arith.mulf %mul3A_103, %add3A_101 : vector<1000x80xf32>
    %swap3A = arith.constant 0 : index
    %swap3A_105 = arith.constant 0 : index
    %swap3A_106 = vector.load %arg6[%swap3A, %swap3A_105] : memref<1000x80xf32, #tpu.memory_space<vmem>>, vector<1000x80xf32>
    tpu.vector_store %arg6[%swap3A, %swap3A_105], %mul3A_104 {strides = array<i32>} : memref<1000x80xf32, #tpu.memory_space<vmem>>, vector<1000x80xf32>,
    %iota3A_107 = tpu.iota {dimensions = array<i32: 0>} : vector<64x128xi32>
    %add3A_108 = arith.constant 0 : i32
    %add3A_109 = vector.broadcast %add3A_108 : i32 to vector<64x128xi32>
    %add3A_110 = arith.addi %iota3A_107, %add3A_109 : vector<64x128xi32>
    %iota3A_111 = tpu.iota {dimensions = array<i32: 1>} : vector<64x128xi32>
    %eq3A_112 = arith.cmpi eq, %add3A_110, %iota3A_111 : vector<64x128xi32>
    %convert_element_type3A_113 = arith.extui %eq3A_112 : vector<64x128xi1> to vector<64x128xi32>
    %convert_element_type3A_114 = arith.sitofp %convert_element_type3A_113 : vector<64x128xi32> to vector<64x128xf32>
    %dot_general3A_115 = arith.constant dense<0.000000e+00> : vector<1000x128xf32>
    %dot_general3A_116 = tpu.matmul %dot_general3A_5, %convert_element_type3A_114, %dot_general3A_115 {dimension_numbers = #tpu.dot_dimension_numbers<[1], [0], [0], [1], [0, 0, 1, 1], [], []>, transpose_lhs_hint = false} : vector<1000x64xf32>, vector<64x128xf32>, vector<1000x128xf32> -> vector<1000x128xf32>
    %iota3A_117 = tpu.iota {dimensions = array<i32: 0>} : vector<64x128xi32>
    %add3A_118 = arith.constant 64 : i32
    %add3A_119 = vector.broadcast %add3A_118 : i32 to vector<64x128xi32>
    %add3A_120 = arith.addi %iota3A_117, %add3A_119 : vector<64x128xi32>
    %iota3A_121 = tpu.iota {dimensions = array<i32: 1>} : vector<64x128xi32>
    %eq3A_122 = arith.cmpi eq, %add3A_120, %iota3A_121 : vector<64x128xi32>
    %convert_element_type3A_123 = arith.extui %eq3A_122 : vector<64x128xi1> to vector<64x128xi32>
    %convert_element_type3A_124 = arith.sitofp %convert_element_type3A_123 : vector<64x128xi32> to vector<64x128xf32>
    %dot_general3A_125 = arith.constant dense<0.000000e+00> : vector<1000x128xf32>
    %dot_general3A_126 = tpu.matmul %dot_general3A_10, %convert_element_type3A_124, %dot_general3A_125 {dimension_numbers = #tpu.dot_dimension_numbers<[1], [0], [0], [1], [0, 0, 1, 1], [], []>, transpose_lhs_hint = false} : vector<1000x64xf32>, vector<64x128xf32>, vector<1000x128xf32> -> vector<1000x128xf32>
    %add3A_127 = arith.addf %dot_general3A_116, %dot_general3A_126 : vector<1000x128xf32>
    %swap3A_128 = arith.constant 0 : index
    %swap3A_129 = arith.constant 0 : index
    %swap3A_130 = vector.load %arg5[%swap3A_128, %swap3A_129] : memref<1000x128xf32, #tpu.memory_space<vmem>>, vector<1000x128xf32>
    tpu.vector_store %arg5[%swap3A_128, %swap3A_129], %add3A_127 {strides = array<i32>} : memref<1000x128xf32, #tpu.memory_space<vmem>>, vector<1000x128xf32>,
    return
  }
  func.func @transform_0(%arg0: i32) -> (i32, i32) {
    %c0_i32 = arith.constant 0 : i32
    %c0_i32_0 = arith.constant 0 : i32
    return %arg0, %c0_i32 : i32, i32
  }
  func.func @transform_1(%arg0: i32) -> (i32, i32) {
    %c0_i32 = arith.constant 0 : i32
    %c0_i32_0 = arith.constant 0 : i32
    %c0_i32_1 = arith.constant 0 : i32
    return %c0_i32, %c0_i32_0 : i32, i32
  }
  func.func @transform_2(%arg0: i32) -> (i32, i32) {
    %c0_i32 = arith.constant 0 : i32
    %c0_i32_0 = arith.constant 0 : i32
    %c0_i32_1 = arith.constant 0 : i32
    return %c0_i32, %c0_i32_0 : i32, i32
  }
  func.func @transform_3(%arg0: i32) -> (i32, i32) {
    %c0_i32 = arith.constant 0 : i32
    %c0_i32_0 = arith.constant 0 : i32
    %c0_i32_1 = arith.constant 0 : i32
    return %c0_i32, %c0_i32_0 : i32, i32
  }
  func.func @transform_4(%arg0: i32) -> (i32, i32) {
    %c0_i32 = arith.constant 0 : i32
    %c0_i32_0 = arith.constant 0 : i32
    return %arg0, %c0_i32 : i32, i32
  }
  func.func @transform_5(%arg0: i32) -> (i32, i32) {
    %c0_i32 = arith.constant 0 : i32
    %c0_i32_0 = arith.constant 0 : i32
    return %arg0, %c0_i32 : i32, i32
  }
}

module attributes {stable_mosaic.version = 14 : i64} {
  func.func @_edge1_body(%arg0: i32, %arg1: memref<2048x128xf32, #tpu.memory_space<vmem>>, %arg2: memref<2048x128xf32, #tpu.memory_space<vmem>>, %arg3: memref<1x64xf32, #tpu.memory_space<vmem>>, %arg4: memref<2048x80xf32, #tpu.memory_space<vmem>>) attributes {dimension_semantics = [#tpu.dimension_semantics<arbitrary>], iteration_bounds = array<i64: 160>, scalar_prefetch = 0 : i64, scratch_operands = 0 : i64, tpu.core_type = #tpu.core_type<tc>, window_params = [{transform_indices = @transform_0, window_bounds = array<i64: 2048, 128>}, {transform_indices = @transform_1, window_bounds = array<i64: 2048, 128>}, {pipeline_mode = #tpu.pipeline_mode<synchronous>, transform_indices = @transform_2, window_bounds = array<i64: 1, 64>}, {transform_indices = @transform_3, window_bounds = array<i64: 2048, 80>}]} {
    %get3A = arith.constant 0 : index
    %get3A_0 = arith.constant 0 : index
    %get3A_1 = vector.load %arg1[%get3A, %get3A_0] : memref<2048x128xf32, #tpu.memory_space<vmem>>, vector<2048x128xf32>
    %iota3A = tpu.iota {dimensions = array<i32: 0>} : vector<128x64xi32>
    %iota3A_2 = tpu.iota {dimensions = array<i32: 1>} : vector<128x64xi32>
    %add3A = arith.constant 0 : i32
    %add3A_3 = vector.broadcast %add3A : i32 to vector<128x64xi32>
    %add3A_4 = arith.addi %iota3A_2, %add3A_3 : vector<128x64xi32>
    %eq3A = arith.cmpi eq, %iota3A, %add3A_4 : vector<128x64xi32>
    %convert_element_type3A = arith.extui %eq3A : vector<128x64xi1> to vector<128x64xi32>
    %convert_element_type3A_5 = arith.sitofp %convert_element_type3A : vector<128x64xi32> to vector<128x64xf32>
    %dot_general3A = arith.constant dense<0.000000e+00> : vector<2048x64xf32>
    %dot_general3A_6 = tpu.matmul %get3A_1, %convert_element_type3A_5, %dot_general3A {dimension_numbers = #tpu.dot_dimension_numbers<[1], [0], [0], [1], [0, 0, 1, 1], [], []>, transpose_lhs_hint = false} : vector<2048x128xf32>, vector<128x64xf32>, vector<2048x64xf32> -> vector<2048x64xf32>
    %get3A_7 = arith.constant 0 : index
    %get3A_8 = arith.constant 0 : index
    %get3A_9 = vector.load %arg2[%get3A_7, %get3A_8] : memref<2048x128xf32, #tpu.memory_space<vmem>>, vector<2048x128xf32>
    %iota3A_10 = tpu.iota {dimensions = array<i32: 0>} : vector<128x64xi32>
    %iota3A_11 = tpu.iota {dimensions = array<i32: 1>} : vector<128x64xi32>
    %add3A_12 = arith.constant 64 : i32
    %add3A_13 = vector.broadcast %add3A_12 : i32 to vector<128x64xi32>
    %add3A_14 = arith.addi %iota3A_11, %add3A_13 : vector<128x64xi32>
    %eq3A_15 = arith.cmpi eq, %iota3A_10, %add3A_14 : vector<128x64xi32>
    %convert_element_type3A_16 = arith.extui %eq3A_15 : vector<128x64xi1> to vector<128x64xi32>
    %convert_element_type3A_17 = arith.sitofp %convert_element_type3A_16 : vector<128x64xi32> to vector<128x64xf32>
    %dot_general3A_18 = arith.constant dense<0.000000e+00> : vector<2048x64xf32>
    %dot_general3A_19 = tpu.matmul %get3A_9, %convert_element_type3A_17, %dot_general3A_18 {dimension_numbers = #tpu.dot_dimension_numbers<[1], [0], [0], [1], [0, 0, 1, 1], [], []>, transpose_lhs_hint = false} : vector<2048x128xf32>, vector<128x64xf32>, vector<2048x64xf32> -> vector<2048x64xf32>
    %add3A_20 = arith.addf %dot_general3A_6, %dot_general3A_19 : vector<2048x64xf32>
    %mul3A = arith.constant 2.000000e-01 : f32
    %mul3A_21 = vector.broadcast %mul3A : f32 to vector<2048x64xf32>
    %mul3A_22 = arith.mulf %mul3A_21, %add3A_20 : vector<2048x64xf32>
    %max3A = arith.maximumf %add3A_20, %mul3A_22 : vector<2048x64xf32>
    %get3A_23 = arith.constant 0 : index
    %get3A_24 = arith.constant 0 : index
    %get3A_25 = vector.load %arg3[%get3A_23, %get3A_24] : memref<1x64xf32, #tpu.memory_space<vmem>>, vector<1x64xf32>
    %mul3A_26 = vector.broadcast %get3A_25 : vector<1x64xf32> to vector<2048x64xf32>
    %mul3A_27 = arith.mulf %max3A, %mul3A_26 : vector<2048x64xf32>
    %iota3A_28 = tpu.iota {dimensions = array<i32: 0>} : vector<64x8xi32>
    %jit3A = arith.constant 8 : i32
    %div3A = vector.broadcast %jit3A : i32 to vector<64x8xi32>
    %div3A_29 = arith.divsi %iota3A_28, %div3A : vector<64x8xi32>
    %sign3A = arith.constant 0 : i32
    %sign3A_30 = vector.broadcast %sign3A : i32 to vector<64x8xi32>
    %sign3A_31 = arith.cmpi sgt, %iota3A_28, %sign3A_30 : vector<64x8xi32>
    %sign3A_32 = arith.extui %sign3A_31 : vector<64x8xi1> to vector<64x8xi32>
    %sign3A_33 = arith.constant 0 : i32
    %sign3A_34 = vector.broadcast %sign3A_33 : i32 to vector<64x8xi32>
    %sign3A_35 = arith.cmpi slt, %iota3A_28, %sign3A_34 : vector<64x8xi32>
    %sign3A_36 = arith.extui %sign3A_35 : vector<64x8xi1> to vector<64x8xi32>
    %sign3A_37 = arith.subi %sign3A_32, %sign3A_36 : vector<64x8xi32>
    %sign3A_38 = arith.constant 0 : i32
    %sign3A_39 = arith.cmpi sgt, %jit3A, %sign3A_38 : i32
    %sign3A_40 = arith.extui %sign3A_39 : i1 to i32
    %sign3A_41 = arith.constant 0 : i32
    %sign3A_42 = arith.cmpi slt, %jit3A, %sign3A_41 : i32
    %sign3A_43 = arith.extui %sign3A_42 : i1 to i32
    %sign3A_44 = arith.subi %sign3A_40, %sign3A_43 : i32
    %ne3A = vector.broadcast %sign3A_44 : i32 to vector<64x8xi32>
    %ne3A_45 = arith.cmpi ne, %sign3A_37, %ne3A : vector<64x8xi32>
    %rem3A = vector.broadcast %jit3A : i32 to vector<64x8xi32>
    %rem3A_46 = arith.remsi %iota3A_28, %rem3A : vector<64x8xi32>
    %ne3A_47 = arith.constant 0 : i32
    %ne3A_48 = vector.broadcast %ne3A_47 : i32 to vector<64x8xi32>
    %ne3A_49 = arith.cmpi ne, %rem3A_46, %ne3A_48 : vector<64x8xi32>
    %and3A = arith.andi %ne3A_45, %ne3A_49 : vector<64x8xi1>
    %sub3A = arith.constant 1 : i32
    %sub3A_50 = vector.broadcast %sub3A : i32 to vector<64x8xi32>
    %sub3A_51 = arith.subi %div3A_29, %sub3A_50 : vector<64x8xi32>
    %select_n3A = arith.select %and3A, %sub3A_51, %div3A_29 : vector<64x8xi1>, vector<64x8xi32>
    %iota3A_52 = tpu.iota {dimensions = array<i32: 1>} : vector<64x8xi32>
    %eq3A_53 = arith.cmpi eq, %select_n3A, %iota3A_52 : vector<64x8xi32>
    %convert_element_type3A_54 = arith.extui %eq3A_53 : vector<64x8xi1> to vector<64x8xi32>
    %convert_element_type3A_55 = arith.sitofp %convert_element_type3A_54 : vector<64x8xi32> to vector<64x8xf32>
    %dot_general3A_56 = arith.constant dense<0.000000e+00> : vector<2048x8xf32>
    %dot_general3A_57 = tpu.matmul %mul3A_27, %convert_element_type3A_55, %dot_general3A_56 {dimension_numbers = #tpu.dot_dimension_numbers<[1], [0], [0], [1], [0, 0, 1, 1], [], []>, transpose_lhs_hint = false} : vector<2048x64xf32>, vector<64x8xf32>, vector<2048x8xf32> -> vector<2048x8xf32>
    %exp3A = math.exp %dot_general3A_57 : vector<2048x8xf32>
    %iota3A_58 = tpu.iota {dimensions = array<i32: 1>} : vector<8x64xi32>
    %jit3A_59 = arith.constant 8 : i32
    %div3A_60 = vector.broadcast %jit3A_59 : i32 to vector<8x64xi32>
    %div3A_61 = arith.divsi %iota3A_58, %div3A_60 : vector<8x64xi32>
    %sign3A_62 = arith.constant 0 : i32
    %sign3A_63 = vector.broadcast %sign3A_62 : i32 to vector<8x64xi32>
    %sign3A_64 = arith.cmpi sgt, %iota3A_58, %sign3A_63 : vector<8x64xi32>
    %sign3A_65 = arith.extui %sign3A_64 : vector<8x64xi1> to vector<8x64xi32>
    %sign3A_66 = arith.constant 0 : i32
    %sign3A_67 = vector.broadcast %sign3A_66 : i32 to vector<8x64xi32>
    %sign3A_68 = arith.cmpi slt, %iota3A_58, %sign3A_67 : vector<8x64xi32>
    %sign3A_69 = arith.extui %sign3A_68 : vector<8x64xi1> to vector<8x64xi32>
    %sign3A_70 = arith.subi %sign3A_65, %sign3A_69 : vector<8x64xi32>
    %sign3A_71 = arith.constant 0 : i32
    %sign3A_72 = arith.cmpi sgt, %jit3A_59, %sign3A_71 : i32
    %sign3A_73 = arith.extui %sign3A_72 : i1 to i32
    %sign3A_74 = arith.constant 0 : i32
    %sign3A_75 = arith.cmpi slt, %jit3A_59, %sign3A_74 : i32
    %sign3A_76 = arith.extui %sign3A_75 : i1 to i32
    %sign3A_77 = arith.subi %sign3A_73, %sign3A_76 : i32
    %ne3A_78 = vector.broadcast %sign3A_77 : i32 to vector<8x64xi32>
    %ne3A_79 = arith.cmpi ne, %sign3A_70, %ne3A_78 : vector<8x64xi32>
    %rem3A_80 = vector.broadcast %jit3A_59 : i32 to vector<8x64xi32>
    %rem3A_81 = arith.remsi %iota3A_58, %rem3A_80 : vector<8x64xi32>
    %ne3A_82 = arith.constant 0 : i32
    %ne3A_83 = vector.broadcast %ne3A_82 : i32 to vector<8x64xi32>
    %ne3A_84 = arith.cmpi ne, %rem3A_81, %ne3A_83 : vector<8x64xi32>
    %and3A_85 = arith.andi %ne3A_79, %ne3A_84 : vector<8x64xi1>
    %sub3A_86 = arith.constant 1 : i32
    %sub3A_87 = vector.broadcast %sub3A_86 : i32 to vector<8x64xi32>
    %sub3A_88 = arith.subi %div3A_61, %sub3A_87 : vector<8x64xi32>
    %select_n3A_89 = arith.select %and3A_85, %sub3A_88, %div3A_61 : vector<8x64xi1>, vector<8x64xi32>
    %iota3A_90 = tpu.iota {dimensions = array<i32: 0>} : vector<8x64xi32>
    %eq3A_91 = arith.cmpi eq, %select_n3A_89, %iota3A_90 : vector<8x64xi32>
    %convert_element_type3A_92 = arith.extui %eq3A_91 : vector<8x64xi1> to vector<8x64xi32>
    %convert_element_type3A_93 = arith.sitofp %convert_element_type3A_92 : vector<8x64xi32> to vector<8x64xf32>
    %dot_general3A_94 = arith.constant dense<0.000000e+00> : vector<2048x64xf32>
    %dot_general3A_95 = tpu.matmul %exp3A, %convert_element_type3A_93, %dot_general3A_94 {dimension_numbers = #tpu.dot_dimension_numbers<[1], [0], [0], [1], [0, 0, 1, 1], [], []>, transpose_lhs_hint = false} : vector<2048x8xf32>, vector<8x64xf32>, vector<2048x64xf32> -> vector<2048x64xf32>
    %mul3A_96 = arith.mulf %dot_general3A_6, %dot_general3A_95 : vector<2048x64xf32>
    %iota3A_97 = tpu.iota {dimensions = array<i32: 0>} : vector<64x80xi32>
    %iota3A_98 = tpu.iota {dimensions = array<i32: 1>} : vector<64x80xi32>
    %eq3A_99 = arith.cmpi eq, %iota3A_97, %iota3A_98 : vector<64x80xi32>
    %convert_element_type3A_100 = arith.extui %eq3A_99 : vector<64x80xi1> to vector<64x80xi32>
    %convert_element_type3A_101 = arith.sitofp %convert_element_type3A_100 : vector<64x80xi32> to vector<64x80xf32>
    %dot_general3A_102 = arith.constant dense<0.000000e+00> : vector<2048x80xf32>
    %dot_general3A_103 = tpu.matmul %mul3A_96, %convert_element_type3A_101, %dot_general3A_102 {dimension_numbers = #tpu.dot_dimension_numbers<[1], [0], [0], [1], [0, 0, 1, 1], [], []>, transpose_lhs_hint = false} : vector<2048x64xf32>, vector<64x80xf32>, vector<2048x80xf32> -> vector<2048x80xf32>
    %iota3A_104 = tpu.iota {dimensions = array<i32: 0>} : vector<8x80xi32>
    %add3A_105 = arith.constant 64 : i32
    %add3A_106 = vector.broadcast %add3A_105 : i32 to vector<8x80xi32>
    %add3A_107 = arith.addi %iota3A_104, %add3A_106 : vector<8x80xi32>
    %iota3A_108 = tpu.iota {dimensions = array<i32: 1>} : vector<8x80xi32>
    %eq3A_109 = arith.cmpi eq, %add3A_107, %iota3A_108 : vector<8x80xi32>
    %convert_element_type3A_110 = arith.extui %eq3A_109 : vector<8x80xi1> to vector<8x80xi32>
    %convert_element_type3A_111 = arith.sitofp %convert_element_type3A_110 : vector<8x80xi32> to vector<8x80xf32>
    %dot_general3A_112 = arith.constant dense<0.000000e+00> : vector<2048x80xf32>
    %dot_general3A_113 = tpu.matmul %exp3A, %convert_element_type3A_111, %dot_general3A_112 {dimension_numbers = #tpu.dot_dimension_numbers<[1], [0], [0], [1], [0, 0, 1, 1], [], []>, transpose_lhs_hint = false} : vector<2048x8xf32>, vector<8x80xf32>, vector<2048x80xf32> -> vector<2048x80xf32>
    %add3A_114 = arith.addf %dot_general3A_103, %dot_general3A_113 : vector<2048x80xf32>
    %mul3A_115 = arith.constant 2048 : i32
    %mul3A_116 = arith.muli %arg0, %mul3A_115 : i32
    %iota3A_117 = tpu.iota {dimensions = array<i32: 0>} : vector<2048x1xi32>
    %add3A_118 = vector.broadcast %mul3A_116 : i32 to vector<2048x1xi32>
    %add3A_119 = arith.addi %add3A_118, %iota3A_117 : vector<2048x1xi32>
    %lt3A = arith.constant 320000 : i32
    %lt3A_120 = vector.broadcast %lt3A : i32 to vector<2048x1xi32>
    %lt3A_121 = arith.cmpi slt, %add3A_119, %lt3A_120 : vector<2048x1xi32>
    %jit3A_122 = arith.constant 0.000000e+00 : f32
    %broadcast_in_dim3A = vector.shape_cast %lt3A_121 : vector<2048x1xi1> to vector<2048x1xi1>
    %broadcast_in_dim3A_123 = vector.broadcast %broadcast_in_dim3A : vector<2048x1xi1> to vector<2048x80xi1>
    %broadcast_in_dim3A_124 = vector.broadcast %jit3A_122 : f32 to vector<2048x80xf32>
    %select_n3A_125 = arith.select %broadcast_in_dim3A_123, %add3A_114, %broadcast_in_dim3A_124 : vector<2048x80xi1>, vector<2048x80xf32>
    %swap3A = arith.constant 0 : index
    %swap3A_126 = arith.constant 0 : index
    %swap3A_127 = vector.load %arg4[%swap3A, %swap3A_126] : memref<2048x80xf32, #tpu.memory_space<vmem>>, vector<2048x80xf32>
    tpu.vector_store %arg4[%swap3A, %swap3A_126], %select_n3A_125 {strides = array<i32>} : memref<2048x80xf32, #tpu.memory_space<vmem>>, vector<2048x80xf32>,
    return
  }
  func.func @transform_0(%arg0: i32) -> (i32, i32) {
    %c0_i32 = arith.constant 0 : i32
    %c0_i32_0 = arith.constant 0 : i32
    return %arg0, %c0_i32 : i32, i32
  }
  func.func @transform_1(%arg0: i32) -> (i32, i32) {
    %c0_i32 = arith.constant 0 : i32
    %c0_i32_0 = arith.constant 0 : i32
    return %arg0, %c0_i32 : i32, i32
  }
  func.func @transform_2(%arg0: i32) -> (i32, i32) {
    %c0_i32 = arith.constant 0 : i32
    %c0_i32_0 = arith.constant 0 : i32
    %c0_i32_1 = arith.constant 0 : i32
    return %c0_i32, %c0_i32_0 : i32, i32
  }
  func.func @transform_3(%arg0: i32) -> (i32, i32) {
    %c0_i32 = arith.constant 0 : i32
    %c0_i32_0 = arith.constant 0 : i32
    return %arg0, %c0_i32 : i32, i32
  }
}

module attributes {stable_mosaic.version = 14 : i64} {
  func.func @_node2_body(%arg0: i32, %arg1: memref<1000x80xf32, #tpu.memory_space<vmem>>, %arg2: memref<1000x80xf32, #tpu.memory_space<vmem>>, %arg3: memref<1x64xf32, #tpu.memory_space<vmem>>, %arg4: memref<64x48xf32, #tpu.memory_space<vmem>>, %arg5: memref<64x48xf32, #tpu.memory_space<vmem>>, %arg6: memref<1x48xf32, #tpu.memory_space<vmem>>, %arg7: memref<1000x128xf32, #tpu.memory_space<vmem>>, %arg8: memref<1000x48xf32, #tpu.memory_space<vmem>>) attributes {dimension_semantics = [#tpu.dimension_semantics<arbitrary>], iteration_bounds = array<i64: 10>, scalar_prefetch = 0 : i64, scratch_operands = 0 : i64, tpu.core_type = #tpu.core_type<tc>, window_params = [{transform_indices = @transform_0, window_bounds = array<i64: 1000, 80>}, {transform_indices = @transform_1, window_bounds = array<i64: 1000, 80>}, {pipeline_mode = #tpu.pipeline_mode<synchronous>, transform_indices = @transform_2, window_bounds = array<i64: 1, 64>}, {pipeline_mode = #tpu.pipeline_mode<synchronous>, transform_indices = @transform_3, window_bounds = array<i64: 64, 48>}, {pipeline_mode = #tpu.pipeline_mode<synchronous>, transform_indices = @transform_4, window_bounds = array<i64: 64, 48>}, {pipeline_mode = #tpu.pipeline_mode<synchronous>, transform_indices = @transform_5, window_bounds = array<i64: 1, 48>}, {transform_indices = @transform_6, window_bounds = array<i64: 1000, 128>}, {transform_indices = @transform_7, window_bounds = array<i64: 1000, 48>}]} {
    %get3A = arith.constant 0 : index
    %get3A_0 = arith.constant 0 : index
    %get3A_1 = vector.load %arg1[%get3A, %get3A_0] : memref<1000x80xf32, #tpu.memory_space<vmem>>, vector<1000x80xf32>
    %get3A_2 = arith.constant 0 : index
    %get3A_3 = arith.constant 0 : index
    %get3A_4 = vector.load %arg2[%get3A_2, %get3A_3] : memref<1000x80xf32, #tpu.memory_space<vmem>>, vector<1000x80xf32>
    %add3A = arith.addf %get3A_1, %get3A_4 : vector<1000x80xf32>
    %iota3A = tpu.iota {dimensions = array<i32: 0>} : vector<80x64xi32>
    %iota3A_5 = tpu.iota {dimensions = array<i32: 1>} : vector<80x64xi32>
    %eq3A = arith.cmpi eq, %iota3A, %iota3A_5 : vector<80x64xi32>
    %convert_element_type3A = arith.extui %eq3A : vector<80x64xi1> to vector<80x64xi32>
    %convert_element_type3A_6 = arith.sitofp %convert_element_type3A : vector<80x64xi32> to vector<80x64xf32>
    %dot_general3A = arith.constant dense<0.000000e+00> : vector<1000x64xf32>
    %dot_general3A_7 = tpu.matmul %add3A, %convert_element_type3A_6, %dot_general3A {dimension_numbers = #tpu.dot_dimension_numbers<[1], [0], [0], [1], [0, 0, 1, 1], [], []>, transpose_lhs_hint = false} : vector<1000x80xf32>, vector<80x64xf32>, vector<1000x64xf32> -> vector<1000x64xf32>
    %iota3A_8 = tpu.iota {dimensions = array<i32: 0>} : vector<80x8xi32>
    %iota3A_9 = tpu.iota {dimensions = array<i32: 1>} : vector<80x8xi32>
    %add3A_10 = arith.constant 64 : i32
    %add3A_11 = vector.broadcast %add3A_10 : i32 to vector<80x8xi32>
    %add3A_12 = arith.addi %iota3A_9, %add3A_11 : vector<80x8xi32>
    %eq3A_13 = arith.cmpi eq, %iota3A_8, %add3A_12 : vector<80x8xi32>
    %convert_element_type3A_14 = arith.extui %eq3A_13 : vector<80x8xi1> to vector<80x8xi32>
    %convert_element_type3A_15 = arith.sitofp %convert_element_type3A_14 : vector<80x8xi32> to vector<80x8xf32>
    %dot_general3A_16 = arith.constant dense<0.000000e+00> : vector<1000x8xf32>
    %dot_general3A_17 = tpu.matmul %add3A, %convert_element_type3A_15, %dot_general3A_16 {dimension_numbers = #tpu.dot_dimension_numbers<[1], [0], [0], [1], [0, 0, 1, 1], [], []>, transpose_lhs_hint = false} : vector<1000x80xf32>, vector<80x8xf32>, vector<1000x8xf32> -> vector<1000x8xf32>
    %iota3A_18 = tpu.iota {dimensions = array<i32: 1>} : vector<8x64xi32>
    %jit3A = arith.constant 8 : i32
    %div3A = vector.broadcast %jit3A : i32 to vector<8x64xi32>
    %div3A_19 = arith.divsi %iota3A_18, %div3A : vector<8x64xi32>
    %sign3A = arith.constant 0 : i32
    %sign3A_20 = vector.broadcast %sign3A : i32 to vector<8x64xi32>
    %sign3A_21 = arith.cmpi sgt, %iota3A_18, %sign3A_20 : vector<8x64xi32>
    %sign3A_22 = arith.extui %sign3A_21 : vector<8x64xi1> to vector<8x64xi32>
    %sign3A_23 = arith.constant 0 : i32
    %sign3A_24 = vector.broadcast %sign3A_23 : i32 to vector<8x64xi32>
    %sign3A_25 = arith.cmpi slt, %iota3A_18, %sign3A_24 : vector<8x64xi32>
    %sign3A_26 = arith.extui %sign3A_25 : vector<8x64xi1> to vector<8x64xi32>
    %sign3A_27 = arith.subi %sign3A_22, %sign3A_26 : vector<8x64xi32>
    %sign3A_28 = arith.constant 0 : i32
    %sign3A_29 = arith.cmpi sgt, %jit3A, %sign3A_28 : i32
    %sign3A_30 = arith.extui %sign3A_29 : i1 to i32
    %sign3A_31 = arith.constant 0 : i32
    %sign3A_32 = arith.cmpi slt, %jit3A, %sign3A_31 : i32
    %sign3A_33 = arith.extui %sign3A_32 : i1 to i32
    %sign3A_34 = arith.subi %sign3A_30, %sign3A_33 : i32
    %ne3A = vector.broadcast %sign3A_34 : i32 to vector<8x64xi32>
    %ne3A_35 = arith.cmpi ne, %sign3A_27, %ne3A : vector<8x64xi32>
    %rem3A = vector.broadcast %jit3A : i32 to vector<8x64xi32>
    %rem3A_36 = arith.remsi %iota3A_18, %rem3A : vector<8x64xi32>
    %ne3A_37 = arith.constant 0 : i32
    %ne3A_38 = vector.broadcast %ne3A_37 : i32 to vector<8x64xi32>
    %ne3A_39 = arith.cmpi ne, %rem3A_36, %ne3A_38 : vector<8x64xi32>
    %and3A = arith.andi %ne3A_35, %ne3A_39 : vector<8x64xi1>
    %sub3A = arith.constant 1 : i32
    %sub3A_40 = vector.broadcast %sub3A : i32 to vector<8x64xi32>
    %sub3A_41 = arith.subi %div3A_19, %sub3A_40 : vector<8x64xi32>
    %select_n3A = arith.select %and3A, %sub3A_41, %div3A_19 : vector<8x64xi1>, vector<8x64xi32>
    %iota3A_42 = tpu.iota {dimensions = array<i32: 0>} : vector<8x64xi32>
    %eq3A_43 = arith.cmpi eq, %select_n3A, %iota3A_42 : vector<8x64xi32>
    %convert_element_type3A_44 = arith.extui %eq3A_43 : vector<8x64xi1> to vector<8x64xi32>
    %convert_element_type3A_45 = arith.sitofp %convert_element_type3A_44 : vector<8x64xi32> to vector<8x64xf32>
    %dot_general3A_46 = arith.constant dense<0.000000e+00> : vector<1000x64xf32>
    %dot_general3A_47 = tpu.matmul %dot_general3A_17, %convert_element_type3A_45, %dot_general3A_46 {dimension_numbers = #tpu.dot_dimension_numbers<[1], [0], [0], [1], [0, 0, 1, 1], [], []>, transpose_lhs_hint = false} : vector<1000x8xf32>, vector<8x64xf32>, vector<1000x64xf32> -> vector<1000x64xf32>
    %add3A_48 = arith.constant 1.000000e-16 : f32
    %add3A_49 = vector.broadcast %add3A_48 : f32 to vector<1000x64xf32>
    %add3A_50 = arith.addf %dot_general3A_47, %add3A_49 : vector<1000x64xf32>
    %div3A_51 = arith.divf %dot_general3A_7, %add3A_50 : vector<1000x64xf32>
    %get3A_52 = arith.constant 0 : index
    %get3A_53 = arith.constant 0 : index
    %get3A_54 = vector.load %arg3[%get3A_52, %get3A_53] : memref<1x64xf32, #tpu.memory_space<vmem>>, vector<1x64xf32>
    %add3A_55 = vector.broadcast %get3A_54 : vector<1x64xf32> to vector<1000x64xf32>
    %add3A_56 = arith.addf %div3A_51, %add3A_55 : vector<1000x64xf32>
    %gt3A = arith.constant 0.000000e+00 : f32
    %gt3A_57 = vector.broadcast %gt3A : f32 to vector<1000x64xf32>
    %gt3A_58 = arith.cmpf ogt, %add3A_56, %gt3A_57 : vector<1000x64xf32>
    %min3A = arith.constant 0.000000e+00 : f32
    %min3A_59 = vector.broadcast %min3A : f32 to vector<1000x64xf32>
    %min3A_60 = arith.minimumf %add3A_56, %min3A_59 : vector<1000x64xf32>
    %exp3A = math.exp %min3A_60 : vector<1000x64xf32>
    %sub3A_61 = arith.constant 1.000000e+00 : f32
    %sub3A_62 = vector.broadcast %sub3A_61 : f32 to vector<1000x64xf32>
    %sub3A_63 = arith.subf %exp3A, %sub3A_62 : vector<1000x64xf32>
    %select_n3A_64 = arith.select %gt3A_58, %add3A_56, %sub3A_63 : vector<1000x64xi1>, vector<1000x64xf32>
    %get3A_65 = arith.constant 0 : index
    %get3A_66 = arith.constant 0 : index
    %get3A_67 = vector.load %arg4[%get3A_65, %get3A_66] : memref<64x48xf32, #tpu.memory_space<vmem>>, vector<64x48xf32>
    %dot_general3A_68 = arith.constant dense<0.000000e+00> : vector<1000x48xf32>
    %dot_general3A_69 = tpu.matmul %select_n3A_64, %get3A_67, %dot_general3A_68 {dimension_numbers = #tpu.dot_dimension_numbers<[1], [0], [0], [1], [0, 0, 1, 1], [], []>, transpose_lhs_hint = false} : vector<1000x64xf32>, vector<64x48xf32>, vector<1000x48xf32> -> vector<1000x48xf32>
    %get3A_70 = arith.constant 0 : index
    %get3A_71 = arith.constant 0 : index
    %get3A_72 = vector.load %arg5[%get3A_70, %get3A_71] : memref<64x48xf32, #tpu.memory_space<vmem>>, vector<64x48xf32>
    %dot_general3A_73 = arith.constant dense<0.000000e+00> : vector<1000x48xf32>
    %dot_general3A_74 = tpu.matmul %select_n3A_64, %get3A_72, %dot_general3A_73 {dimension_numbers = #tpu.dot_dimension_numbers<[1], [0], [0], [1], [0, 0, 1, 1], [], []>, transpose_lhs_hint = false} : vector<1000x64xf32>, vector<64x48xf32>, vector<1000x48xf32> -> vector<1000x48xf32>
    %add3A_75 = arith.addf %dot_general3A_69, %dot_general3A_74 : vector<1000x48xf32>
    %mul3A = arith.constant 2.000000e-01 : f32
    %mul3A_76 = vector.broadcast %mul3A : f32 to vector<1000x48xf32>
    %mul3A_77 = arith.mulf %mul3A_76, %add3A_75 : vector<1000x48xf32>
    %max3A = arith.maximumf %add3A_75, %mul3A_77 : vector<1000x48xf32>
    %get3A_78 = arith.constant 0 : index
    %get3A_79 = arith.constant 0 : index
    %get3A_80 = vector.load %arg6[%get3A_78, %get3A_79] : memref<1x48xf32, #tpu.memory_space<vmem>>, vector<1x48xf32>
    %mul3A_81 = vector.broadcast %get3A_80 : vector<1x48xf32> to vector<1000x48xf32>
    %mul3A_82 = arith.mulf %max3A, %mul3A_81 : vector<1000x48xf32>
    %reduce_sum3A = arith.constant dense<0.000000e+00> : vector<1000xf32>
    %reduce_sum3A_83 = vector.multi_reduction <add>, %mul3A_82, %reduce_sum3A [1] : vector<1000x48xf32> to vector<1000xf32>
    %broadcast_in_dim3A = vector.shape_cast %reduce_sum3A_83 : vector<1000xf32> to vector<1000x1xf32>
    %exp3A_84 = math.exp %broadcast_in_dim3A : vector<1000x1xf32>
    %mul3A_85 = vector.broadcast %exp3A_84 : vector<1000x1xf32> to vector<1000x48xf32>
    %mul3A_86 = arith.mulf %dot_general3A_69, %mul3A_85 : vector<1000x48xf32>
    %iota3A_87 = tpu.iota {dimensions = array<i32: 1>} : vector<1x48xi32>
    %lt3A = arith.constant 40 : i32
    %lt3A_88 = vector.broadcast %lt3A : i32 to vector<1x48xi32>
    %lt3A_89 = arith.cmpi slt, %iota3A_87, %lt3A_88 : vector<1x48xi32>
    %convert_element_type3A_90 = arith.extui %lt3A_89 : vector<1x48xi1> to vector<1x48xi32>
    %convert_element_type3A_91 = arith.sitofp %convert_element_type3A_90 : vector<1x48xi32> to vector<1x48xf32>
    %mul3A_92 = vector.broadcast %convert_element_type3A_91 : vector<1x48xf32> to vector<1000x48xf32>
    %mul3A_93 = arith.mulf %mul3A_86, %mul3A_92 : vector<1000x48xf32>
    %iota3A_94 = tpu.iota {dimensions = array<i32: 1>} : vector<1x48xi32>
    %eq3A_95 = arith.constant 40 : i32
    %eq3A_96 = vector.broadcast %eq3A_95 : i32 to vector<1x48xi32>
    %eq3A_97 = arith.cmpi eq, %iota3A_94, %eq3A_96 : vector<1x48xi32>
    %convert_element_type3A_98 = arith.extui %eq3A_97 : vector<1x48xi1> to vector<1x48xi32>
    %convert_element_type3A_99 = arith.sitofp %convert_element_type3A_98 : vector<1x48xi32> to vector<1x48xf32>
    %mul3A_100 = vector.broadcast %exp3A_84 : vector<1000x1xf32> to vector<1000x48xf32>
    %mul3A_101 = vector.broadcast %convert_element_type3A_99 : vector<1x48xf32> to vector<1000x48xf32>
    %mul3A_102 = arith.mulf %mul3A_100, %mul3A_101 : vector<1000x48xf32>
    %add3A_103 = arith.addf %mul3A_93, %mul3A_102 : vector<1000x48xf32>
    %mul3A_104 = arith.constant 5.000000e-01 : f32
    %mul3A_105 = vector.broadcast %mul3A_104 : f32 to vector<1000x48xf32>
    %mul3A_106 = arith.mulf %mul3A_105, %add3A_103 : vector<1000x48xf32>
    %swap3A = arith.constant 0 : index
    %swap3A_107 = arith.constant 0 : index
    %swap3A_108 = vector.load %arg8[%swap3A, %swap3A_107] : memref<1000x48xf32, #tpu.memory_space<vmem>>, vector<1000x48xf32>
    tpu.vector_store %arg8[%swap3A, %swap3A_107], %mul3A_106 {strides = array<i32>} : memref<1000x48xf32, #tpu.memory_space<vmem>>, vector<1000x48xf32>,
    %iota3A_109 = tpu.iota {dimensions = array<i32: 0>} : vector<48x128xi32>
    %add3A_110 = arith.constant 0 : i32
    %add3A_111 = vector.broadcast %add3A_110 : i32 to vector<48x128xi32>
    %add3A_112 = arith.addi %iota3A_109, %add3A_111 : vector<48x128xi32>
    %iota3A_113 = tpu.iota {dimensions = array<i32: 1>} : vector<48x128xi32>
    %eq3A_114 = arith.cmpi eq, %add3A_112, %iota3A_113 : vector<48x128xi32>
    %convert_element_type3A_115 = arith.extui %eq3A_114 : vector<48x128xi1> to vector<48x128xi32>
    %convert_element_type3A_116 = arith.sitofp %convert_element_type3A_115 : vector<48x128xi32> to vector<48x128xf32>
    %dot_general3A_117 = arith.constant dense<0.000000e+00> : vector<1000x128xf32>
    %dot_general3A_118 = tpu.matmul %dot_general3A_69, %convert_element_type3A_116, %dot_general3A_117 {dimension_numbers = #tpu.dot_dimension_numbers<[1], [0], [0], [1], [0, 0, 1, 1], [], []>, transpose_lhs_hint = false} : vector<1000x48xf32>, vector<48x128xf32>, vector<1000x128xf32> -> vector<1000x128xf32>
    %iota3A_119 = tpu.iota {dimensions = array<i32: 0>} : vector<48x128xi32>
    %add3A_120 = arith.constant 64 : i32
    %add3A_121 = vector.broadcast %add3A_120 : i32 to vector<48x128xi32>
    %add3A_122 = arith.addi %iota3A_119, %add3A_121 : vector<48x128xi32>
    %iota3A_123 = tpu.iota {dimensions = array<i32: 1>} : vector<48x128xi32>
    %eq3A_124 = arith.cmpi eq, %add3A_122, %iota3A_123 : vector<48x128xi32>
    %convert_element_type3A_125 = arith.extui %eq3A_124 : vector<48x128xi1> to vector<48x128xi32>
    %convert_element_type3A_126 = arith.sitofp %convert_element_type3A_125 : vector<48x128xi32> to vector<48x128xf32>
    %dot_general3A_127 = arith.constant dense<0.000000e+00> : vector<1000x128xf32>
    %dot_general3A_128 = tpu.matmul %dot_general3A_74, %convert_element_type3A_126, %dot_general3A_127 {dimension_numbers = #tpu.dot_dimension_numbers<[1], [0], [0], [1], [0, 0, 1, 1], [], []>, transpose_lhs_hint = false} : vector<1000x48xf32>, vector<48x128xf32>, vector<1000x128xf32> -> vector<1000x128xf32>
    %add3A_129 = arith.addf %dot_general3A_118, %dot_general3A_128 : vector<1000x128xf32>
    %swap3A_130 = arith.constant 0 : index
    %swap3A_131 = arith.constant 0 : index
    %swap3A_132 = vector.load %arg7[%swap3A_130, %swap3A_131] : memref<1000x128xf32, #tpu.memory_space<vmem>>, vector<1000x128xf32>
    tpu.vector_store %arg7[%swap3A_130, %swap3A_131], %add3A_129 {strides = array<i32>} : memref<1000x128xf32, #tpu.memory_space<vmem>>, vector<1000x128xf32>,
    return
  }
  func.func @transform_0(%arg0: i32) -> (i32, i32) {
    %c0_i32 = arith.constant 0 : i32
    %c0_i32_0 = arith.constant 0 : i32
    return %arg0, %c0_i32 : i32, i32
  }
  func.func @transform_1(%arg0: i32) -> (i32, i32) {
    %c0_i32 = arith.constant 0 : i32
    %c0_i32_0 = arith.constant 0 : i32
    return %arg0, %c0_i32 : i32, i32
  }
  func.func @transform_2(%arg0: i32) -> (i32, i32) {
    %c0_i32 = arith.constant 0 : i32
    %c0_i32_0 = arith.constant 0 : i32
    %c0_i32_1 = arith.constant 0 : i32
    return %c0_i32, %c0_i32_0 : i32, i32
  }
  func.func @transform_3(%arg0: i32) -> (i32, i32) {
    %c0_i32 = arith.constant 0 : i32
    %c0_i32_0 = arith.constant 0 : i32
    %c0_i32_1 = arith.constant 0 : i32
    return %c0_i32, %c0_i32_0 : i32, i32
  }
  func.func @transform_4(%arg0: i32) -> (i32, i32) {
    %c0_i32 = arith.constant 0 : i32
    %c0_i32_0 = arith.constant 0 : i32
    %c0_i32_1 = arith.constant 0 : i32
    return %c0_i32, %c0_i32_0 : i32, i32
  }
  func.func @transform_5(%arg0: i32) -> (i32, i32) {
    %c0_i32 = arith.constant 0 : i32
    %c0_i32_0 = arith.constant 0 : i32
    %c0_i32_1 = arith.constant 0 : i32
    return %c0_i32, %c0_i32_0 : i32, i32
  }
  func.func @transform_6(%arg0: i32) -> (i32, i32) {
    %c0_i32 = arith.constant 0 : i32
    %c0_i32_0 = arith.constant 0 : i32
    return %arg0, %c0_i32 : i32, i32
  }
  func.func @transform_7(%arg0: i32) -> (i32, i32) {
    %c0_i32 = arith.constant 0 : i32
    %c0_i32_0 = arith.constant 0 : i32
    return %arg0, %c0_i32 : i32, i32
  }
}

module attributes {stable_mosaic.version = 14 : i64} {
  func.func @_edge2_body(%arg0: i32, %arg1: memref<2048x128xf32, #tpu.memory_space<vmem>>, %arg2: memref<2048x128xf32, #tpu.memory_space<vmem>>, %arg3: memref<1x48xf32, #tpu.memory_space<vmem>>, %arg4: memref<2048x48xf32, #tpu.memory_space<vmem>>) attributes {dimension_semantics = [#tpu.dimension_semantics<arbitrary>], iteration_bounds = array<i64: 160>, scalar_prefetch = 0 : i64, scratch_operands = 0 : i64, tpu.core_type = #tpu.core_type<tc>, window_params = [{transform_indices = @transform_0, window_bounds = array<i64: 2048, 128>}, {transform_indices = @transform_1, window_bounds = array<i64: 2048, 128>}, {pipeline_mode = #tpu.pipeline_mode<synchronous>, transform_indices = @transform_2, window_bounds = array<i64: 1, 48>}, {transform_indices = @transform_3, window_bounds = array<i64: 2048, 48>}]} {
    %get3A = arith.constant 0 : index
    %get3A_0 = arith.constant 0 : index
    %get3A_1 = vector.load %arg1[%get3A, %get3A_0] : memref<2048x128xf32, #tpu.memory_space<vmem>>, vector<2048x128xf32>
    %iota3A = tpu.iota {dimensions = array<i32: 0>} : vector<128x48xi32>
    %iota3A_2 = tpu.iota {dimensions = array<i32: 1>} : vector<128x48xi32>
    %add3A = arith.constant 0 : i32
    %add3A_3 = vector.broadcast %add3A : i32 to vector<128x48xi32>
    %add3A_4 = arith.addi %iota3A_2, %add3A_3 : vector<128x48xi32>
    %eq3A = arith.cmpi eq, %iota3A, %add3A_4 : vector<128x48xi32>
    %convert_element_type3A = arith.extui %eq3A : vector<128x48xi1> to vector<128x48xi32>
    %convert_element_type3A_5 = arith.sitofp %convert_element_type3A : vector<128x48xi32> to vector<128x48xf32>
    %dot_general3A = arith.constant dense<0.000000e+00> : vector<2048x48xf32>
    %dot_general3A_6 = tpu.matmul %get3A_1, %convert_element_type3A_5, %dot_general3A {dimension_numbers = #tpu.dot_dimension_numbers<[1], [0], [0], [1], [0, 0, 1, 1], [], []>, transpose_lhs_hint = false} : vector<2048x128xf32>, vector<128x48xf32>, vector<2048x48xf32> -> vector<2048x48xf32>
    %get3A_7 = arith.constant 0 : index
    %get3A_8 = arith.constant 0 : index
    %get3A_9 = vector.load %arg2[%get3A_7, %get3A_8] : memref<2048x128xf32, #tpu.memory_space<vmem>>, vector<2048x128xf32>
    %iota3A_10 = tpu.iota {dimensions = array<i32: 0>} : vector<128x48xi32>
    %iota3A_11 = tpu.iota {dimensions = array<i32: 1>} : vector<128x48xi32>
    %add3A_12 = arith.constant 64 : i32
    %add3A_13 = vector.broadcast %add3A_12 : i32 to vector<128x48xi32>
    %add3A_14 = arith.addi %iota3A_11, %add3A_13 : vector<128x48xi32>
    %eq3A_15 = arith.cmpi eq, %iota3A_10, %add3A_14 : vector<128x48xi32>
    %convert_element_type3A_16 = arith.extui %eq3A_15 : vector<128x48xi1> to vector<128x48xi32>
    %convert_element_type3A_17 = arith.sitofp %convert_element_type3A_16 : vector<128x48xi32> to vector<128x48xf32>
    %dot_general3A_18 = arith.constant dense<0.000000e+00> : vector<2048x48xf32>
    %dot_general3A_19 = tpu.matmul %get3A_9, %convert_element_type3A_17, %dot_general3A_18 {dimension_numbers = #tpu.dot_dimension_numbers<[1], [0], [0], [1], [0, 0, 1, 1], [], []>, transpose_lhs_hint = false} : vector<2048x128xf32>, vector<128x48xf32>, vector<2048x48xf32> -> vector<2048x48xf32>
    %add3A_20 = arith.addf %dot_general3A_6, %dot_general3A_19 : vector<2048x48xf32>
    %mul3A = arith.constant 2.000000e-01 : f32
    %mul3A_21 = vector.broadcast %mul3A : f32 to vector<2048x48xf32>
    %mul3A_22 = arith.mulf %mul3A_21, %add3A_20 : vector<2048x48xf32>
    %max3A = arith.maximumf %add3A_20, %mul3A_22 : vector<2048x48xf32>
    %get3A_23 = arith.constant 0 : index
    %get3A_24 = arith.constant 0 : index
    %get3A_25 = vector.load %arg3[%get3A_23, %get3A_24] : memref<1x48xf32, #tpu.memory_space<vmem>>, vector<1x48xf32>
    %mul3A_26 = vector.broadcast %get3A_25 : vector<1x48xf32> to vector<2048x48xf32>
    %mul3A_27 = arith.mulf %max3A, %mul3A_26 : vector<2048x48xf32>
    %reduce_sum3A = arith.constant dense<0.000000e+00> : vector<2048xf32>
    %reduce_sum3A_28 = vector.multi_reduction <add>, %mul3A_27, %reduce_sum3A [1] : vector<2048x48xf32> to vector<2048xf32>
    %broadcast_in_dim3A = vector.shape_cast %reduce_sum3A_28 : vector<2048xf32> to vector<2048x1xf32>
    %exp3A = math.exp %broadcast_in_dim3A : vector<2048x1xf32>
    %mul3A_29 = vector.broadcast %exp3A : vector<2048x1xf32> to vector<2048x48xf32>
    %mul3A_30 = arith.mulf %dot_general3A_6, %mul3A_29 : vector<2048x48xf32>
    %iota3A_31 = tpu.iota {dimensions = array<i32: 1>} : vector<1x48xi32>
    %lt3A = arith.constant 40 : i32
    %lt3A_32 = vector.broadcast %lt3A : i32 to vector<1x48xi32>
    %lt3A_33 = arith.cmpi slt, %iota3A_31, %lt3A_32 : vector<1x48xi32>
    %convert_element_type3A_34 = arith.extui %lt3A_33 : vector<1x48xi1> to vector<1x48xi32>
    %convert_element_type3A_35 = arith.sitofp %convert_element_type3A_34 : vector<1x48xi32> to vector<1x48xf32>
    %mul3A_36 = vector.broadcast %convert_element_type3A_35 : vector<1x48xf32> to vector<2048x48xf32>
    %mul3A_37 = arith.mulf %mul3A_30, %mul3A_36 : vector<2048x48xf32>
    %iota3A_38 = tpu.iota {dimensions = array<i32: 1>} : vector<1x48xi32>
    %eq3A_39 = arith.constant 40 : i32
    %eq3A_40 = vector.broadcast %eq3A_39 : i32 to vector<1x48xi32>
    %eq3A_41 = arith.cmpi eq, %iota3A_38, %eq3A_40 : vector<1x48xi32>
    %convert_element_type3A_42 = arith.extui %eq3A_41 : vector<1x48xi1> to vector<1x48xi32>
    %convert_element_type3A_43 = arith.sitofp %convert_element_type3A_42 : vector<1x48xi32> to vector<1x48xf32>
    %mul3A_44 = vector.broadcast %exp3A : vector<2048x1xf32> to vector<2048x48xf32>
    %mul3A_45 = vector.broadcast %convert_element_type3A_43 : vector<1x48xf32> to vector<2048x48xf32>
    %mul3A_46 = arith.mulf %mul3A_44, %mul3A_45 : vector<2048x48xf32>
    %add3A_47 = arith.addf %mul3A_37, %mul3A_46 : vector<2048x48xf32>
    %mul3A_48 = arith.constant 2048 : i32
    %mul3A_49 = arith.muli %arg0, %mul3A_48 : i32
    %iota3A_50 = tpu.iota {dimensions = array<i32: 0>} : vector<2048x1xi32>
    %add3A_51 = vector.broadcast %mul3A_49 : i32 to vector<2048x1xi32>
    %add3A_52 = arith.addi %add3A_51, %iota3A_50 : vector<2048x1xi32>
    %lt3A_53 = arith.constant 320000 : i32
    %lt3A_54 = vector.broadcast %lt3A_53 : i32 to vector<2048x1xi32>
    %lt3A_55 = arith.cmpi slt, %add3A_52, %lt3A_54 : vector<2048x1xi32>
    %jit3A = arith.constant 0.000000e+00 : f32
    %broadcast_in_dim3A_56 = vector.shape_cast %lt3A_55 : vector<2048x1xi1> to vector<2048x1xi1>
    %broadcast_in_dim3A_57 = vector.broadcast %broadcast_in_dim3A_56 : vector<2048x1xi1> to vector<2048x48xi1>
    %broadcast_in_dim3A_58 = vector.broadcast %jit3A : f32 to vector<2048x48xf32>
    %select_n3A = arith.select %broadcast_in_dim3A_57, %add3A_47, %broadcast_in_dim3A_58 : vector<2048x48xi1>, vector<2048x48xf32>
    %swap3A = arith.constant 0 : index
    %swap3A_59 = arith.constant 0 : index
    %swap3A_60 = vector.load %arg4[%swap3A, %swap3A_59] : memref<2048x48xf32, #tpu.memory_space<vmem>>, vector<2048x48xf32>
    tpu.vector_store %arg4[%swap3A, %swap3A_59], %select_n3A {strides = array<i32>} : memref<2048x48xf32, #tpu.memory_space<vmem>>, vector<2048x48xf32>,
    return
  }
  func.func @transform_0(%arg0: i32) -> (i32, i32) {
    %c0_i32 = arith.constant 0 : i32
    %c0_i32_0 = arith.constant 0 : i32
    return %arg0, %c0_i32 : i32, i32
  }
  func.func @transform_1(%arg0: i32) -> (i32, i32) {
    %c0_i32 = arith.constant 0 : i32
    %c0_i32_0 = arith.constant 0 : i32
    return %arg0, %c0_i32 : i32, i32
  }
  func.func @transform_2(%arg0: i32) -> (i32, i32) {
    %c0_i32 = arith.constant 0 : i32
    %c0_i32_0 = arith.constant 0 : i32
    %c0_i32_1 = arith.constant 0 : i32
    return %c0_i32, %c0_i32_0 : i32, i32
  }
  func.func @transform_3(%arg0: i32) -> (i32, i32) {
    %c0_i32 = arith.constant 0 : i32
    %c0_i32_0 = arith.constant 0 : i32
    return %arg0, %c0_i32 : i32, i32
  }
}

module attributes {stable_mosaic.version = 14 : i64} {
  func.func @_final_body(%arg0: i32, %arg1: memref<1000x48xf32, #tpu.memory_space<vmem>>, %arg2: memref<1000x48xf32, #tpu.memory_space<vmem>>, %arg3: memref<1x48xf32, #tpu.memory_space<vmem>>, %arg4: memref<1000x40xf32, #tpu.memory_space<vmem>>) attributes {dimension_semantics = [#tpu.dimension_semantics<arbitrary>], iteration_bounds = array<i64: 10>, scalar_prefetch = 0 : i64, scratch_operands = 0 : i64, tpu.core_type = #tpu.core_type<tc>, window_params = [{transform_indices = @transform_0, window_bounds = array<i64: 1000, 48>}, {transform_indices = @transform_1, window_bounds = array<i64: 1000, 48>}, {pipeline_mode = #tpu.pipeline_mode<synchronous>, transform_indices = @transform_2, window_bounds = array<i64: 1, 48>}, {transform_indices = @transform_3, window_bounds = array<i64: 1000, 40>}]} {
    %get3A = arith.constant 0 : index
    %get3A_0 = arith.constant 0 : index
    %get3A_1 = vector.load %arg1[%get3A, %get3A_0] : memref<1000x48xf32, #tpu.memory_space<vmem>>, vector<1000x48xf32>
    %get3A_2 = arith.constant 0 : index
    %get3A_3 = arith.constant 0 : index
    %get3A_4 = vector.load %arg2[%get3A_2, %get3A_3] : memref<1000x48xf32, #tpu.memory_space<vmem>>, vector<1000x48xf32>
    %add3A = arith.addf %get3A_1, %get3A_4 : vector<1000x48xf32>
    %iota3A = tpu.iota {dimensions = array<i32: 1>} : vector<1x48xi32>
    %eq3A = arith.constant 40 : i32
    %eq3A_5 = vector.broadcast %eq3A : i32 to vector<1x48xi32>
    %eq3A_6 = arith.cmpi eq, %iota3A, %eq3A_5 : vector<1x48xi32>
    %convert_element_type3A = arith.extui %eq3A_6 : vector<1x48xi1> to vector<1x48xi32>
    %convert_element_type3A_7 = arith.sitofp %convert_element_type3A : vector<1x48xi32> to vector<1x48xf32>
    %mul3A = vector.broadcast %convert_element_type3A_7 : vector<1x48xf32> to vector<1000x48xf32>
    %mul3A_8 = arith.mulf %add3A, %mul3A : vector<1000x48xf32>
    %reduce_sum3A = arith.constant dense<0.000000e+00> : vector<1000xf32>
    %reduce_sum3A_9 = vector.multi_reduction <add>, %mul3A_8, %reduce_sum3A [1] : vector<1000x48xf32> to vector<1000xf32>
    %broadcast_in_dim3A = vector.shape_cast %reduce_sum3A_9 : vector<1000xf32> to vector<1000x1xf32>
    %iota3A_10 = tpu.iota {dimensions = array<i32: 1>} : vector<1x48xi32>
    %lt3A = arith.constant 40 : i32
    %lt3A_11 = vector.broadcast %lt3A : i32 to vector<1x48xi32>
    %lt3A_12 = arith.cmpi slt, %iota3A_10, %lt3A_11 : vector<1x48xi32>
    %convert_element_type3A_13 = arith.extui %lt3A_12 : vector<1x48xi1> to vector<1x48xi32>
    %convert_element_type3A_14 = arith.sitofp %convert_element_type3A_13 : vector<1x48xi32> to vector<1x48xf32>
    %mul3A_15 = vector.broadcast %convert_element_type3A_14 : vector<1x48xf32> to vector<1000x48xf32>
    %mul3A_16 = arith.mulf %add3A, %mul3A_15 : vector<1000x48xf32>
    %add3A_17 = arith.constant 1.000000e-16 : f32
    %add3A_18 = vector.broadcast %add3A_17 : f32 to vector<1000x1xf32>
    %add3A_19 = arith.addf %broadcast_in_dim3A, %add3A_18 : vector<1000x1xf32>
    %div3A = vector.broadcast %add3A_19 : vector<1000x1xf32> to vector<1000x48xf32>
    %div3A_20 = arith.divf %mul3A_16, %div3A : vector<1000x48xf32>
    %get3A_21 = arith.constant 0 : index
    %get3A_22 = arith.constant 0 : index
    %get3A_23 = vector.load %arg3[%get3A_21, %get3A_22] : memref<1x48xf32, #tpu.memory_space<vmem>>, vector<1x48xf32>
    %add3A_24 = vector.broadcast %get3A_23 : vector<1x48xf32> to vector<1000x48xf32>
    %add3A_25 = arith.addf %div3A_20, %add3A_24 : vector<1000x48xf32>
    %iota3A_26 = tpu.iota {dimensions = array<i32: 1>} : vector<1x48xi32>
    %lt3A_27 = arith.constant 40 : i32
    %lt3A_28 = vector.broadcast %lt3A_27 : i32 to vector<1x48xi32>
    %lt3A_29 = arith.cmpi slt, %iota3A_26, %lt3A_28 : vector<1x48xi32>
    %convert_element_type3A_30 = arith.extui %lt3A_29 : vector<1x48xi1> to vector<1x48xi32>
    %convert_element_type3A_31 = arith.sitofp %convert_element_type3A_30 : vector<1x48xi32> to vector<1x48xf32>
    %gt3A = arith.constant 0.000000e+00 : f32
    %gt3A_32 = vector.broadcast %gt3A : f32 to vector<1x48xf32>
    %gt3A_33 = arith.cmpf ogt, %convert_element_type3A_31, %gt3A_32 : vector<1x48xf32>
    %jit3A = arith.constant -1.000000e+30 : f32
    %broadcast_in_dim3A_34 = vector.shape_cast %gt3A_33 : vector<1x48xi1> to vector<1x48xi1>
    %broadcast_in_dim3A_35 = vector.broadcast %broadcast_in_dim3A_34 : vector<1x48xi1> to vector<1000x48xi1>
    %broadcast_in_dim3A_36 = vector.broadcast %jit3A : f32 to vector<1000x48xf32>
    %select_n3A = arith.select %broadcast_in_dim3A_35, %add3A_25, %broadcast_in_dim3A_36 : vector<1000x48xi1>, vector<1000x48xf32>
    %reduce_max3A = arith.constant dense<0xFF800000> : vector<1000xf32>
    %reduce_max3A_37 = vector.multi_reduction <maximumf>, %select_n3A, %reduce_max3A [1] : vector<1000x48xf32> to vector<1000xf32>
    %broadcast_in_dim3A_38 = vector.shape_cast %reduce_max3A_37 : vector<1000xf32> to vector<1000x1xf32>
    %sub3A = vector.broadcast %broadcast_in_dim3A_38 : vector<1000x1xf32> to vector<1000x48xf32>
    %sub3A_39 = arith.subf %select_n3A, %sub3A : vector<1000x48xf32>
    %exp3A = math.exp %sub3A_39 : vector<1000x48xf32>
    %reduce_sum3A_40 = arith.constant dense<0.000000e+00> : vector<1000xf32>
    %reduce_sum3A_41 = vector.multi_reduction <add>, %exp3A, %reduce_sum3A_40 [1] : vector<1000x48xf32> to vector<1000xf32>
    %broadcast_in_dim3A_42 = vector.shape_cast %reduce_sum3A_41 : vector<1000xf32> to vector<1000x1xf32>
    %log3A = math.log %broadcast_in_dim3A_42 : vector<1000x1xf32>
    %add3A_43 = arith.addf %log3A, %broadcast_in_dim3A_38 : vector<1000x1xf32>
    %sub3A_44 = vector.broadcast %add3A_43 : vector<1000x1xf32> to vector<1000x48xf32>
    %sub3A_45 = arith.subf %select_n3A, %sub3A_44 : vector<1000x48xf32>
    %slice3A = vector.extract_strided_slice %sub3A_45 {offsets = [0, 0], sizes = [1000, 40], strides = [1, 1]} : vector<1000x48xf32> to vector<1000x40xf32>
    %swap3A = arith.constant 0 : index
    %swap3A_46 = arith.constant 0 : index
    %swap3A_47 = vector.load %arg4[%swap3A, %swap3A_46] : memref<1000x40xf32, #tpu.memory_space<vmem>>, vector<1000x40xf32>
    tpu.vector_store %arg4[%swap3A, %swap3A_46], %slice3A {strides = array<i32>} : memref<1000x40xf32, #tpu.memory_space<vmem>>, vector<1000x40xf32>,
    return
  }
  func.func @transform_0(%arg0: i32) -> (i32, i32) {
    %c0_i32 = arith.constant 0 : i32
    %c0_i32_0 = arith.constant 0 : i32
    return %arg0, %c0_i32 : i32, i32
  }
  func.func @transform_1(%arg0: i32) -> (i32, i32) {
    %c0_i32 = arith.constant 0 : i32
    %c0_i32_0 = arith.constant 0 : i32
    return %arg0, %c0_i32 : i32, i32
  }
  func.func @transform_2(%arg0: i32) -> (i32, i32) {
    %c0_i32 = arith.constant 0 : i32
    %c0_i32_0 = arith.constant 0 : i32
    %c0_i32_1 = arith.constant 0 : i32
    return %c0_i32, %c0_i32_0 : i32, i32
  }
  func.func @transform_3(%arg0: i32) -> (i32, i32) {
    %c0_i32 = arith.constant 0 : i32
    %c0_i32_0 = arith.constant 0 : i32
    return %arg0, %c0_i32 : i32, i32
  }
}

</mosaic_0001>

<sc_bundles>
// kernel: kernel.11.cloned.1.call-start
scs
__scs_entry_jumppad:
0x0: {  	(pc) =	sbr.rel $0x88, $3  }
0x1: {  	(tag) =	ssettag $0x0;
	lr =	simm.s32 $0x1  }
0x2: {  	[smem:$0x3F97] =	sst lr;
	_ =	strace $0xD0000000  }
0x3: {  	_ = 	snop  }
0x4: {  	_ = 	snop  }
0x5: {  	_ = 	snop  }
0x6: {  	_ = 	snop  }
0x7: {  	_ = 	snop  }
__scs_overlays_trampoline_lowered:
0x8: {  	[smem:$0x3FA6] =	sst s0  }
0x9: {  	[smem:$0x3FA7] =	sst s1  }
0xa: {  	[smem:$0x3FA8] =	sst s2  }
0xb: {  	[smem:$0x3FA9] =	sst s3  }
0xc: {  	[smem:$0x3FAA] =	sst s4  }
0xd: {  	[smem:$0x3FAB] =	sst s5  }
0xe: {  	[smem:$0x3FAC] =	sst s6  }
0xf: {  	[smem:$0x3FAD] =	sst s7  }
0x10: {  	[smem:$0x3FAE] =	sst s8  }
0x11: {  	[smem:$0x3FAF] =	sst s9;
	s0 =	simm.s32 @!p0 $0x0  }
0x12: {  	s1 =	sld [smem:$0x3F95];
	s0 =	simm.s32 @p0 $0x1  }
0x13: {  	[smem:$0x3FB0] =	sst s0;
	s0 =	simm.s32 @!p1 $0x0  }
0x14: {  	s2 =	sld [smem:$0x3F94];
	s0 =	simm.s32 @p1 $0x1  }
0x15: {  	[smem:$0x3FB1] =	sst s0;
	s0 =	simm.s32 @!p2 $0x0  }
0x16: {  	s3 =	sld [smem:$0x3FDB];
	s0 =	simm.s32 @p2 $0x1  }
0x17: {  	s4 =	simm.s32 $0x1BF5;
	[smem:$0x3FB3] =	sst s0  }
0x18: {  	s0 =	sld [smem:$0x3F96];
	_ =	swait.ge [sflag:s4], $0x0  }
0x19: {  	s7 =	sld [smem:$0x3F97]  }
0x1a: {  	s8 =	sadd.s32 $0xFFFFE003, lr  }
0x1b: {  	s9 =	sadd.s32 $0xFFFFFEF7, lr;
	s5 =	simm.s32 $0xFFFFFFFF;
	p2 =	slt.u32 s8, $0xFFFFF086  }
0x1c: {  	p1 =	slt.u32 s9, $0xF7A;
	s5 =	simm.s32 @!p2 $0x0  }
0x1d: {  	s5 =	simm.s32 @p1 $0x1;
	p0 =	seq.s32 s7, s2  }
0x1e: {  	s7 =	smul.u32 @!p0 $0xF7A, s2;
	p2 =	seq.s32 @!p0 s5, $0x0  }
0x1f: {  	s9 =	smul.u32 $0xF7A, s1;
	s8 =	simm.s32 @!p0 $0x1BF5;
	p2 =	por !p2, p0  }
0x20: {  	[sflag:s8] =	ssyncset.s32 @!p0 $0xFFFFF086;
	s6 =	sadd.s32 @!p0 s3, s7;
	s7 =	simm.s32 @!p0 $0x108  }
0x21: {  	s3 =	sadd.s32 s3, s9;
	s6 =	sadd.s32 @!p0 $0x88, s6;
	s7 =	simm.s32 @p2 $0x1082  }
0x22: {  	[simem:s7], [sflag:s8] =	dma.local @!p0 [hbm:s6], $0xF7A  }
0x23: {  	s9 =	sor.u32 $0xD0000000, s2;
	s6 =	simm.s32 $0x108;
	_ =	swait.ge @!p0 [sflag:s8], $0x0  }
0x24: {  	s3 =	sadd.s32 $0x88, s3;
	s6 =	simm.s32 @!p1 $0x1082;
	[sflag:s4] =	ssyncset.s32 $0xFFFFF086  }
0x25: {  	[simem:s6], [sflag:s4] =	dma.local [hbm:s3], $0xF7A  }
0x26: {  	[smem:$0x3F97] =	sst s1;
	(tag) =	ssettag s2;
	_ =	strace s9  }
0x27: {  	s1 =	sld [smem:$0x3FA7]  }
0x28: {  	s2 =	sld [smem:$0x3FA8]  }
0x29: {  	s4 =	sld [smem:$0x3FAA]  }
0x2a: {  	p0 =	seq.s32 s5, $0x0;
	s5 =	sld [smem:$0x3FAB]  }
0x2b: {  	s6 =	sld [smem:$0x3FAC]  }
0x2c: {  	s7 =	sld [smem:$0x3FAD]  }
0x2d: {  	s3 =	simm.s32 $0x108;
	s8 =	sld [smem:$0x3FAE]  }
0x2e: {  	s3 =	simm.s32 @!p0 $0x1082;
	s9 =	sld [smem:$0x3FAF]  }
0x2f: {  	lr =	sadd.s32 s0, s3;
	s0 =	sld [smem:$0x3FA6]  }
0x30: {  	s3 =	sld [smem:$0x3FA9]  }
0x31: {  	[smem:$0x3FB2] =	sst s10  }
0x32: {  	s10 =	sld [smem:$0x3FB0];
	_ =	sdelay $0x3  }
0x33: {  	p0 =	seq.s32 s10, $0x1;
	s10 =	sld [smem:$0x3FB2];
	_ =	sdelay $0x3  }
0x34: {  	[smem:$0x3FB2] =	sst s10  }
0x35: {  	s10 =	sld [smem:$0x3FB1];
	_ =	sdelay $0x3  }
0x36: {  	p1 =	seq.s32 s10, $0x1;
	s10 =	sld [smem:$0x3FB2];
	_ =	sdelay $0x3  }
0x37: {  	[smem:$0x3FB2] =	sst s10  }
0x38: {  	s10 =	sld [smem:$0x3FB3]  }
0x39: {  	_ = 	snop;
	(pc) =	sbr.ind lr, $3  }
0x3a: {  	_ = 	snop  }
0x3b: {  	_ = 	snop  }
0x3c: {  	p2 =	seq.s32 s10, $0x1;
	s10 =	sld [smem:$0x3FB2]  }
0x3d: {  	_ =	shalt  }
0x3e: {  	_ =	shalt  }
0x3f: {  	_ =	shalt  }
0x40: {  	_ =	shalt  }
0x41: {  	_ =	shalt  }
0x42: {  	_ =	shalt  }
0x43: {  	_ =	shalt  }
0x44: {  	_ =	shalt  }
0x45: {  	_ =	shalt  }
0x46: {  	_ =	shalt  }
0x47: {  	_ =	shalt  }
0x48: {  	_ =	shalt  }
0x49: {  	_ =	shalt  }
0x4a: {  	_ =	shalt  }
0x4b: {  	_ =	shalt  }
0x4c: {  	_ =	shalt  }
0x4d: {  	_ =	shalt  }
0x4e: {  	_ =	shalt  }
0x4f: {  	_ =	shalt  }
0x50: {  	_ =	shalt  }
0x51: {  	_ =	shalt  }
0x52: {  	_ =	shalt  }
0x53: {  	_ =	shalt  }
0x54: {  	_ =	shalt  }
0x55: {  	_ =	shalt  }
0x56: {  	_ =	shalt  }
0x57: {  	_ =	shalt  }
0x58: {  	_ =	shalt  }
0x59: {  	_ =	shalt  }
0x5a: {  	_ =	shalt  }
0x5b: {  	_ =	shalt  }
0x5c: {  	_ =	shalt  }
0x5d: {  	_ =	shalt  }
0x5e: {  	_ =	shalt  }
0x5f: {  	_ =	shalt  }
0x60: {  	_ =	shalt  }
0x61: {  	_ =	shalt  }
0x62: {  	_ =	shalt  }
0x63: {  	_ =	shalt  }
0x64: {  	_ =	shalt  }
0x65: {  	_ =	shalt  }
0x66: {  	_ =	shalt  }
0x67: {  	_ =	shalt  }
0x68: {  	_ =	shalt  }
0x69: {  	_ =	shalt  }
0x6a: {  	_ =	shalt  }
0x6b: {  	_ =	shalt  }
0x6c: {  	_ =	shalt  }
0x6d: {  	_ =	shalt  }
0x6e: {  	_ =	shalt  }
0x6f: {  	_ =	shalt  }
0x70: {  	_ =	shalt  }
0x71: {  	_ =	shalt  }
0x72: {  	_ =	shalt  }
0x73: {  	_ =	shalt  }
0x74: {  	_ =	shalt  }
0x75: {  	_ =	shalt  }
0x76: {  	_ =	shalt  }
0x77: {  	_ =	shalt  }
0x78: {  	_ =	shalt  }
0x79: {  	_ =	shalt  }
0x7a: {  	_ =	shalt  }
0x7b: {  	_ =	shalt  }
0x7c: {  	_ =	shalt  }
0x7d: {  	_ =	shalt  }
0x7e: {  	_ =	shalt  }
0x7f: {  	_ =	shalt  }
0x80: {  	_ =	shalt  }
0x81: {  	_ =	shalt  }
0x82: {  	_ =	shalt  }
0x83: {  	_ =	shalt  }
0x84: {  	_ =	shalt  }
0x85: {  	_ =	shalt  }
0x86: {  	_ =	shalt  }
0x87: {  	_ =	shalt  }
.Lfunc_end0:
.L_simem_size_0:
called_computation_lowered:
.L_overlay_start_0:
0x88: {  	s2 =	sld [smem:$0x3FD9]  }
0x89: {  	s3 =	sld [smem:$0x3FFE];
	_ =	sdelay $0x1  }
0x8a: {  	s1 =	srdreg.scid  }
0x8b: {  	s0 =	sand.u32 $0x1, s1  }
0x8c: {  	s17 =	sshll.u32 s0, $0xA;
	s2 =	sadd.s32 s3, s2  }
0x8d: {  	s2 =	sadd.s32 s2, s17  }
0x8e: {  	[smem:$0x3FBE] =	sst s2  }
0x8f: {  	_ = 	snop  }
0x90: {  	s2 =	sld [smem:$0x3FD0];
	(tm) =	ssettm $0x1  }
0x91: {  	s18 =	sld [smem:$0x3FFB];
	_ =	sdelay $0x3  }
0x92: {  	_ =	strace s18  }
0x93: {  	s3 =	sld [smem:$0x3FFC];
	_ =	sdelay $0x3  }
0x94: {  	_ =	strace s3  }
0x95: {  	s3 =	sld [smem:$0x3FFD];
	_ =	sdelay $0x3  }
0x96: {  	_ =	strace s3  }
0x97: {  	_ =	strace $0x8FFFFFFF  }
0x98: {  	s19 =	sld [smem:$0x3FDB];
	_ =	sdelay $0x1  }
0x99: {  	s4 =	simm.s32 $_scs_section_size  }
0x9a: {  	s5 =	simm.s32 $_size__tile_overlayer_lowered;
	s6 =	simm.s32 $_tile_overlayer_lowered  }
0x9b: {  	s22 =	simm.s32 $0x1BFF;
	s21 =	sshll.u32 s6, $0x1;
	s3 =	sadd.s32 s4, s19  }
0x9c: {  	s7 =	simm.s32 $0x0;
	s20 =	sshll.u32 s5, $0x1;
	s5 =	sadd.s32 s21, s3  }
0x9d: {  	[timem:s7], [sflag:s22] =	dma.local [hbm:s5], s20  }
0x9e: {  	_ =	swait.ge [sflag:s22], s20  }
0x9f: {  	s4 =	ssub.s32 $0x0, s20;
	[sflag:s22] =	ssyncset.done $0x0  }
0xa0: {  	[sflag:s22] =	ssyncadd.s32 s4;
	_ =	sdelay $0x1  }
0xa1: {  	s23 =	simm.s32 $0x1B8B  }
0xa2: {  	_ =	swait.ge [sflag:s23], $0x1  }
0xa3: {  	[sflag:s23] =	ssyncset.done $0x0  }
0xa4: {  	s25 =	simm.s32 $0x1B8E;
	s24 =	sld [smem:$0x3FFE];
	[sflag:s23] =	ssyncadd.s32 $0xFFFFFFFF  }
0xa5: {  	s26 =	simm.s32 $execute0_lowered;
	[smem:$0x3FD2] =	sst s25  }
0xa6: {  	s5 =	sshll.u32 s26, $0x1;
	_ =	strace $0x80000046;
	[dreg:$0x1] =	wrdreg $0xFFFFFFFF  }
0xa7: {  	s28 =	simm.s32 $_size_execute0_lowered;
	s3 =	sadd.s32 s3, s5;
	[dreg:$0x0] =	wrdreg $0x0  }
0xa8: {  	s5 =	sshll.u32 s28, $0x1;
	[dreg:$0x2] =	wrdreg s3  }
0xa9: {  	[dreg:$0x3] =	wrdreg s5  }
0xaa: {  	[dreg:$0x4] =	wrdreg $0xC0  }
0xab: {  	_ =	task [dreg:s7], $0x5FFFF  }
0xac: {  	[dreg:$0x1] =	wrdreg $0xFFFFFFFF  }
0xad: {  	[dreg:$0x0] =	wrdreg $0x60  }
0xae: {  	[dreg:$0x2] =	wrdreg s24  }
0xaf: {  	[dreg:$0x3] =	wrdreg s2  }
0xb0: {  	[dreg:$0x4] =	wrdreg $0x9  }
0xb1: {  	_ =	task.clear_ibuf [dreg:s7], $0x5FFFF;
	_ =	strace $0x90000046  }
0xb2: {  	s29 =	simm.s32 $0x9;
	_ =	strace $0x80000048  }
0xb3: {  	_ =	swait.ge [sflag:s29], $0x1  }
0xb4: {  	[sflag:s29] =	ssyncadd.s32 $0xFFFFFFFF  }
0xb5: {  	_ =	strace $0x90000048  }
0xb6: {  	_ =	sfence  }
0xb7: {  	s30 =	sld [smem:$0x0];
	_ =	sdelay $0x2  }
0xb8: {  	s31 =	sshll.u32 s1, $0xD;
	s1 =	sshrl.u32 s1, $0x2  }
0xb9: {  	s3 =	sand.u32 $0x4000, s31;
	s1 =	sadd.s32 s1, s30  }
0xba: {  	s0 =	sor.u32 s3, s0;
	s1 =	sshll.u32 s1, $0x11  }
0xbb: {  	s0 =	sor.u32 s1, s0  }
0xbc: {  	s0 =	sadd.s32 $0x8F2B, s0  }
0xbd: {  	[sflag:s0] =	ssyncadd.remote.s32 $0x1  }
0xbe: {  	_ =	sfence.sel $0xFFFF  }
0xbf: {  	[dreg:$0x0] =	wrdreg $0xFFFFFFFF;
	(pc) =	sbr.abs _section_cstart, $3  }
0xc0: {  	[dreg:$0x1] =	wrdreg $0xFFFFFFFF  }
0xc1: {  	_ =	task.clear_ibuf [dreg:s7], $0x2FFFF;
	_ =	strace $0x9FFFFFFF  }
0xc2: {  	(tm) =	ssettm $0x7FFFFFFF  }
0xc3: {  	_ =	shalt  }
tec
execute0_lowered:
.L_overlay_start_1:
0x0: {  	(tag) =	ssettag $0x1  }
0x1: {  	s1 =	rddreg [dreg:$0x0];
	s2 =	srdreg.scid  }
0x2: {  	s0 =	stileid.u32;
	s5 =	rddreg [dreg:$0x1];
	s17 =	simm.s32 $0x80  }
0x3: {  	s18 =	simm.s32 $0x5000;
	s19 =	simm.s32 $0xD000;
	s20 =	simm.s32 $0x9000  }
0x4: {  	s21 =	simm.s32 $0x2880;
	s22 =	simm.s32 $0x11000;
	s28 =	simm.s32 $0x0  }
0x5: {  	s11 =	sand.u32 $0x1, s2;
	s3 =	sshll.u32 s0, $0x1;
	s24 =	smul.u32 $0x280000, s0  }
0x6: {  	s2 =	simm.s32 $0x0;
	s12 =	sadd.s32 $0x34200, s1;
	s15 =	smul.u32 $0x50000, s0  }
0x7: {  	s4 =	sor.u32 s11, s3;
	[smem:$0x7FF] =	sst s2;
	s14 =	smul.u32 $0x140000, s11  }
0x8: {  	s3 =	sadd.s32 $0xD000, s1;
	s8 =	ssub.s32 $0x2, s11;
	s30 =	smul.u32 $0x28000, s11  }
0x9: {  	s6 =	smul.u32 $0x500, s4;
	_ =	strace $0x80000047;
	s9 =	sshrl.u32 s8, $0x1  }
0xa: {  	s10 =	smul.u32 $0x140000, s4;
	s16 =	sadd.s32 s15, s12;
	s13 =	ssub.s32 s8, s9  }
0xb: {  	s14 =	sadd.s32 s14, s24;
	s31 =	sadd.s32 s30, s16;
	s16 =	simm.s32 $0x2800  }
0xc: {  	s24 =	simm.s32 $0x3;
	s7 =	sadd.s32 s6, s1;
	s1 =	sadd.s32 $0x534200, s1  }
0xd: {  	s5 =	sadd.s32 s5, s6;
	s23 =	sshrl.u32 s10, $0x3;
	s10 =	smax.u32 s13, $0x1  }
0xe: {  	s29 =	sshrl.u32 s14, $0x3;
	s13 =	sadd.s32 $0x800, s31;
	s4 =	sadd.s32 $0x3000, s7  }
0xf: {  	s25 =	sadd.s32 $0x27000, s23;
	s26 =	sadd.s32 $0x27800, s23;
	s11 =	sadd.s32 s29, s1  }
0x10: {  	s23 =	simm.s32 $0x1;
	s6 =	sadd.s32 s12, s25;
	s7 =	sadd.s32 s1, s25  }
0x11: {  	s8 =	sadd.s32 s12, s26;
	s9 =	sadd.s32 s1, s26;
	s1 =	sadd.s32 s15, s1  }
0x12: {  	s12 =	sadd.s32 s29, s12;
	s15 =	simm.s32 $0x5;
	s1 =	sadd.s32 s30, s1  }
0x13: {  	s25 =	simm.s32 $0x2;
	s26 =	simm.s32 $0x4;
	s14 =	sadd.s32 $0x800, s1  }
.LBB2_1:
0x14: {  	[tilespmem:s2], [sflag:$0x5] =	stream.linear.gather [hbm4b:s4+s2], $0x2800, $0x38;
	[tilespmem:$0x15000] =	vst v63  }
0x15: {  	_ =	swait.ge [sflag:s15], $0x2800  }
0x16: {  	[sflag:s15] =	ssyncset.done $0x0  }
0x17: {  	[sflag:s15] =	ssyncadd.s32 $0xFFFFD800  }
0x18: {  	[tilespmem:s16], [sflag:$0x5] =	stream.linear.gather [hbm4b:s5+s2], $0x2800, $0x38;
	[tilespmem:$0x15000] =	vst v63  }
0x19: {  	_ =	swait.ge [sflag:s15], $0x2800  }
0x1a: {  	[sflag:s15] =	ssyncset.done $0x0  }
0x1b: {  	[sflag:s15] =	ssyncadd.s32 $0xFFFFD800  }
0x1c: {  	[tilespmem:s18], [sflag:$0x1] =	stream.indirect.gather [hbm4b:s3+s17], $0x80, s2, s17, $0xb8;
	[tilespmem:$0x15000] =	vst v63  }
0x1d: {  	_ = 	snop  }
0x1e: {  	[tilespmem:s19], [sflag:$0x3] =	stream.indirect.gather [hbm4b:s3+s17], $0x80, s16, s17, $0xb8;
	[tilespmem:$0x15000] =	vst v63  }
0x1f: {  	_ = 	snop  }
0x20: {  	[tilespmem:s20], [sflag:$0x2] =	stream.indirect.gather [hbm4b:s3+s17], $0x80, s17, s17, $0xb8;
	[tilespmem:$0x15000] =	vst v63  }
0x21: {  	_ = 	snop  }
0x22: {  	[tilespmem:s22], [sflag:$0x4] =	stream.indirect.gather [hbm4b:s3+s17], $0x80, s21, s17, $0xb8;
	[tilespmem:$0x15000] =	vst v63  }
0x23: {  	_ =	swait.ge [sflag:s23], $0x4000  }
0x24: {  	[sflag:s23] =	ssyncset.done $0x0  }
0x25: {  	s1 =	sadd.s32 $0x0, s12;
	[sflag:s23] =	ssyncadd.s32 $0xFFFFC000  }
0x26: {  	[hbm4b:s1+s2] =	stream.linear.scatter [tilespmem:s18], [sflag:$0x5], $0x4000, $0x38;
	[tilespmem:$0x15000] =	vst v63  }
0x27: {  	_ =	swait.ge [sflag:s15], $0x4000  }
0x28: {  	[sflag:s15] =	ssyncset.done $0x0  }
0x29: {  	s0 =	simm.s32 $0x100;
	[sflag:s15] =	ssyncadd.s32 $0xFFFFC000  }
0x2a: {  	[tilespmem:s18], [sflag:$0x1] =	stream.indirect.gather [hbm4b:s3+s17], $0x80, s0, s17, $0xb8;
	[tilespmem:$0x15000] =	vst v63  }
0x2b: {  	_ =	swait.ge [sflag:s24], $0x4000  }
0x2c: {  	[sflag:s24] =	ssyncset.done $0x0  }
0x2d: {  	s0 =	sadd.s32 $0x0, s11;
	[sflag:s24] =	ssyncadd.s32 $0xFFFFC000  }
0x2e: {  	[hbm4b:s0+s2] =	stream.linear.scatter [tilespmem:s19], [sflag:$0x5], $0x4000, $0x38;
	[tilespmem:$0x15000] =	vst v63  }
0x2f: {  	_ =	swait.ge [sflag:s15], $0x4000  }
0x30: {  	[sflag:s15] =	ssyncset.done $0x0  }
0x31: {  	s0 =	simm.s32 $0x2900;
	[sflag:s15] =	ssyncadd.s32 $0xFFFFC000  }
0x32: {  	[tilespmem:s19], [sflag:$0x3] =	stream.indirect.gather [hbm4b:s3+s17], $0x80, s0, s17, $0xb8;
	[tilespmem:$0x15000] =	vst v63  }
0x33: {  	_ =	swait.ge [sflag:s25], $0x4000  }
0x34: {  	[sflag:s25] =	ssyncset.done $0x0  }
0x35: {  	s0 =	sadd.s32 $0x0, s13;
	[sflag:s25] =	ssyncadd.s32 $0xFFFFC000  }
0x36: {  	[hbm4b:s0+s2] =	stream.linear.scatter [tilespmem:s20], [sflag:$0x5], $0x4000, $0x38;
	[tilespmem:$0x15000] =	vst v63  }
0x37: {  	_ =	swait.ge [sflag:s15], $0x4000  }
0x38: {  	[sflag:s15] =	ssyncset.done $0x0  }
0x39: {  	s0 =	simm.s32 $0x180;
	[sflag:s15] =	ssyncadd.s32 $0xFFFFC000  }
0x3a: {  	[tilespmem:s20], [sflag:$0x2] =	stream.indirect.gather [hbm4b:s3+s17], $0x80, s0, s17, $0xb8;
	[tilespmem:$0x15000] =	vst v63  }
0x3b: {  	_ =	swait.ge [sflag:s26], $0x4000  }
0x3c: {  	[sflag:s26] =	ssyncset.done $0x0  }
0x3d: {  	s0 =	sadd.s32 $0x0, s14;
	[sflag:s26] =	ssyncadd.s32 $0xFFFFC000  }
0x3e: {  	[hbm4b:s0+s2] =	stream.linear.scatter [tilespmem:s22], [sflag:$0x5], $0x4000, $0x38;
	[tilespmem:$0x15000] =	vst v63  }
0x3f: {  	_ =	swait.ge [sflag:s15], $0x4000  }
0x40: {  	s29 =	simm.s32 $0x1000;
	s30 =	simm.s32 $0x200;
	[sflag:s15] =	ssyncset.done $0x0  }
0x41: {  	s31 =	simm.s32 $0x2A00;
	s1 =	simm.s32 $0x2980;
	[sflag:s15] =	ssyncadd.s32 $0xFFFFC000  }
.LBB2_2:
0x42: {  	[tilespmem:s22], [sflag:$0x4] =	stream.indirect.gather [hbm4b:s3+s17], $0x80, s1, s17, $0xb8;
	[tilespmem:$0x15000] =	vst v63  }
0x43: {  	s1 =	smov.u32 s29  }
0x44: {  	p0 =	sne.s32 s29, $0x26000;
	s29 =	sadd.s32 $0x1000, s29;
	_ =	swait.ge [sflag:s23], $0x4000  }
0x45: {  	[sflag:s23] =	ssyncset.done $0x0  }
0x46: {  	s0 =	sadd.s32 s1, s12;
	[sflag:s23] =	ssyncadd.s32 $0xFFFFC000  }
0x47: {  	[hbm4b:s0+s2] =	stream.linear.scatter [tilespmem:s18], [sflag:$0x5], $0x4000, $0x38;
	[tilespmem:$0x15000] =	vst v63  }
0x48: {  	_ =	swait.ge [sflag:s15], $0x4000  }
0x49: {  	[sflag:s15] =	ssyncset.done $0x0  }
0x4a: {  	[sflag:s15] =	ssyncadd.s32 $0xFFFFC000  }
0x4b: {  	[tilespmem:s18], [sflag:$0x1] =	stream.indirect.gather [hbm4b:s3+s17], $0x80, s30, s17, $0xb8;
	[tilespmem:$0x15000] =	vst v63  }
0x4c: {  	_ =	swait.ge [sflag:s24], $0x4000  }
0x4d: {  	[sflag:s24] =	ssyncset.done $0x0  }
0x4e: {  	s0 =	sadd.s32 s1, s11;
	[sflag:s24] =	ssyncadd.s32 $0xFFFFC000  }
0x4f: {  	[hbm4b:s0+s2] =	stream.linear.scatter [tilespmem:s19], [sflag:$0x5], $0x4000, $0x38;
	[tilespmem:$0x15000] =	vst v63  }
0x50: {  	_ =	swait.ge [sflag:s15], $0x4000  }
0x51: {  	[sflag:s15] =	ssyncset.done $0x0  }
0x52: {  	[sflag:s15] =	ssyncadd.s32 $0xFFFFC000  }
0x53: {  	[tilespmem:s19], [sflag:$0x3] =	stream.indirect.gather [hbm4b:s3+s17], $0x80, s31, s17, $0xb8;
	[tilespmem:$0x15000] =	vst v63  }
0x54: {  	_ =	swait.ge [sflag:s25], $0x4000  }
0x55: {  	[sflag:s25] =	ssyncset.done $0x0  }
0x56: {  	s0 =	sadd.s32 s1, s13;
	[sflag:s25] =	ssyncadd.s32 $0xFFFFC000  }
0x57: {  	[hbm4b:s0+s2] =	stream.linear.scatter [tilespmem:s20], [sflag:$0x5], $0x4000, $0x38;
	[tilespmem:$0x15000] =	vst v63  }
0x58: {  	_ =	swait.ge [sflag:s15], $0x4000  }
0x59: {  	[sflag:s15] =	ssyncset.done $0x0  }
0x5a: {  	s0 =	sadd.s32 $0x80, s30;
	[sflag:s15] =	ssyncadd.s32 $0xFFFFC000  }
0x5b: {  	[tilespmem:s20], [sflag:$0x2] =	stream.indirect.gather [hbm4b:s3+s17], $0x80, s0, s17, $0xb8;
	[tilespmem:$0x15000] =	vst v63  }
0x5c: {  	_ =	swait.ge [sflag:s26], $0x4000  }
0x5d: {  	[sflag:s26] =	ssyncset.done $0x0  }
.Ltmp0:
0x5e: {  	s0 =	sadd.s32 s1, s14;
	[sflag:s26] =	ssyncadd.s32 $0xFFFFC000;
	(pc) =	sbr.rel @p0 .LBB2_2-.Ltmp0, $4  }
0x5f: {  	[hbm4b:s0+s2] =	stream.linear.scatter [tilespmem:s22], [sflag:$0x5], $0x4000, $0x38;
	[tilespmem:$0x15000] =	vst v63  }
0x60: {  	_ =	swait.ge [sflag:s15], $0x4000  }
0x61: {  	s30 =	sadd.s32 $0x100, s30;
	[sflag:s15] =	ssyncset.done $0x0  }
0x62: {  	s1 =	sadd.s32 $0x80, s31;
	s31 =	sadd.s32 $0x100, s31;
	[sflag:s15] =	ssyncadd.s32 $0xFFFFC000  }
0x63: {  	[tilespmem:s22], [sflag:$0x4] =	stream.indirect.gather [hbm4b:s3+s17], $0x80, s1, s17, $0xb8;
	[tilespmem:$0x15000] =	vst v63  }
0x64: {  	_ =	swait.ge [sflag:s23], $0x4000  }
0x65: {  	[sflag:s23] =	ssyncset.done $0x0  }
0x66: {  	[sflag:s23] =	ssyncadd.s32 $0xFFFFC000  }
0x67: {  	[hbm4b:s6+s2] =	stream.linear.scatter [tilespmem:s18], [sflag:$0x5], $0x4000, $0x38;
	[tilespmem:$0x15000] =	vst v63  }
0x68: {  	_ =	swait.ge [sflag:s15], $0x4000  }
0x69: {  	[sflag:s15] =	ssyncset.done $0x0  }
0x6a: {  	[sflag:s15] =	ssyncadd.s32 $0xFFFFC000  }
0x6b: {  	_ =	swait.ge [sflag:s24], $0x4000  }
0x6c: {  	[sflag:s24] =	ssyncset.done $0x0  }
0x6d: {  	[sflag:s24] =	ssyncadd.s32 $0xFFFFC000  }
0x6e: {  	[hbm4b:s7+s2] =	stream.linear.scatter [tilespmem:s19], [sflag:$0x5], $0x4000, $0x38;
	[tilespmem:$0x15000] =	vst v63  }
0x6f: {  	_ =	swait.ge [sflag:s15], $0x4000  }
0x70: {  	[sflag:s15] =	ssyncset.done $0x0  }
0x71: {  	[sflag:s15] =	ssyncadd.s32 $0xFFFFC000  }
0x72: {  	_ =	swait.ge [sflag:s25], $0x4000  }
0x73: {  	[sflag:s25] =	ssyncset.done $0x0  }
0x74: {  	[sflag:s25] =	ssyncadd.s32 $0xFFFFC000  }
0x75: {  	[hbm4b:s8+s2] =	stream.linear.scatter [tilespmem:s20], [sflag:$0x5], $0x4000, $0x38;
	[tilespmem:$0x15000] =	vst v63  }
0x76: {  	_ =	swait.ge [sflag:s15], $0x4000  }
0x77: {  	[sflag:s15] =	ssyncset.done $0x0  }
0x78: {  	[sflag:s15] =	ssyncadd.s32 $0xFFFFC000  }
0x79: {  	s28 =	sadd.s32 $0x1, s28;
	_ =	swait.ge [sflag:s26], $0x4000  }
0x7a: {  	p0 =	sne.s32 s28, s10;
	[sflag:s26] =	ssyncset.done $0x0  }
.Ltmp1:
0x7b: {  	[sflag:s26] =	ssyncadd.s32 $0xFFFFC000;
	(pc) =	sbr.rel @p0 .LBB2_1-.Ltmp1, $4  }
0x7c: {  	[hbm4b:s9+s2] =	stream.linear.scatter [tilespmem:s22], [sflag:$0x5], $0x4000, $0x38;
	[tilespmem:$0x15000] =	vst v63  }
0x7d: {  	_ =	swait.ge [sflag:s15], $0x4000  }
0x7e: {  	[sflag:s15] =	ssyncset.done $0x0  }
0x7f: {  	[sflag:s15] =	ssyncadd.s32 $0xFFFFC000  }
0x80: {  	_ =	sfence.sel $0x180000  }
0x81: {  	[bflag:$0x0] =	sbarrier.arrive $0xFFFF  }
0x82: {  	_ =	strace $0x90000047  }
0x83: {  	s0 =	stileid.u32;
	[bflag:$0x2] =	sbarrier.arrive $0xFFFF  }
0x84: {  	p0 =	sne.s32 s0, $0x0;
	s0 =	rddreg [dreg:$0x2]  }
0x85: {  	s0 =	sadd.s32 @!p0 $0x100000, s0  }
0x86: {  	[sflag:s0] =	ssyncadd.tile.s32 @!p0 $0x1;
	_ =	shalt  }
.Lfunc_end2:
_tile_overlayer_lowered:
.L_overlay_start_2:
0x87: {  	(tag) =	ssettag $0x2  }
0x88: {  	s0 =	rddreg [dreg:$0x0];
	s2 =	stileid.u32  }
0x89: {  	s1 =	rddreg [dreg:$0x1];
	p0 =	sne.s32 s2, $0x0  }
0x8a: {  	s3 =	rddreg [dreg:$0x2];
	[bflag:$0x3] =	sbarrier.arrive $0xFFFF;
	s2 =	simm.s32 @!p0 $0x1C05  }
0x8b: {  	[timem:s3], [sflag:s2] =	dma.local @!p0 [hbm:s0], s1  }
0x8c: {  	s0 =	simm.s32 @!p0 $0x5  }
0x8d: {  	_ =	swait.ge @!p0 [sflag:s0], s1  }
0x8e: {  	s1 =	ssub.s32 @!p0 $0x0, s1;
	[sflag:s0] =	ssyncset.done @!p0 $0x0  }
0x8f: {  	[sflag:s0] =	ssyncadd.s32 @!p0 s1  }
0x90: {  	[bflag:$0x3] =	sbarrier.arrive $0xFFFF  }
0x91: {  	_ =	shalt  }

// kernel: kernel.14.cloned.1.call-start
scs
__scs_entry_jumppad:
0x0: {  	(pc) =	sbr.rel $0x88, $3  }
0x1: {  	(tag) =	ssettag $0x0;
	lr =	simm.s32 $0x1  }
0x2: {  	[smem:$0x3F97] =	sst lr;
	_ =	strace $0xD0000000  }
0x3: {  	_ = 	snop  }
0x4: {  	_ = 	snop  }
0x5: {  	_ = 	snop  }
0x6: {  	_ = 	snop  }
0x7: {  	_ = 	snop  }
__scs_overlays_trampoline_lowered:
0x8: {  	[smem:$0x3FA6] =	sst s0  }
0x9: {  	[smem:$0x3FA7] =	sst s1  }
0xa: {  	[smem:$0x3FA8] =	sst s2  }
0xb: {  	[smem:$0x3FA9] =	sst s3  }
0xc: {  	[smem:$0x3FAA] =	sst s4  }
0xd: {  	[smem:$0x3FAB] =	sst s5  }
0xe: {  	[smem:$0x3FAC] =	sst s6  }
0xf: {  	[smem:$0x3FAD] =	sst s7  }
0x10: {  	[smem:$0x3FAE] =	sst s8  }
0x11: {  	[smem:$0x3FAF] =	sst s9;
	s0 =	simm.s32 @!p0 $0x0  }
0x12: {  	s1 =	sld [smem:$0x3F95];
	s0 =	simm.s32 @p0 $0x1  }
0x13: {  	[smem:$0x3FB0] =	sst s0;
	s0 =	simm.s32 @!p1 $0x0  }
0x14: {  	s2 =	sld [smem:$0x3F94];
	s0 =	simm.s32 @p1 $0x1  }
0x15: {  	[smem:$0x3FB1] =	sst s0;
	s0 =	simm.s32 @!p2 $0x0  }
0x16: {  	s3 =	sld [smem:$0x3FDB];
	s0 =	simm.s32 @p2 $0x1  }
0x17: {  	s4 =	simm.s32 $0x1BF5;
	[smem:$0x3FB3] =	sst s0  }
0x18: {  	s0 =	sld [smem:$0x3F96];
	_ =	swait.ge [sflag:s4], $0x0  }
0x19: {  	s7 =	sld [smem:$0x3F97]  }
0x1a: {  	s8 =	sadd.s32 $0xFFFFE003, lr  }
0x1b: {  	s9 =	sadd.s32 $0xFFFFFEF7, lr;
	s5 =	simm.s32 $0xFFFFFFFF;
	p2 =	slt.u32 s8, $0xFFFFF086  }
0x1c: {  	p1 =	slt.u32 s9, $0xF7A;
	s5 =	simm.s32 @!p2 $0x0  }
0x1d: {  	s5 =	simm.s32 @p1 $0x1;
	p0 =	seq.s32 s7, s2  }
0x1e: {  	s7 =	smul.u32 @!p0 $0xF7A, s2;
	p2 =	seq.s32 @!p0 s5, $0x0  }
0x1f: {  	s9 =	smul.u32 $0xF7A, s1;
	s8 =	simm.s32 @!p0 $0x1BF5;
	p2 =	por !p2, p0  }
0x20: {  	[sflag:s8] =	ssyncset.s32 @!p0 $0xFFFFF086;
	s6 =	sadd.s32 @!p0 s3, s7;
	s7 =	simm.s32 @!p0 $0x108  }
0x21: {  	s3 =	sadd.s32 s3, s9;
	s6 =	sadd.s32 @!p0 $0x88, s6;
	s7 =	simm.s32 @p2 $0x1082  }
0x22: {  	[simem:s7], [sflag:s8] =	dma.local @!p0 [hbm:s6], $0xF7A  }
0x23: {  	s9 =	sor.u32 $0xD0000000, s2;
	s6 =	simm.s32 $0x108;
	_ =	swait.ge @!p0 [sflag:s8], $0x0  }
0x24: {  	s3 =	sadd.s32 $0x88, s3;
	s6 =	simm.s32 @!p1 $0x1082;
	[sflag:s4] =	ssyncset.s32 $0xFFFFF086  }
0x25: {  	[simem:s6], [sflag:s4] =	dma.local [hbm:s3], $0xF7A  }
0x26: {  	[smem:$0x3F97] =	sst s1;
	(tag) =	ssettag s2;
	_ =	strace s9  }
0x27: {  	s1 =	sld [smem:$0x3FA7]  }
0x28: {  	s2 =	sld [smem:$0x3FA8]  }
0x29: {  	s4 =	sld [smem:$0x3FAA]  }
0x2a: {  	p0 =	seq.s32 s5, $0x0;
	s5 =	sld [smem:$0x3FAB]  }
0x2b: {  	s6 =	sld [smem:$0x3FAC]  }
0x2c: {  	s7 =	sld [smem:$0x3FAD]  }
0x2d: {  	s3 =	simm.s32 $0x108;
	s8 =	sld [smem:$0x3FAE]  }
0x2e: {  	s3 =	simm.s32 @!p0 $0x1082;
	s9 =	sld [smem:$0x3FAF]  }
0x2f: {  	lr =	sadd.s32 s0, s3;
	s0 =	sld [smem:$0x3FA6]  }
0x30: {  	s3 =	sld [smem:$0x3FA9]  }
0x31: {  	[smem:$0x3FB2] =	sst s10  }
0x32: {  	s10 =	sld [smem:$0x3FB0];
	_ =	sdelay $0x3  }
0x33: {  	p0 =	seq.s32 s10, $0x1;
	s10 =	sld [smem:$0x3FB2];
	_ =	sdelay $0x3  }
0x34: {  	[smem:$0x3FB2] =	sst s10  }
0x35: {  	s10 =	sld [smem:$0x3FB1];
	_ =	sdelay $0x3  }
0x36: {  	p1 =	seq.s32 s10, $0x1;
	s10 =	sld [smem:$0x3FB2];
	_ =	sdelay $0x3  }
0x37: {  	[smem:$0x3FB2] =	sst s10  }
0x38: {  	s10 =	sld [smem:$0x3FB3]  }
0x39: {  	_ = 	snop;
	(pc) =	sbr.ind lr, $3  }
0x3a: {  	_ = 	snop  }
0x3b: {  	_ = 	snop  }
0x3c: {  	p2 =	seq.s32 s10, $0x1;
	s10 =	sld [smem:$0x3FB2]  }
0x3d: {  	_ =	shalt  }
0x3e: {  	_ =	shalt  }
0x3f: {  	_ =	shalt  }
0x40: {  	_ =	shalt  }
0x41: {  	_ =	shalt  }
0x42: {  	_ =	shalt  }
0x43: {  	_ =	shalt  }
0x44: {  	_ =	shalt  }
0x45: {  	_ =	shalt  }
0x46: {  	_ =	shalt  }
0x47: {  	_ =	shalt  }
0x48: {  	_ =	shalt  }
0x49: {  	_ =	shalt  }
0x4a: {  	_ =	shalt  }
0x4b: {  	_ =	shalt  }
0x4c: {  	_ =	shalt  }
0x4d: {  	_ =	shalt  }
0x4e: {  	_ =	shalt  }
0x4f: {  	_ =	shalt  }
0x50: {  	_ =	shalt  }
0x51: {  	_ =	shalt  }
0x52: {  	_ =	shalt  }
0x53: {  	_ =	shalt  }
0x54: {  	_ =	shalt  }
0x55: {  	_ =	shalt  }
0x56: {  	_ =	shalt  }
0x57: {  	_ =	shalt  }
0x58: {  	_ =	shalt  }
0x59: {  	_ =	shalt  }
0x5a: {  	_ =	shalt  }
0x5b: {  	_ =	shalt  }
0x5c: {  	_ =	shalt  }
0x5d: {  	_ =	shalt  }
0x5e: {  	_ =	shalt  }
0x5f: {  	_ =	shalt  }
0x60: {  	_ =	shalt  }
0x61: {  	_ =	shalt  }
0x62: {  	_ =	shalt  }
0x63: {  	_ =	shalt  }
0x64: {  	_ =	shalt  }
0x65: {  	_ =	shalt  }
0x66: {  	_ =	shalt  }
0x67: {  	_ =	shalt  }
0x68: {  	_ =	shalt  }
0x69: {  	_ =	shalt  }
0x6a: {  	_ =	shalt  }
0x6b: {  	_ =	shalt  }
0x6c: {  	_ =	shalt  }
0x6d: {  	_ =	shalt  }
0x6e: {  	_ =	shalt  }
0x6f: {  	_ =	shalt  }
0x70: {  	_ =	shalt  }
0x71: {  	_ =	shalt  }
0x72: {  	_ =	shalt  }
0x73: {  	_ =	shalt  }
0x74: {  	_ =	shalt  }
0x75: {  	_ =	shalt  }
0x76: {  	_ =	shalt  }
0x77: {  	_ =	shalt  }
0x78: {  	_ =	shalt  }
0x79: {  	_ =	shalt  }
0x7a: {  	_ =	shalt  }
0x7b: {  	_ =	shalt  }
0x7c: {  	_ =	shalt  }
0x7d: {  	_ =	shalt  }
0x7e: {  	_ =	shalt  }
0x7f: {  	_ =	shalt  }
0x80: {  	_ =	shalt  }
0x81: {  	_ =	shalt  }
0x82: {  	_ =	shalt  }
0x83: {  	_ =	shalt  }
0x84: {  	_ =	shalt  }
0x85: {  	_ =	shalt  }
0x86: {  	_ =	shalt  }
0x87: {  	_ =	shalt  }
.Lfunc_end0:
.L_simem_size_0:
called_computation.1_lowered:
.L_overlay_start_0:
0x88: {  	s2 =	sld [smem:$0x3FD9]  }
0x89: {  	s3 =	sld [smem:$0x3FFE];
	_ =	sdelay $0x1  }
0x8a: {  	s1 =	srdreg.scid  }
0x8b: {  	s0 =	sand.u32 $0x1, s1  }
0x8c: {  	s17 =	sshll.u32 s0, $0xA;
	s2 =	sadd.s32 s3, s2  }
0x8d: {  	s2 =	sadd.s32 s2, s17  }
0x8e: {  	[smem:$0x3FBE] =	sst s2  }
0x8f: {  	_ = 	snop  }
0x90: {  	s2 =	sld [smem:$0x3FD0];
	(tm) =	ssettm $0x1  }
0x91: {  	s18 =	sld [smem:$0x3FFB];
	_ =	sdelay $0x3  }
0x92: {  	_ =	strace s18  }
0x93: {  	s3 =	sld [smem:$0x3FFC];
	_ =	sdelay $0x3  }
0x94: {  	_ =	strace s3  }
0x95: {  	s3 =	sld [smem:$0x3FFD];
	_ =	sdelay $0x3  }
0x96: {  	_ =	strace s3  }
0x97: {  	_ =	strace $0x8FFFFFFF  }
0x98: {  	s19 =	sld [smem:$0x3FDB];
	_ =	sdelay $0x1  }
0x99: {  	s4 =	simm.s32 $_scs_section_size  }
0x9a: {  	s5 =	simm.s32 $_size__tile_overlayer_lowered;
	s6 =	simm.s32 $_tile_overlayer_lowered  }
0x9b: {  	s22 =	simm.s32 $0x1BFF;
	s21 =	sshll.u32 s6, $0x1;
	s3 =	sadd.s32 s4, s19  }
0x9c: {  	s7 =	simm.s32 $0x0;
	s20 =	sshll.u32 s5, $0x1;
	s5 =	sadd.s32 s21, s3  }
0x9d: {  	[timem:s7], [sflag:s22] =	dma.local [hbm:s5], s20  }
0x9e: {  	_ =	swait.ge [sflag:s22], s20  }
0x9f: {  	s4 =	ssub.s32 $0x0, s20;
	[sflag:s22] =	ssyncset.done $0x0  }
0xa0: {  	[sflag:s22] =	ssyncadd.s32 s4;
	_ =	sdelay $0x1  }
0xa1: {  	s23 =	simm.s32 $0x1B8B  }
0xa2: {  	_ =	swait.ge [sflag:s23], $0x1  }
0xa3: {  	[sflag:s23] =	ssyncset.done $0x0  }
0xa4: {  	s25 =	simm.s32 $0x1B8E;
	s24 =	sld [smem:$0x3FFE];
	[sflag:s23] =	ssyncadd.s32 $0xFFFFFFFF  }
0xa5: {  	s26 =	simm.s32 $execute0_lowered;
	[smem:$0x3FD2] =	sst s25  }
0xa6: {  	s5 =	sshll.u32 s26, $0x1;
	_ =	strace $0x80000049;
	[dreg:$0x1] =	wrdreg $0xFFFFFFFF  }
0xa7: {  	s28 =	simm.s32 $_size_execute0_lowered;
	s3 =	sadd.s32 s3, s5;
	[dreg:$0x0] =	wrdreg $0x0  }
0xa8: {  	s5 =	sshll.u32 s28, $0x1;
	[dreg:$0x2] =	wrdreg s3  }
0xa9: {  	[dreg:$0x3] =	wrdreg s5  }
0xaa: {  	[dreg:$0x4] =	wrdreg $0xC0  }
0xab: {  	_ =	task [dreg:s7], $0x5FFFF  }
0xac: {  	[dreg:$0x1] =	wrdreg $0xFFFFFFFF  }
0xad: {  	[dreg:$0x0] =	wrdreg $0x60  }
0xae: {  	[dreg:$0x2] =	wrdreg s24  }
0xaf: {  	[dreg:$0x3] =	wrdreg s2  }
0xb0: {  	[dreg:$0x4] =	wrdreg $0x68000  }
0xb1: {  	[dreg:$0x5] =	wrdreg $0x9  }
0xb2: {  	_ =	task.clear_ibuf [dreg:s7], $0x6FFFF;
	_ =	strace $0x90000049  }
0xb3: {  	s29 =	simm.s32 $0x9;
	_ =	strace $0x8000004B  }
0xb4: {  	_ =	swait.ge [sflag:s29], $0x1  }
0xb5: {  	[sflag:s29] =	ssyncadd.s32 $0xFFFFFFFF  }
0xb6: {  	_ =	strace $0x9000004B  }
0xb7: {  	_ =	sfence  }
0xb8: {  	s30 =	sld [smem:$0x0];
	_ =	sdelay $0x2  }
0xb9: {  	s31 =	sshll.u32 s1, $0xD;
	s1 =	sshrl.u32 s1, $0x2  }
0xba: {  	s3 =	sand.u32 $0x4000, s31;
	s1 =	sadd.s32 s1, s30  }
0xbb: {  	s0 =	sor.u32 s3, s0;
	s1 =	sshll.u32 s1, $0x11  }
0xbc: {  	s0 =	sor.u32 s1, s0  }
0xbd: {  	s0 =	sadd.s32 $0x8F2B, s0  }
0xbe: {  	[sflag:s0] =	ssyncadd.remote.s32 $0x1  }
0xbf: {  	_ =	sfence.sel $0xFFFF  }
0xc0: {  	[dreg:$0x0] =	wrdreg $0xFFFFFFFF;
	(pc) =	sbr.abs _section_cstart, $3  }
0xc1: {  	[dreg:$0x1] =	wrdreg $0xFFFFFFFF  }
0xc2: {  	_ =	task.clear_ibuf [dreg:s7], $0x2FFFF;
	_ =	strace $0x9FFFFFFF  }
0xc3: {  	(tm) =	ssettm $0x7FFFFFFF  }
tec
execute0_lowered:
.L_overlay_start_1:
0x0: {  	(tag) =	ssettag $0x1  }
0x1: {  	s4 =	rddreg [dreg:$0x0]  }
0x2: {  	s5 =	rddreg [dreg:$0x1]  }
0x3: {  	s2 =	rddreg [dreg:$0x2]  }
0x4: {  	s1 =	stileid.u32;
	s0 =	rddreg [dreg:$0x3]  }
0x5: {  	s3 =	simm.s32 $0x0;
	s7 =	srdreg.scid;
	s6 =	smul.u32 $0x50000, s1  }
0x6: {  	[smem:$0x7FF] =	sst s3;
	s14 =	sadd.s32 $0xA34200, s4;
	s12 =	smul.u32 $0x280, s1  }
0x7: {  	s18 =	sand.u32 $0x1, s7;
	s26 =	sshll.u32 s1, $0x1;
	s9 =	smul.u32 $0x2800, s1  }
0x8: {  	s21 =	sadd.s32 $0xD000, s4;
	s25 =	smul.u32 $0x14000, s1;
	_ =	strace $0x8000004A  }
0x9: {  	s8 =	ssub.s32 $0x2, s18;
	s7 =	sor.u32 s18, s26;
	s19 =	smul.u32 $0x140000, s18  }
0xa: {  	s26 =	smul.u32 $0x28000, s18;
	s20 =	sadd.s32 s6, s4;
	s28 =	sshrl.u32 s8, $0x1  }
0xb: {  	s7 =	smul.u32 $0x500, s7;
	s6 =	sshrl.u32 s6, $0x2;
	s29 =	sadd.s32 $0x80, s12  }
0xc: {  	s11 =	sadd.s32 $0x100, s12;
	s13 =	sadd.s32 $0x180, s12;
	s17 =	sadd.s32 $0x200, s12  }
0xd: {  	s8 =	ssub.s32 s8, s28;
	s30 =	sshll.u32 s29, $0x4;
	s15 =	sshll.u32 s29, $0x7  }
0xe: {  	s10 =	sshll.u32 s11, $0x4;
	s22 =	sshll.u32 s11, $0x7;
	s16 =	sshll.u32 s13, $0x4  }
0xf: {  	s23 =	sshll.u32 s13, $0x7;
	s24 =	sshll.u32 s17, $0x4;
	s31 =	sshll.u32 s17, $0x7  }
0x10: {  	s17 =	sadd.s32 s19, s25;
	s4 =	sadd.s32 s5, s7;
	s5 =	sadd.s32 s6, s2  }
0x11: {  	s6 =	smax.u32 s8, $0x1;
	s7 =	sadd.s32 s14, s9;
	s8 =	sadd.s32 s14, s30  }
0x12: {  	s9 =	sadd.s32 s15, s2;
	s10 =	sadd.s32 s14, s10;
	s11 =	sadd.s32 s22, s2  }
0x13: {  	s12 =	sadd.s32 s14, s16;
	s13 =	sadd.s32 s23, s2;
	s14 =	sadd.s32 s14, s24  }
0x14: {  	s25 =	sadd.s32 s19, s15;
	s15 =	sadd.s32 s31, s2;
	s16 =	sshrl.u32 s17, $0x3  }
0x15: {  	s22 =	sadd.s32 s19, s22;
	s23 =	sadd.s32 s19, s23;
	s29 =	sadd.s32 s19, s31  }
0x16: {  	s31 =	sadd.s32 s26, s20;
	s24 =	simm.s32 $0x80;
	s17 =	sshrl.u32 s25, $0x3  }
0x17: {  	s16 =	sadd.s32 s21, s16;
	s22 =	sshrl.u32 s22, $0x3;
	s28 =	sshrl.u32 s23, $0x3  }
0x18: {  	s30 =	sshrl.u32 s29, $0x3;
	s23 =	simm.s32 $0x1;
	s25 =	simm.s32 $0x0  }
0x19: {  	s17 =	sadd.s32 s21, s17;
	s18 =	sadd.s32 s21, s22;
	s19 =	sadd.s32 s21, s28  }
0x1a: {  	s20 =	sadd.s32 s21, s30;
	s21 =	sadd.s32 $0xA5C200, s31;
	s22 =	simm.s32 $0x2800  }
.LBB2_1:
0x1b: {  	[tilespmem:s22], [sflag:$0x1] =	stream.linear.gather [hbm4b:s7+s3], $0x4000, $0x38;
	[tilespmem:$0x13000] =	vst v63  }
0x1c: {  	_ =	swait.ge [sflag:s23], $0x4000  }
0x1d: {  	[sflag:s23] =	ssyncset.done $0x0  }
0x1e: {  	[sflag:s23] =	ssyncadd.s32 $0xFFFFC000  }
0x1f: {  	[spmem:s5] =	stream.linear.scatter [tilespmem:s22], [sflag:$0x1], $0x4000, $0x38;
	[tilespmem:$0x13000] =	vst v63  }
0x20: {  	_ =	swait.ge [sflag:s23], $0x4000  }
0x21: {  	[sflag:s23] =	ssyncset.done $0x0  }
0x22: {  	[sflag:s23] =	ssyncadd.s32 $0xFFFFC000  }
0x23: {  	[tilespmem:s22], [sflag:$0x1] =	stream.linear.gather [hbm4b:s8+s3], $0x4000, $0x38;
	[tilespmem:$0x13000] =	vst v63  }
0x24: {  	_ =	swait.ge [sflag:s23], $0x4000  }
0x25: {  	[sflag:s23] =	ssyncset.done $0x0  }
0x26: {  	[sflag:s23] =	ssyncadd.s32 $0xFFFFC000  }
0x27: {  	[spmem:s9] =	stream.linear.scatter [tilespmem:s22], [sflag:$0x1], $0x4000, $0x38;
	[tilespmem:$0x13000] =	vst v63  }
0x28: {  	_ =	swait.ge [sflag:s23], $0x4000  }
0x29: {  	[sflag:s23] =	ssyncset.done $0x0  }
0x2a: {  	[sflag:s23] =	ssyncadd.s32 $0xFFFFC000  }
0x2b: {  	[tilespmem:s22], [sflag:$0x1] =	stream.linear.gather [hbm4b:s10+s3], $0x4000, $0x38;
	[tilespmem:$0x13000] =	vst v63  }
0x2c: {  	_ =	swait.ge [sflag:s23], $0x4000  }
0x2d: {  	[sflag:s23] =	ssyncset.done $0x0  }
0x2e: {  	[sflag:s23] =	ssyncadd.s32 $0xFFFFC000  }
0x2f: {  	[spmem:s11] =	stream.linear.scatter [tilespmem:s22], [sflag:$0x1], $0x4000, $0x38;
	[tilespmem:$0x13000] =	vst v63  }
0x30: {  	_ =	swait.ge [sflag:s23], $0x4000  }
0x31: {  	[sflag:s23] =	ssyncset.done $0x0  }
0x32: {  	[sflag:s23] =	ssyncadd.s32 $0xFFFFC000  }
0x33: {  	[tilespmem:s22], [sflag:$0x1] =	stream.linear.gather [hbm4b:s12+s3], $0x4000, $0x38;
	[tilespmem:$0x13000] =	vst v63  }
0x34: {  	_ =	swait.ge [sflag:s23], $0x4000  }
0x35: {  	[sflag:s23] =	ssyncset.done $0x0  }
0x36: {  	[sflag:s23] =	ssyncadd.s32 $0xFFFFC000  }
0x37: {  	[spmem:s13] =	stream.linear.scatter [tilespmem:s22], [sflag:$0x1], $0x4000, $0x38;
	[tilespmem:$0x13000] =	vst v63  }
0x38: {  	_ =	swait.ge [sflag:s23], $0x4000  }
0x39: {  	[sflag:s23] =	ssyncset.done $0x0  }
0x3a: {  	[sflag:s23] =	ssyncadd.s32 $0xFFFFC000  }
0x3b: {  	[tilespmem:s22], [sflag:$0x1] =	stream.linear.gather [hbm4b:s14+s3], $0x4000, $0x38;
	[tilespmem:$0x13000] =	vst v63  }
0x3c: {  	_ =	swait.ge [sflag:s23], $0x4000  }
0x3d: {  	[sflag:s23] =	ssyncset.done $0x0  }
0x3e: {  	[sflag:s23] =	ssyncadd.s32 $0xFFFFC000  }
0x3f: {  	[spmem:s15] =	stream.linear.scatter [tilespmem:s22], [sflag:$0x1], $0x4000, $0x38;
	[tilespmem:$0x13000] =	vst v63  }
0x40: {  	_ =	swait.ge [sflag:s23], $0x4000  }
0x41: {  	[sflag:s23] =	ssyncset.done $0x0  }
0x42: {  	[sflag:s23] =	ssyncadd.s32 $0xFFFFC000  }
0x43: {  	[bflag:$0x0] =	sbarrier.arrive $0xFFFF  }
0x44: {  	[tilespmem:s3], [sflag:$0x1] =	stream.linear.gather [hbm4b:s4+s3], $0x2800, $0x38;
	[tilespmem:$0x13000] =	vst v63  }
0x45: {  	_ =	swait.ge [sflag:s23], $0x2800  }
0x46: {  	[sflag:s23] =	ssyncset.done $0x0  }
0x47: {  	[sflag:s23] =	ssyncadd.s32 $0xFFFFD800  }
0x48: {  	[tilespmem:s22], [sflag:$0x1] =	stream.linear.gather [hbm4b:s21+s3], $0x4000, $0x38;
	[tilespmem:$0x13000] =	vst v63  }
0x49: {  	_ =	swait.ge [sflag:s23], $0x4000  }
0x4a: {  	[sflag:s23] =	ssyncset.done $0x0  }
0x4b: {  	s26 =	simm.s32 $0x0;
	[sflag:s23] =	ssyncadd.s32 $0xFFFFC000  }
0x4c: {  	[spmem:s2] =	stream.indirect.scatter.add.f32 [tilespmem:s22], [sflag:$0x1], $0x50, s26, s24, $0xb8;
	[tilespmem:$0x13000] =	vst v63  }
0x4d: {  	_ =	swait.ge [sflag:s23], $0x2800  }
0x4e: {  	s28 =	smov.u32 s21;
	s26 =	simm.s32 $0x200;
	[sflag:s23] =	ssyncset.done $0x0  }
.LBB2_2:
0x4f: {  	p0 =	sne.s32 s26, $0x9E00;
	[sflag:s23] =	ssyncadd.s32 $0xFFFFD800;
	s28 =	sadd.s32 $0x800, s28  }
0x50: {  	[tilespmem:s22], [sflag:$0x1] =	stream.linear.gather [hbm4b:s28+s3], $0x4000, $0x38;
	[tilespmem:$0x13000] =	vst v63  }
0x51: {  	s29 =	smov.u32 s26;
	s26 =	sadd.s32 $0x200, s26;
	_ =	swait.ge [sflag:s23], $0x4000  }
.Ltmp0:
0x52: {  	[sflag:s23] =	ssyncset.done $0x0;
	(pc) =	sbr.rel @p0 .LBB2_2-.Ltmp0, $4  }
0x53: {  	s29 =	sshra.s32 s29, $0x2;
	[sflag:s23] =	ssyncadd.s32 $0xFFFFC000  }
0x54: {  	[spmem:s2] =	stream.indirect.scatter.add.f32 [tilespmem:s22], [sflag:$0x1], $0x50, s29, s24, $0xb8;
	[tilespmem:$0x13000] =	vst v63  }
0x55: {  	_ =	swait.ge [sflag:s23], $0x2800  }
0x56: {  	[sflag:s23] =	ssyncset.done $0x0  }
0x57: {  	[sflag:s23] =	ssyncadd.s32 $0xFFFFD800  }
0x58: {  	[bflag:$0x0] =	sbarrier.arrive $0xFFFF  }
0x59: {  	[tilespmem:s22], [sflag:$0x1] =	stream.linear.gather [spmem:s5], $0x4000, $0x38;
	[tilespmem:$0x13000] =	vst v63  }
0x5a: {  	_ =	swait.ge [sflag:s23], $0x4000  }
0x5b: {  	[sflag:s23] =	ssyncset.done $0x0  }
0x5c: {  	[sflag:s23] =	ssyncadd.s32 $0xFFFFC000  }
0x5d: {  	[hbm4b:s16+s3] =	stream.linear.scatter [tilespmem:s22], [sflag:$0x1], $0x4000, $0x38;
	[tilespmem:$0x13000] =	vst v63  }
0x5e: {  	_ =	swait.ge [sflag:s23], $0x4000  }
0x5f: {  	[sflag:s23] =	ssyncset.done $0x0  }
0x60: {  	[sflag:s23] =	ssyncadd.s32 $0xFFFFC000  }
0x61: {  	[tilespmem:s22], [sflag:$0x1] =	stream.linear.gather [spmem:s9], $0x4000, $0x38;
	[tilespmem:$0x13000] =	vst v63  }
0x62: {  	_ =	swait.ge [sflag:s23], $0x4000  }
0x63: {  	[sflag:s23] =	ssyncset.done $0x0  }
0x64: {  	[sflag:s23] =	ssyncadd.s32 $0xFFFFC000  }
0x65: {  	[hbm4b:s17+s3] =	stream.linear.scatter [tilespmem:s22], [sflag:$0x1], $0x4000, $0x38;
	[tilespmem:$0x13000] =	vst v63  }
0x66: {  	_ =	swait.ge [sflag:s23], $0x4000  }
0x67: {  	[sflag:s23] =	ssyncset.done $0x0  }
0x68: {  	[sflag:s23] =	ssyncadd.s32 $0xFFFFC000  }
0x69: {  	[tilespmem:s22], [sflag:$0x1] =	stream.linear.gather [spmem:s11], $0x4000, $0x38;
	[tilespmem:$0x13000] =	vst v63  }
0x6a: {  	_ =	swait.ge [sflag:s23], $0x4000  }
0x6b: {  	[sflag:s23] =	ssyncset.done $0x0  }
0x6c: {  	[sflag:s23] =	ssyncadd.s32 $0xFFFFC000  }
0x6d: {  	[hbm4b:s18+s3] =	stream.linear.scatter [tilespmem:s22], [sflag:$0x1], $0x4000, $0x38;
	[tilespmem:$0x13000] =	vst v63  }
0x6e: {  	_ =	swait.ge [sflag:s23], $0x4000  }
0x6f: {  	[sflag:s23] =	ssyncset.done $0x0  }
0x70: {  	[sflag:s23] =	ssyncadd.s32 $0xFFFFC000  }
0x71: {  	[tilespmem:s22], [sflag:$0x1] =	stream.linear.gather [spmem:s13], $0x4000, $0x38;
	[tilespmem:$0x13000] =	vst v63  }
0x72: {  	_ =	swait.ge [sflag:s23], $0x4000  }
0x73: {  	[sflag:s23] =	ssyncset.done $0x0  }
0x74: {  	[sflag:s23] =	ssyncadd.s32 $0xFFFFC000  }
0x75: {  	[hbm4b:s19+s3] =	stream.linear.scatter [tilespmem:s22], [sflag:$0x1], $0x4000, $0x38;
	[tilespmem:$0x13000] =	vst v63  }
0x76: {  	_ =	swait.ge [sflag:s23], $0x4000  }
0x77: {  	[sflag:s23] =	ssyncset.done $0x0  }
0x78: {  	[sflag:s23] =	ssyncadd.s32 $0xFFFFC000  }
0x79: {  	[tilespmem:s22], [sflag:$0x1] =	stream.linear.gather [spmem:s15], $0x4000, $0x38;
	[tilespmem:$0x13000] =	vst v63  }
0x7a: {  	s25 =	sadd.s32 $0x1, s25;
	_ =	swait.ge [sflag:s23], $0x4000  }
0x7b: {  	p0 =	sne.s32 s25, s6;
	[sflag:s23] =	ssyncset.done $0x0  }
.Ltmp1:
0x7c: {  	[sflag:s23] =	ssyncadd.s32 $0xFFFFC000;
	(pc) =	sbr.rel @p0 .LBB2_1-.Ltmp1, $4  }
0x7d: {  	[hbm4b:s20+s3] =	stream.linear.scatter [tilespmem:s22], [sflag:$0x1], $0x4000, $0x38;
	[tilespmem:$0x13000] =	vst v63  }
0x7e: {  	_ =	swait.ge [sflag:s23], $0x4000  }
0x7f: {  	[sflag:s23] =	ssyncset.done $0x0  }
0x80: {  	[sflag:s23] =	ssyncadd.s32 $0xFFFFC000  }
0x81: {  	_ =	sfence.sel $0x180000  }
0x82: {  	[bflag:$0x0] =	sbarrier.arrive $0xFFFF  }
0x83: {  	p0 =	sne.s32 s1, $0x0;
	_ =	strace $0x9000004A  }
0x84: {  	s0 =	sadd.s32 @!p0 $0x100000, s0;
	[bflag:$0x2] =	sbarrier.arrive $0xFFFF  }
0x85: {  	[sflag:s0] =	ssyncadd.tile.s32 @!p0 $0x1;
	_ =	shalt  }
.Lfunc_end2:
_tile_overlayer_lowered:
.L_overlay_start_2:
0x86: {  	(tag) =	ssettag $0x2  }
0x87: {  	s0 =	rddreg [dreg:$0x0];
	s2 =	stileid.u32  }
0x88: {  	s1 =	rddreg [dreg:$0x1];
	p0 =	sne.s32 s2, $0x0  }
0x89: {  	s3 =	rddreg [dreg:$0x2];
	[bflag:$0x3] =	sbarrier.arrive $0xFFFF;
	s2 =	simm.s32 @!p0 $0x1C01  }
0x8a: {  	[timem:s3], [sflag:s2] =	dma.local @!p0 [hbm:s0], s1  }
0x8b: {  	s0 =	simm.s32 @!p0 $0x1  }
0x8c: {  	_ =	swait.ge @!p0 [sflag:s0], s1  }
0x8d: {  	s1 =	ssub.s32 @!p0 $0x0, s1;
	[sflag:s0] =	ssyncset.done @!p0 $0x0  }
0x8e: {  	[sflag:s0] =	ssyncadd.s32 @!p0 s1  }
0x8f: {  	[bflag:$0x3] =	sbarrier.arrive $0xFFFF  }
0x90: {  	_ =	shalt  }

// kernel: kernel.17.cloned.1.call-start
scs
__scs_entry_jumppad:
0x0: {  	(pc) =	sbr.rel $0x88, $3  }
0x1: {  	(tag) =	ssettag $0x0;
	lr =	simm.s32 $0x1  }
0x2: {  	[smem:$0x3F97] =	sst lr;
	_ =	strace $0xD0000000  }
0x3: {  	_ = 	snop  }
0x4: {  	_ = 	snop  }
0x5: {  	_ = 	snop  }
0x6: {  	_ = 	snop  }
0x7: {  	_ = 	snop  }
__scs_overlays_trampoline_lowered:
0x8: {  	[smem:$0x3FA6] =	sst s0  }
0x9: {  	[smem:$0x3FA7] =	sst s1  }
0xa: {  	[smem:$0x3FA8] =	sst s2  }
0xb: {  	[smem:$0x3FA9] =	sst s3  }
0xc: {  	[smem:$0x3FAA] =	sst s4  }
0xd: {  	[smem:$0x3FAB] =	sst s5  }
0xe: {  	[smem:$0x3FAC] =	sst s6  }
0xf: {  	[smem:$0x3FAD] =	sst s7  }
0x10: {  	[smem:$0x3FAE] =	sst s8  }
0x11: {  	[smem:$0x3FAF] =	sst s9;
	s0 =	simm.s32 @!p0 $0x0  }
0x12: {  	s1 =	sld [smem:$0x3F95];
	s0 =	simm.s32 @p0 $0x1  }
0x13: {  	[smem:$0x3FB0] =	sst s0;
	s0 =	simm.s32 @!p1 $0x0  }
0x14: {  	s2 =	sld [smem:$0x3F94];
	s0 =	simm.s32 @p1 $0x1  }
0x15: {  	[smem:$0x3FB1] =	sst s0;
	s0 =	simm.s32 @!p2 $0x0  }
0x16: {  	s3 =	sld [smem:$0x3FDB];
	s0 =	simm.s32 @p2 $0x1  }
0x17: {  	s4 =	simm.s32 $0x1BF5;
	[smem:$0x3FB3] =	sst s0  }
0x18: {  	s0 =	sld [smem:$0x3F96];
	_ =	swait.ge [sflag:s4], $0x0  }
0x19: {  	s7 =	sld [smem:$0x3F97]  }
0x1a: {  	s8 =	sadd.s32 $0xFFFFE003, lr  }
0x1b: {  	s9 =	sadd.s32 $0xFFFFFEF7, lr;
	s5 =	simm.s32 $0xFFFFFFFF;
	p2 =	slt.u32 s8, $0xFFFFF086  }
0x1c: {  	p1 =	slt.u32 s9, $0xF7A;
	s5 =	simm.s32 @!p2 $0x0  }
0x1d: {  	s5 =	simm.s32 @p1 $0x1;
	p0 =	seq.s32 s7, s2  }
0x1e: {  	s7 =	smul.u32 @!p0 $0xF7A, s2;
	p2 =	seq.s32 @!p0 s5, $0x0  }
0x1f: {  	s9 =	smul.u32 $0xF7A, s1;
	s8 =	simm.s32 @!p0 $0x1BF5;
	p2 =	por !p2, p0  }
0x20: {  	[sflag:s8] =	ssyncset.s32 @!p0 $0xFFFFF086;
	s6 =	sadd.s32 @!p0 s3, s7;
	s7 =	simm.s32 @!p0 $0x108  }
0x21: {  	s3 =	sadd.s32 s3, s9;
	s6 =	sadd.s32 @!p0 $0x88, s6;
	s7 =	simm.s32 @p2 $0x1082  }
0x22: {  	[simem:s7], [sflag:s8] =	dma.local @!p0 [hbm:s6], $0xF7A  }
0x23: {  	s9 =	sor.u32 $0xD0000000, s2;
	s6 =	simm.s32 $0x108;
	_ =	swait.ge @!p0 [sflag:s8], $0x0  }
0x24: {  	s3 =	sadd.s32 $0x88, s3;
	s6 =	simm.s32 @!p1 $0x1082;
	[sflag:s4] =	ssyncset.s32 $0xFFFFF086  }
0x25: {  	[simem:s6], [sflag:s4] =	dma.local [hbm:s3], $0xF7A  }
0x26: {  	[smem:$0x3F97] =	sst s1;
	(tag) =	ssettag s2;
	_ =	strace s9  }
0x27: {  	s1 =	sld [smem:$0x3FA7]  }
0x28: {  	s2 =	sld [smem:$0x3FA8]  }
0x29: {  	s4 =	sld [smem:$0x3FAA]  }
0x2a: {  	p0 =	seq.s32 s5, $0x0;
	s5 =	sld [smem:$0x3FAB]  }
0x2b: {  	s6 =	sld [smem:$0x3FAC]  }
0x2c: {  	s7 =	sld [smem:$0x3FAD]  }
0x2d: {  	s3 =	simm.s32 $0x108;
	s8 =	sld [smem:$0x3FAE]  }
0x2e: {  	s3 =	simm.s32 @!p0 $0x1082;
	s9 =	sld [smem:$0x3FAF]  }
0x2f: {  	lr =	sadd.s32 s0, s3;
	s0 =	sld [smem:$0x3FA6]  }
0x30: {  	s3 =	sld [smem:$0x3FA9]  }
0x31: {  	[smem:$0x3FB2] =	sst s10  }
0x32: {  	s10 =	sld [smem:$0x3FB0];
	_ =	sdelay $0x3  }
0x33: {  	p0 =	seq.s32 s10, $0x1;
	s10 =	sld [smem:$0x3FB2];
	_ =	sdelay $0x3  }
0x34: {  	[smem:$0x3FB2] =	sst s10  }
0x35: {  	s10 =	sld [smem:$0x3FB1];
	_ =	sdelay $0x3  }
0x36: {  	p1 =	seq.s32 s10, $0x1;
	s10 =	sld [smem:$0x3FB2];
	_ =	sdelay $0x3  }
0x37: {  	[smem:$0x3FB2] =	sst s10  }
0x38: {  	s10 =	sld [smem:$0x3FB3]  }
0x39: {  	_ = 	snop;
	(pc) =	sbr.ind lr, $3  }
0x3a: {  	_ = 	snop  }
0x3b: {  	_ = 	snop  }
0x3c: {  	p2 =	seq.s32 s10, $0x1;
	s10 =	sld [smem:$0x3FB2]  }
0x3d: {  	_ =	shalt  }
0x3e: {  	_ =	shalt  }
0x3f: {  	_ =	shalt  }
0x40: {  	_ =	shalt  }
0x41: {  	_ =	shalt  }
0x42: {  	_ =	shalt  }
0x43: {  	_ =	shalt  }
0x44: {  	_ =	shalt  }
0x45: {  	_ =	shalt  }
0x46: {  	_ =	shalt  }
0x47: {  	_ =	shalt  }
0x48: {  	_ =	shalt  }
0x49: {  	_ =	shalt  }
0x4a: {  	_ =	shalt  }
0x4b: {  	_ =	shalt  }
0x4c: {  	_ =	shalt  }
0x4d: {  	_ =	shalt  }
0x4e: {  	_ =	shalt  }
0x4f: {  	_ =	shalt  }
0x50: {  	_ =	shalt  }
0x51: {  	_ =	shalt  }
0x52: {  	_ =	shalt  }
0x53: {  	_ =	shalt  }
0x54: {  	_ =	shalt  }
0x55: {  	_ =	shalt  }
0x56: {  	_ =	shalt  }
0x57: {  	_ =	shalt  }
0x58: {  	_ =	shalt  }
0x59: {  	_ =	shalt  }
0x5a: {  	_ =	shalt  }
0x5b: {  	_ =	shalt  }
0x5c: {  	_ =	shalt  }
0x5d: {  	_ =	shalt  }
0x5e: {  	_ =	shalt  }
0x5f: {  	_ =	shalt  }
0x60: {  	_ =	shalt  }
0x61: {  	_ =	shalt  }
0x62: {  	_ =	shalt  }
0x63: {  	_ =	shalt  }
0x64: {  	_ =	shalt  }
0x65: {  	_ =	shalt  }
0x66: {  	_ =	shalt  }
0x67: {  	_ =	shalt  }
0x68: {  	_ =	shalt  }
0x69: {  	_ =	shalt  }
0x6a: {  	_ =	shalt  }
0x6b: {  	_ =	shalt  }
0x6c: {  	_ =	shalt  }
0x6d: {  	_ =	shalt  }
0x6e: {  	_ =	shalt  }
0x6f: {  	_ =	shalt  }
0x70: {  	_ =	shalt  }
0x71: {  	_ =	shalt  }
0x72: {  	_ =	shalt  }
0x73: {  	_ =	shalt  }
0x74: {  	_ =	shalt  }
0x75: {  	_ =	shalt  }
0x76: {  	_ =	shalt  }
0x77: {  	_ =	shalt  }
0x78: {  	_ =	shalt  }
0x79: {  	_ =	shalt  }
0x7a: {  	_ =	shalt  }
0x7b: {  	_ =	shalt  }
0x7c: {  	_ =	shalt  }
0x7d: {  	_ =	shalt  }
0x7e: {  	_ =	shalt  }
0x7f: {  	_ =	shalt  }
0x80: {  	_ =	shalt  }
0x81: {  	_ =	shalt  }
0x82: {  	_ =	shalt  }
0x83: {  	_ =	shalt  }
0x84: {  	_ =	shalt  }
0x85: {  	_ =	shalt  }
0x86: {  	_ =	shalt  }
0x87: {  	_ =	shalt  }
.Lfunc_end0:
.L_simem_size_0:
called_computation.2_lowered:
.L_overlay_start_0:
0x88: {  	s2 =	sld [smem:$0x3FD9]  }
0x89: {  	s3 =	sld [smem:$0x3FFE];
	_ =	sdelay $0x1  }
0x8a: {  	s1 =	srdreg.scid  }
0x8b: {  	s0 =	sand.u32 $0x1, s1  }
0x8c: {  	s17 =	sshll.u32 s0, $0xA;
	s2 =	sadd.s32 s3, s2  }
0x8d: {  	s2 =	sadd.s32 s2, s17  }
0x8e: {  	[smem:$0x3FBE] =	sst s2  }
0x8f: {  	_ = 	snop  }
0x90: {  	s2 =	sld [smem:$0x3FD0];
	(tm) =	ssettm $0x1  }
0x91: {  	s18 =	sld [smem:$0x3FFB];
	_ =	sdelay $0x3  }
0x92: {  	_ =	strace s18  }
0x93: {  	s3 =	sld [smem:$0x3FFC];
	_ =	sdelay $0x3  }
0x94: {  	_ =	strace s3  }
0x95: {  	s3 =	sld [smem:$0x3FFD];
	_ =	sdelay $0x3  }
0x96: {  	_ =	strace s3  }
0x97: {  	_ =	strace $0x8FFFFFFF  }
0x98: {  	s19 =	sld [smem:$0x3FDB];
	_ =	sdelay $0x1  }
0x99: {  	s4 =	simm.s32 $_scs_section_size  }
0x9a: {  	s5 =	simm.s32 $_size__tile_overlayer_lowered;
	s6 =	simm.s32 $_tile_overlayer_lowered  }
0x9b: {  	s22 =	simm.s32 $0x1BFF;
	s21 =	sshll.u32 s6, $0x1;
	s3 =	sadd.s32 s4, s19  }
0x9c: {  	s7 =	simm.s32 $0x0;
	s20 =	sshll.u32 s5, $0x1;
	s5 =	sadd.s32 s21, s3  }
0x9d: {  	[timem:s7], [sflag:s22] =	dma.local [hbm:s5], s20  }
0x9e: {  	_ =	swait.ge [sflag:s22], s20  }
0x9f: {  	s4 =	ssub.s32 $0x0, s20;
	[sflag:s22] =	ssyncset.done $0x0  }
0xa0: {  	[sflag:s22] =	ssyncadd.s32 s4;
	_ =	sdelay $0x1  }
0xa1: {  	s23 =	simm.s32 $0x1B8B  }
0xa2: {  	_ =	swait.ge [sflag:s23], $0x1  }
0xa3: {  	[sflag:s23] =	ssyncset.done $0x0  }
0xa4: {  	s25 =	simm.s32 $0x1B8E;
	s24 =	sld [smem:$0x3FFE];
	[sflag:s23] =	ssyncadd.s32 $0xFFFFFFFF  }
0xa5: {  	s26 =	simm.s32 $execute0_lowered;
	[smem:$0x3FD2] =	sst s25  }
0xa6: {  	s5 =	sshll.u32 s26, $0x1;
	_ =	strace $0x8000004C;
	[dreg:$0x1] =	wrdreg $0xFFFFFFFF  }
0xa7: {  	s28 =	simm.s32 $_size_execute0_lowered;
	s3 =	sadd.s32 s3, s5;
	[dreg:$0x0] =	wrdreg $0x0  }
0xa8: {  	s5 =	sshll.u32 s28, $0x1;
	[dreg:$0x2] =	wrdreg s3  }
0xa9: {  	[dreg:$0x3] =	wrdreg s5  }
0xaa: {  	[dreg:$0x4] =	wrdreg $0xC0  }
0xab: {  	_ =	task [dreg:s7], $0x5FFFF  }
0xac: {  	[dreg:$0x1] =	wrdreg $0xFFFFFFFF  }
0xad: {  	[dreg:$0x0] =	wrdreg $0x60  }
0xae: {  	[dreg:$0x2] =	wrdreg s24  }
0xaf: {  	[dreg:$0x3] =	wrdreg s2  }
0xb0: {  	[dreg:$0x4] =	wrdreg $0x9  }
0xb1: {  	_ =	task.clear_ibuf [dreg:s7], $0x5FFFF;
	_ =	strace $0x9000004C  }
0xb2: {  	s29 =	simm.s32 $0x9;
	_ =	strace $0x8000004E  }
0xb3: {  	_ =	swait.ge [sflag:s29], $0x1  }
0xb4: {  	[sflag:s29] =	ssyncadd.s32 $0xFFFFFFFF  }
0xb5: {  	_ =	strace $0x9000004E  }
0xb6: {  	_ =	sfence  }
0xb7: {  	s30 =	sld [smem:$0x0];
	_ =	sdelay $0x2  }
0xb8: {  	s31 =	sshll.u32 s1, $0xD;
	s1 =	sshrl.u32 s1, $0x2  }
0xb9: {  	s3 =	sand.u32 $0x4000, s31;
	s1 =	sadd.s32 s1, s30  }
0xba: {  	s0 =	sor.u32 s3, s0;
	s1 =	sshll.u32 s1, $0x11  }
0xbb: {  	s0 =	sor.u32 s1, s0  }
0xbc: {  	s0 =	sadd.s32 $0x8F2B, s0  }
0xbd: {  	[sflag:s0] =	ssyncadd.remote.s32 $0x1  }
0xbe: {  	_ =	sfence.sel $0xFFFF  }
0xbf: {  	[dreg:$0x0] =	wrdreg $0xFFFFFFFF;
	(pc) =	sbr.abs _section_cstart, $3  }
0xc0: {  	[dreg:$0x1] =	wrdreg $0xFFFFFFFF  }
0xc1: {  	_ =	task.clear_ibuf [dreg:s7], $0x2FFFF;
	_ =	strace $0x9FFFFFFF  }
0xc2: {  	(tm) =	ssettm $0x7FFFFFFF  }
0xc3: {  	_ =	shalt  }
tec
execute0_lowered:
.L_overlay_start_1:
0x0: {  	(tag) =	ssettag $0x1  }
0x1: {  	s1 =	rddreg [dreg:$0x0];
	s2 =	srdreg.scid  }
0x2: {  	s0 =	stileid.u32;
	s5 =	rddreg [dreg:$0x1];
	s17 =	simm.s32 $0x80  }
0x3: {  	s18 =	simm.s32 $0x5000;
	s19 =	simm.s32 $0xD000;
	s20 =	simm.s32 $0x9000  }
0x4: {  	s21 =	simm.s32 $0x2880;
	s22 =	simm.s32 $0x11000;
	s28 =	simm.s32 $0x0  }
0x5: {  	s11 =	sand.u32 $0x1, s2;
	s3 =	sshll.u32 s0, $0x1;
	s24 =	smul.u32 $0x280000, s0  }
0x6: {  	s2 =	simm.s32 $0x0;
	s12 =	sadd.s32 $0x34200, s1;
	s15 =	smul.u32 $0x50000, s0  }
0x7: {  	s4 =	sor.u32 s11, s3;
	[smem:$0x7FF] =	sst s2;
	s14 =	smul.u32 $0x140000, s11  }
0x8: {  	s3 =	sadd.s32 $0xD000, s1;
	s8 =	ssub.s32 $0x2, s11;
	s30 =	smul.u32 $0x28000, s11  }
0x9: {  	s6 =	smul.u32 $0x500, s4;
	_ =	strace $0x8000004D;
	s9 =	sshrl.u32 s8, $0x1  }
0xa: {  	s10 =	smul.u32 $0x140000, s4;
	s16 =	sadd.s32 s15, s12;
	s13 =	ssub.s32 s8, s9  }
0xb: {  	s14 =	sadd.s32 s14, s24;
	s31 =	sadd.s32 s30, s16;
	s16 =	simm.s32 $0x2800  }
0xc: {  	s24 =	simm.s32 $0x3;
	s7 =	sadd.s32 s6, s1;
	s1 =	sadd.s32 $0x534200, s1  }
0xd: {  	s5 =	sadd.s32 s5, s6;
	s23 =	sshrl.u32 s10, $0x3;
	s10 =	smax.u32 s13, $0x1  }
0xe: {  	s29 =	sshrl.u32 s14, $0x3;
	s13 =	sadd.s32 $0x800, s31;
	s4 =	sadd.s32 $0x3000, s7  }
0xf: {  	s25 =	sadd.s32 $0x27000, s23;
	s26 =	sadd.s32 $0x27800, s23;
	s11 =	sadd.s32 s29, s1  }
0x10: {  	s23 =	simm.s32 $0x1;
	s6 =	sadd.s32 s12, s25;
	s7 =	sadd.s32 s1, s25  }
0x11: {  	s8 =	sadd.s32 s12, s26;
	s9 =	sadd.s32 s1, s26;
	s1 =	sadd.s32 s15, s1  }
0x12: {  	s12 =	sadd.s32 s29, s12;
	s15 =	simm.s32 $0x5;
	s1 =	sadd.s32 s30, s1  }
0x13: {  	s25 =	simm.s32 $0x2;
	s26 =	simm.s32 $0x4;
	s14 =	sadd.s32 $0x800, s1  }
.LBB2_1:
0x14: {  	[tilespmem:s2], [sflag:$0x5] =	stream.linear.gather [hbm4b:s4+s2], $0x2800, $0x38;
	[tilespmem:$0x15000] =	vst v63  }
0x15: {  	_ =	swait.ge [sflag:s15], $0x2800  }
0x16: {  	[sflag:s15] =	ssyncset.done $0x0  }
0x17: {  	[sflag:s15] =	ssyncadd.s32 $0xFFFFD800  }
0x18: {  	[tilespmem:s16], [sflag:$0x5] =	stream.linear.gather [hbm4b:s5+s2], $0x2800, $0x38;
	[tilespmem:$0x15000] =	vst v63  }
0x19: {  	_ =	swait.ge [sflag:s15], $0x2800  }
0x1a: {  	[sflag:s15] =	ssyncset.done $0x0  }
0x1b: {  	[sflag:s15] =	ssyncadd.s32 $0xFFFFD800  }
0x1c: {  	[tilespmem:s18], [sflag:$0x1] =	stream.indirect.gather [hbm4b:s3+s17], $0x80, s2, s17, $0xb8;
	[tilespmem:$0x15000] =	vst v63  }
0x1d: {  	_ = 	snop  }
0x1e: {  	[tilespmem:s19], [sflag:$0x3] =	stream.indirect.gather [hbm4b:s3+s17], $0x80, s16, s17, $0xb8;
	[tilespmem:$0x15000] =	vst v63  }
0x1f: {  	_ = 	snop  }
0x20: {  	[tilespmem:s20], [sflag:$0x2] =	stream.indirect.gather [hbm4b:s3+s17], $0x80, s17, s17, $0xb8;
	[tilespmem:$0x15000] =	vst v63  }
0x21: {  	_ = 	snop  }
0x22: {  	[tilespmem:s22], [sflag:$0x4] =	stream.indirect.gather [hbm4b:s3+s17], $0x80, s21, s17, $0xb8;
	[tilespmem:$0x15000] =	vst v63  }
0x23: {  	_ =	swait.ge [sflag:s23], $0x4000  }
0x24: {  	[sflag:s23] =	ssyncset.done $0x0  }
0x25: {  	s1 =	sadd.s32 $0x0, s12;
	[sflag:s23] =	ssyncadd.s32 $0xFFFFC000  }
0x26: {  	[hbm4b:s1+s2] =	stream.linear.scatter [tilespmem:s18], [sflag:$0x5], $0x4000, $0x38;
	[tilespmem:$0x15000] =	vst v63  }
0x27: {  	_ =	swait.ge [sflag:s15], $0x4000  }
0x28: {  	[sflag:s15] =	ssyncset.done $0x0  }
0x29: {  	s0 =	simm.s32 $0x100;
	[sflag:s15] =	ssyncadd.s32 $0xFFFFC000  }
0x2a: {  	[tilespmem:s18], [sflag:$0x1] =	stream.indirect.gather [hbm4b:s3+s17], $0x80, s0, s17, $0xb8;
	[tilespmem:$0x15000] =	vst v63  }
0x2b: {  	_ =	swait.ge [sflag:s24], $0x4000  }
0x2c: {  	[sflag:s24] =	ssyncset.done $0x0  }
0x2d: {  	s0 =	sadd.s32 $0x0, s11;
	[sflag:s24] =	ssyncadd.s32 $0xFFFFC000  }
0x2e: {  	[hbm4b:s0+s2] =	stream.linear.scatter [tilespmem:s19], [sflag:$0x5], $0x4000, $0x38;
	[tilespmem:$0x15000] =	vst v63  }
0x2f: {  	_ =	swait.ge [sflag:s15], $0x4000  }
0x30: {  	[sflag:s15] =	ssyncset.done $0x0  }
0x31: {  	s0 =	simm.s32 $0x2900;
	[sflag:s15] =	ssyncadd.s32 $0xFFFFC000  }
0x32: {  	[tilespmem:s19], [sflag:$0x3] =	stream.indirect.gather [hbm4b:s3+s17], $0x80, s0, s17, $0xb8;
	[tilespmem:$0x15000] =	vst v63  }
0x33: {  	_ =	swait.ge [sflag:s25], $0x4000  }
0x34: {  	[sflag:s25] =	ssyncset.done $0x0  }
0x35: {  	s0 =	sadd.s32 $0x0, s13;
	[sflag:s25] =	ssyncadd.s32 $0xFFFFC000  }
0x36: {  	[hbm4b:s0+s2] =	stream.linear.scatter [tilespmem:s20], [sflag:$0x5], $0x4000, $0x38;
	[tilespmem:$0x15000] =	vst v63  }
0x37: {  	_ =	swait.ge [sflag:s15], $0x4000  }
0x38: {  	[sflag:s15] =	ssyncset.done $0x0  }
0x39: {  	s0 =	simm.s32 $0x180;
	[sflag:s15] =	ssyncadd.s32 $0xFFFFC000  }
0x3a: {  	[tilespmem:s20], [sflag:$0x2] =	stream.indirect.gather [hbm4b:s3+s17], $0x80, s0, s17, $0xb8;
	[tilespmem:$0x15000] =	vst v63  }
0x3b: {  	_ =	swait.ge [sflag:s26], $0x4000  }
0x3c: {  	[sflag:s26] =	ssyncset.done $0x0  }
0x3d: {  	s0 =	sadd.s32 $0x0, s14;
	[sflag:s26] =	ssyncadd.s32 $0xFFFFC000  }
0x3e: {  	[hbm4b:s0+s2] =	stream.linear.scatter [tilespmem:s22], [sflag:$0x5], $0x4000, $0x38;
	[tilespmem:$0x15000] =	vst v63  }
0x3f: {  	_ =	swait.ge [sflag:s15], $0x4000  }
0x40: {  	s29 =	simm.s32 $0x1000;
	s30 =	simm.s32 $0x200;
	[sflag:s15] =	ssyncset.done $0x0  }
0x41: {  	s31 =	simm.s32 $0x2A00;
	s1 =	simm.s32 $0x2980;
	[sflag:s15] =	ssyncadd.s32 $0xFFFFC000  }
.LBB2_2:
0x42: {  	[tilespmem:s22], [sflag:$0x4] =	stream.indirect.gather [hbm4b:s3+s17], $0x80, s1, s17, $0xb8;
	[tilespmem:$0x15000] =	vst v63  }
0x43: {  	s1 =	smov.u32 s29  }
0x44: {  	p0 =	sne.s32 s29, $0x26000;
	s29 =	sadd.s32 $0x1000, s29;
	_ =	swait.ge [sflag:s23], $0x4000  }
0x45: {  	[sflag:s23] =	ssyncset.done $0x0  }
0x46: {  	s0 =	sadd.s32 s1, s12;
	[sflag:s23] =	ssyncadd.s32 $0xFFFFC000  }
0x47: {  	[hbm4b:s0+s2] =	stream.linear.scatter [tilespmem:s18], [sflag:$0x5], $0x4000, $0x38;
	[tilespmem:$0x15000] =	vst v63  }
0x48: {  	_ =	swait.ge [sflag:s15], $0x4000  }
0x49: {  	[sflag:s15] =	ssyncset.done $0x0  }
0x4a: {  	[sflag:s15] =	ssyncadd.s32 $0xFFFFC000  }
0x4b: {  	[tilespmem:s18], [sflag:$0x1] =	stream.indirect.gather [hbm4b:s3+s17], $0x80, s30, s17, $0xb8;
	[tilespmem:$0x15000] =	vst v63  }
0x4c: {  	_ =	swait.ge [sflag:s24], $0x4000  }
0x4d: {  	[sflag:s24] =	ssyncset.done $0x0  }
0x4e: {  	s0 =	sadd.s32 s1, s11;
	[sflag:s24] =	ssyncadd.s32 $0xFFFFC000  }
0x4f: {  	[hbm4b:s0+s2] =	stream.linear.scatter [tilespmem:s19], [sflag:$0x5], $0x4000, $0x38;
	[tilespmem:$0x15000] =	vst v63  }
0x50: {  	_ =	swait.ge [sflag:s15], $0x4000  }
0x51: {  	[sflag:s15] =	ssyncset.done $0x0  }
0x52: {  	[sflag:s15] =	ssyncadd.s32 $0xFFFFC000  }
0x53: {  	[tilespmem:s19], [sflag:$0x3] =	stream.indirect.gather [hbm4b:s3+s17], $0x80, s31, s17, $0xb8;
	[tilespmem:$0x15000] =	vst v63  }
0x54: {  	_ =	swait.ge [sflag:s25], $0x4000  }
0x55: {  	[sflag:s25] =	ssyncset.done $0x0  }
0x56: {  	s0 =	sadd.s32 s1, s13;
	[sflag:s25] =	ssyncadd.s32 $0xFFFFC000  }
0x57: {  	[hbm4b:s0+s2] =	stream.linear.scatter [tilespmem:s20], [sflag:$0x5], $0x4000, $0x38;
	[tilespmem:$0x15000] =	vst v63  }
0x58: {  	_ =	swait.ge [sflag:s15], $0x4000  }
0x59: {  	[sflag:s15] =	ssyncset.done $0x0  }
0x5a: {  	s0 =	sadd.s32 $0x80, s30;
	[sflag:s15] =	ssyncadd.s32 $0xFFFFC000  }
0x5b: {  	[tilespmem:s20], [sflag:$0x2] =	stream.indirect.gather [hbm4b:s3+s17], $0x80, s0, s17, $0xb8;
	[tilespmem:$0x15000] =	vst v63  }
0x5c: {  	_ =	swait.ge [sflag:s26], $0x4000  }
0x5d: {  	[sflag:s26] =	ssyncset.done $0x0  }
.Ltmp0:
0x5e: {  	s0 =	sadd.s32 s1, s14;
	[sflag:s26] =	ssyncadd.s32 $0xFFFFC000;
	(pc) =	sbr.rel @p0 .LBB2_2-.Ltmp0, $4  }
0x5f: {  	[hbm4b:s0+s2] =	stream.linear.scatter [tilespmem:s22], [sflag:$0x5], $0x4000, $0x38;
	[tilespmem:$0x15000] =	vst v63  }
0x60: {  	_ =	swait.ge [sflag:s15], $0x4000  }
0x61: {  	s30 =	sadd.s32 $0x100, s30;
	[sflag:s15] =	ssyncset.done $0x0  }
0x62: {  	s1 =	sadd.s32 $0x80, s31;
	s31 =	sadd.s32 $0x100, s31;
	[sflag:s15] =	ssyncadd.s32 $0xFFFFC000  }
0x63: {  	[tilespmem:s22], [sflag:$0x4] =	stream.indirect.gather [hbm4b:s3+s17], $0x80, s1, s17, $0xb8;
	[tilespmem:$0x15000] =	vst v63  }
0x64: {  	_ =	swait.ge [sflag:s23], $0x4000  }
0x65: {  	[sflag:s23] =	ssyncset.done $0x0  }
0x66: {  	[sflag:s23] =	ssyncadd.s32 $0xFFFFC000  }
0x67: {  	[hbm4b:s6+s2] =	stream.linear.scatter [tilespmem:s18], [sflag:$0x5], $0x4000, $0x38;
	[tilespmem:$0x15000] =	vst v63  }
0x68: {  	_ =	swait.ge [sflag:s15], $0x4000  }
0x69: {  	[sflag:s15] =	ssyncset.done $0x0  }
0x6a: {  	[sflag:s15] =	ssyncadd.s32 $0xFFFFC000  }
0x6b: {  	_ =	swait.ge [sflag:s24], $0x4000  }
0x6c: {  	[sflag:s24] =	ssyncset.done $0x0  }
0x6d: {  	[sflag:s24] =	ssyncadd.s32 $0xFFFFC000  }
0x6e: {  	[hbm4b:s7+s2] =	stream.linear.scatter [tilespmem:s19], [sflag:$0x5], $0x4000, $0x38;
	[tilespmem:$0x15000] =	vst v63  }
0x6f: {  	_ =	swait.ge [sflag:s15], $0x4000  }
0x70: {  	[sflag:s15] =	ssyncset.done $0x0  }
0x71: {  	[sflag:s15] =	ssyncadd.s32 $0xFFFFC000  }
0x72: {  	_ =	swait.ge [sflag:s25], $0x4000  }
0x73: {  	[sflag:s25] =	ssyncset.done $0x0  }
0x74: {  	[sflag:s25] =	ssyncadd.s32 $0xFFFFC000  }
0x75: {  	[hbm4b:s8+s2] =	stream.linear.scatter [tilespmem:s20], [sflag:$0x5], $0x4000, $0x38;
	[tilespmem:$0x15000] =	vst v63  }
0x76: {  	_ =	swait.ge [sflag:s15], $0x4000  }
0x77: {  	[sflag:s15] =	ssyncset.done $0x0  }
0x78: {  	[sflag:s15] =	ssyncadd.s32 $0xFFFFC000  }
0x79: {  	s28 =	sadd.s32 $0x1, s28;
	_ =	swait.ge [sflag:s26], $0x4000  }
0x7a: {  	p0 =	sne.s32 s28, s10;
	[sflag:s26] =	ssyncset.done $0x0  }
.Ltmp1:
0x7b: {  	[sflag:s26] =	ssyncadd.s32 $0xFFFFC000;
	(pc) =	sbr.rel @p0 .LBB2_1-.Ltmp1, $4  }
0x7c: {  	[hbm4b:s9+s2] =	stream.linear.scatter [tilespmem:s22], [sflag:$0x5], $0x4000, $0x38;
	[tilespmem:$0x15000] =	vst v63  }
0x7d: {  	_ =	swait.ge [sflag:s15], $0x4000  }
0x7e: {  	[sflag:s15] =	ssyncset.done $0x0  }
0x7f: {  	[sflag:s15] =	ssyncadd.s32 $0xFFFFC000  }
0x80: {  	_ =	sfence.sel $0x180000  }
0x81: {  	[bflag:$0x0] =	sbarrier.arrive $0xFFFF  }
0x82: {  	_ =	strace $0x9000004D  }
0x83: {  	s0 =	stileid.u32;
	[bflag:$0x2] =	sbarrier.arrive $0xFFFF  }
0x84: {  	p0 =	sne.s32 s0, $0x0;
	s0 =	rddreg [dreg:$0x2]  }
0x85: {  	s0 =	sadd.s32 @!p0 $0x100000, s0  }
0x86: {  	[sflag:s0] =	ssyncadd.tile.s32 @!p0 $0x1;
	_ =	shalt  }
.Lfunc_end2:
_tile_overlayer_lowered:
.L_overlay_start_2:
0x87: {  	(tag) =	ssettag $0x2  }
0x88: {  	s0 =	rddreg [dreg:$0x0];
	s2 =	stileid.u32  }
0x89: {  	s1 =	rddreg [dreg:$0x1];
	p0 =	sne.s32 s2, $0x0  }
0x8a: {  	s3 =	rddreg [dreg:$0x2];
	[bflag:$0x3] =	sbarrier.arrive $0xFFFF;
	s2 =	simm.s32 @!p0 $0x1C05  }
0x8b: {  	[timem:s3], [sflag:s2] =	dma.local @!p0 [hbm:s0], s1  }
0x8c: {  	s0 =	simm.s32 @!p0 $0x5  }
0x8d: {  	_ =	swait.ge @!p0 [sflag:s0], s1  }
0x8e: {  	s1 =	ssub.s32 @!p0 $0x0, s1;
	[sflag:s0] =	ssyncset.done @!p0 $0x0  }
0x8f: {  	[sflag:s0] =	ssyncadd.s32 @!p0 s1  }
0x90: {  	[bflag:$0x3] =	sbarrier.arrive $0xFFFF  }
0x91: {  	_ =	shalt  }

// kernel: kernel.20.cloned.1.call-start
scs
__scs_entry_jumppad:
0x0: {  	(pc) =	sbr.rel $0x88, $3  }
0x1: {  	(tag) =	ssettag $0x0;
	lr =	simm.s32 $0x1  }
0x2: {  	[smem:$0x3F97] =	sst lr;
	_ =	strace $0xD0000000  }
0x3: {  	_ = 	snop  }
0x4: {  	_ = 	snop  }
0x5: {  	_ = 	snop  }
0x6: {  	_ = 	snop  }
0x7: {  	_ = 	snop  }
__scs_overlays_trampoline_lowered:
0x8: {  	[smem:$0x3FA6] =	sst s0  }
0x9: {  	[smem:$0x3FA7] =	sst s1  }
0xa: {  	[smem:$0x3FA8] =	sst s2  }
0xb: {  	[smem:$0x3FA9] =	sst s3  }
0xc: {  	[smem:$0x3FAA] =	sst s4  }
0xd: {  	[smem:$0x3FAB] =	sst s5  }
0xe: {  	[smem:$0x3FAC] =	sst s6  }
0xf: {  	[smem:$0x3FAD] =	sst s7  }
0x10: {  	[smem:$0x3FAE] =	sst s8  }
0x11: {  	[smem:$0x3FAF] =	sst s9;
	s0 =	simm.s32 @!p0 $0x0  }
0x12: {  	s1 =	sld [smem:$0x3F95];
	s0 =	simm.s32 @p0 $0x1  }
0x13: {  	[smem:$0x3FB0] =	sst s0;
	s0 =	simm.s32 @!p1 $0x0  }
0x14: {  	s2 =	sld [smem:$0x3F94];
	s0 =	simm.s32 @p1 $0x1  }
0x15: {  	[smem:$0x3FB1] =	sst s0;
	s0 =	simm.s32 @!p2 $0x0  }
0x16: {  	s3 =	sld [smem:$0x3FDB];
	s0 =	simm.s32 @p2 $0x1  }
0x17: {  	s4 =	simm.s32 $0x1BF5;
	[smem:$0x3FB3] =	sst s0  }
0x18: {  	s0 =	sld [smem:$0x3F96];
	_ =	swait.ge [sflag:s4], $0x0  }
0x19: {  	s7 =	sld [smem:$0x3F97]  }
0x1a: {  	s8 =	sadd.s32 $0xFFFFE003, lr  }
0x1b: {  	s9 =	sadd.s32 $0xFFFFFEF7, lr;
	s5 =	simm.s32 $0xFFFFFFFF;
	p2 =	slt.u32 s8, $0xFFFFF086  }
0x1c: {  	p1 =	slt.u32 s9, $0xF7A;
	s5 =	simm.s32 @!p2 $0x0  }
0x1d: {  	s5 =	simm.s32 @p1 $0x1;
	p0 =	seq.s32 s7, s2  }
0x1e: {  	s7 =	smul.u32 @!p0 $0xF7A, s2;
	p2 =	seq.s32 @!p0 s5, $0x0  }
0x1f: {  	s9 =	smul.u32 $0xF7A, s1;
	s8 =	simm.s32 @!p0 $0x1BF5;
	p2 =	por !p2, p0  }
0x20: {  	[sflag:s8] =	ssyncset.s32 @!p0 $0xFFFFF086;
	s6 =	sadd.s32 @!p0 s3, s7;
	s7 =	simm.s32 @!p0 $0x108  }
0x21: {  	s3 =	sadd.s32 s3, s9;
	s6 =	sadd.s32 @!p0 $0x88, s6;
	s7 =	simm.s32 @p2 $0x1082  }
0x22: {  	[simem:s7], [sflag:s8] =	dma.local @!p0 [hbm:s6], $0xF7A  }
0x23: {  	s9 =	sor.u32 $0xD0000000, s2;
	s6 =	simm.s32 $0x108;
	_ =	swait.ge @!p0 [sflag:s8], $0x0  }
0x24: {  	s3 =	sadd.s32 $0x88, s3;
	s6 =	simm.s32 @!p1 $0x1082;
	[sflag:s4] =	ssyncset.s32 $0xFFFFF086  }
0x25: {  	[simem:s6], [sflag:s4] =	dma.local [hbm:s3], $0xF7A  }
0x26: {  	[smem:$0x3F97] =	sst s1;
	(tag) =	ssettag s2;
	_ =	strace s9  }
0x27: {  	s1 =	sld [smem:$0x3FA7]  }
0x28: {  	s2 =	sld [smem:$0x3FA8]  }
0x29: {  	s4 =	sld [smem:$0x3FAA]  }
0x2a: {  	p0 =	seq.s32 s5, $0x0;
	s5 =	sld [smem:$0x3FAB]  }
0x2b: {  	s6 =	sld [smem:$0x3FAC]  }
0x2c: {  	s7 =	sld [smem:$0x3FAD]  }
0x2d: {  	s3 =	simm.s32 $0x108;
	s8 =	sld [smem:$0x3FAE]  }
0x2e: {  	s3 =	simm.s32 @!p0 $0x1082;
	s9 =	sld [smem:$0x3FAF]  }
0x2f: {  	lr =	sadd.s32 s0, s3;
	s0 =	sld [smem:$0x3FA6]  }
0x30: {  	s3 =	sld [smem:$0x3FA9]  }
0x31: {  	[smem:$0x3FB2] =	sst s10  }
0x32: {  	s10 =	sld [smem:$0x3FB0];
	_ =	sdelay $0x3  }
0x33: {  	p0 =	seq.s32 s10, $0x1;
	s10 =	sld [smem:$0x3FB2];
	_ =	sdelay $0x3  }
0x34: {  	[smem:$0x3FB2] =	sst s10  }
0x35: {  	s10 =	sld [smem:$0x3FB1];
	_ =	sdelay $0x3  }
0x36: {  	p1 =	seq.s32 s10, $0x1;
	s10 =	sld [smem:$0x3FB2];
	_ =	sdelay $0x3  }
0x37: {  	[smem:$0x3FB2] =	sst s10  }
0x38: {  	s10 =	sld [smem:$0x3FB3]  }
0x39: {  	_ = 	snop;
	(pc) =	sbr.ind lr, $3  }
0x3a: {  	_ = 	snop  }
0x3b: {  	_ = 	snop  }
0x3c: {  	p2 =	seq.s32 s10, $0x1;
	s10 =	sld [smem:$0x3FB2]  }
0x3d: {  	_ =	shalt  }
0x3e: {  	_ =	shalt  }
0x3f: {  	_ =	shalt  }
0x40: {  	_ =	shalt  }
0x41: {  	_ =	shalt  }
0x42: {  	_ =	shalt  }
0x43: {  	_ =	shalt  }
0x44: {  	_ =	shalt  }
0x45: {  	_ =	shalt  }
0x46: {  	_ =	shalt  }
0x47: {  	_ =	shalt  }
0x48: {  	_ =	shalt  }
0x49: {  	_ =	shalt  }
0x4a: {  	_ =	shalt  }
0x4b: {  	_ =	shalt  }
0x4c: {  	_ =	shalt  }
0x4d: {  	_ =	shalt  }
0x4e: {  	_ =	shalt  }
0x4f: {  	_ =	shalt  }
0x50: {  	_ =	shalt  }
0x51: {  	_ =	shalt  }
0x52: {  	_ =	shalt  }
0x53: {  	_ =	shalt  }
0x54: {  	_ =	shalt  }
0x55: {  	_ =	shalt  }
0x56: {  	_ =	shalt  }
0x57: {  	_ =	shalt  }
0x58: {  	_ =	shalt  }
0x59: {  	_ =	shalt  }
0x5a: {  	_ =	shalt  }
0x5b: {  	_ =	shalt  }
0x5c: {  	_ =	shalt  }
0x5d: {  	_ =	shalt  }
0x5e: {  	_ =	shalt  }
0x5f: {  	_ =	shalt  }
0x60: {  	_ =	shalt  }
0x61: {  	_ =	shalt  }
0x62: {  	_ =	shalt  }
0x63: {  	_ =	shalt  }
0x64: {  	_ =	shalt  }
0x65: {  	_ =	shalt  }
0x66: {  	_ =	shalt  }
0x67: {  	_ =	shalt  }
0x68: {  	_ =	shalt  }
0x69: {  	_ =	shalt  }
0x6a: {  	_ =	shalt  }
0x6b: {  	_ =	shalt  }
0x6c: {  	_ =	shalt  }
0x6d: {  	_ =	shalt  }
0x6e: {  	_ =	shalt  }
0x6f: {  	_ =	shalt  }
0x70: {  	_ =	shalt  }
0x71: {  	_ =	shalt  }
0x72: {  	_ =	shalt  }
0x73: {  	_ =	shalt  }
0x74: {  	_ =	shalt  }
0x75: {  	_ =	shalt  }
0x76: {  	_ =	shalt  }
0x77: {  	_ =	shalt  }
0x78: {  	_ =	shalt  }
0x79: {  	_ =	shalt  }
0x7a: {  	_ =	shalt  }
0x7b: {  	_ =	shalt  }
0x7c: {  	_ =	shalt  }
0x7d: {  	_ =	shalt  }
0x7e: {  	_ =	shalt  }
0x7f: {  	_ =	shalt  }
0x80: {  	_ =	shalt  }
0x81: {  	_ =	shalt  }
0x82: {  	_ =	shalt  }
0x83: {  	_ =	shalt  }
0x84: {  	_ =	shalt  }
0x85: {  	_ =	shalt  }
0x86: {  	_ =	shalt  }
0x87: {  	_ =	shalt  }
.Lfunc_end0:
.L_simem_size_0:
called_computation.3_lowered:
.L_overlay_start_0:
0x88: {  	s2 =	sld [smem:$0x3FD9]  }
0x89: {  	s3 =	sld [smem:$0x3FFE];
	_ =	sdelay $0x1  }
0x8a: {  	s1 =	srdreg.scid  }
0x8b: {  	s0 =	sand.u32 $0x1, s1  }
0x8c: {  	s17 =	sshll.u32 s0, $0xA;
	s2 =	sadd.s32 s3, s2  }
0x8d: {  	s2 =	sadd.s32 s2, s17  }
0x8e: {  	[smem:$0x3FBE] =	sst s2  }
0x8f: {  	_ = 	snop  }
0x90: {  	s2 =	sld [smem:$0x3FD0];
	(tm) =	ssettm $0x1  }
0x91: {  	s18 =	sld [smem:$0x3FFB];
	_ =	sdelay $0x3  }
0x92: {  	_ =	strace s18  }
0x93: {  	s3 =	sld [smem:$0x3FFC];
	_ =	sdelay $0x3  }
0x94: {  	_ =	strace s3  }
0x95: {  	s3 =	sld [smem:$0x3FFD];
	_ =	sdelay $0x3  }
0x96: {  	_ =	strace s3  }
0x97: {  	_ =	strace $0x8FFFFFFF  }
0x98: {  	s19 =	sld [smem:$0x3FDB];
	_ =	sdelay $0x1  }
0x99: {  	s4 =	simm.s32 $_scs_section_size  }
0x9a: {  	s5 =	simm.s32 $_size__tile_overlayer_lowered;
	s6 =	simm.s32 $_tile_overlayer_lowered  }
0x9b: {  	s22 =	simm.s32 $0x1BFF;
	s21 =	sshll.u32 s6, $0x1;
	s3 =	sadd.s32 s4, s19  }
0x9c: {  	s7 =	simm.s32 $0x0;
	s20 =	sshll.u32 s5, $0x1;
	s5 =	sadd.s32 s21, s3  }
0x9d: {  	[timem:s7], [sflag:s22] =	dma.local [hbm:s5], s20  }
0x9e: {  	_ =	swait.ge [sflag:s22], s20  }
0x9f: {  	s4 =	ssub.s32 $0x0, s20;
	[sflag:s22] =	ssyncset.done $0x0  }
0xa0: {  	[sflag:s22] =	ssyncadd.s32 s4;
	_ =	sdelay $0x1  }
0xa1: {  	s23 =	simm.s32 $0x1B8B  }
0xa2: {  	_ =	swait.ge [sflag:s23], $0x1  }
0xa3: {  	[sflag:s23] =	ssyncset.done $0x0  }
0xa4: {  	s25 =	simm.s32 $0x1B8E;
	s24 =	sld [smem:$0x3FFE];
	[sflag:s23] =	ssyncadd.s32 $0xFFFFFFFF  }
0xa5: {  	s26 =	simm.s32 $execute0_lowered;
	[smem:$0x3FD2] =	sst s25  }
0xa6: {  	s5 =	sshll.u32 s26, $0x1;
	_ =	strace $0x8000004F;
	[dreg:$0x1] =	wrdreg $0xFFFFFFFF  }
0xa7: {  	s28 =	simm.s32 $_size_execute0_lowered;
	s3 =	sadd.s32 s3, s5;
	[dreg:$0x0] =	wrdreg $0x0  }
0xa8: {  	s5 =	sshll.u32 s28, $0x1;
	[dreg:$0x2] =	wrdreg s3  }
0xa9: {  	[dreg:$0x3] =	wrdreg s5  }
0xaa: {  	[dreg:$0x4] =	wrdreg $0xC0  }
0xab: {  	_ =	task [dreg:s7], $0x5FFFF  }
0xac: {  	[dreg:$0x1] =	wrdreg $0xFFFFFFFF  }
0xad: {  	[dreg:$0x0] =	wrdreg $0x60  }
0xae: {  	[dreg:$0x2] =	wrdreg s24  }
0xaf: {  	[dreg:$0x3] =	wrdreg s2  }
0xb0: {  	[dreg:$0x4] =	wrdreg $0x68000  }
0xb1: {  	[dreg:$0x5] =	wrdreg $0x9  }
0xb2: {  	_ =	task.clear_ibuf [dreg:s7], $0x6FFFF;
	_ =	strace $0x9000004F  }
0xb3: {  	s29 =	simm.s32 $0x9;
	_ =	strace $0x80000051  }
0xb4: {  	_ =	swait.ge [sflag:s29], $0x1  }
0xb5: {  	[sflag:s29] =	ssyncadd.s32 $0xFFFFFFFF  }
0xb6: {  	_ =	strace $0x90000051  }
0xb7: {  	_ =	sfence  }
0xb8: {  	s30 =	sld [smem:$0x0];
	_ =	sdelay $0x2  }
0xb9: {  	s31 =	sshll.u32 s1, $0xD;
	s1 =	sshrl.u32 s1, $0x2  }
0xba: {  	s3 =	sand.u32 $0x4000, s31;
	s1 =	sadd.s32 s1, s30  }
0xbb: {  	s0 =	sor.u32 s3, s0;
	s1 =	sshll.u32 s1, $0x11  }
0xbc: {  	s0 =	sor.u32 s1, s0  }
0xbd: {  	s0 =	sadd.s32 $0x8F2B, s0  }
0xbe: {  	[sflag:s0] =	ssyncadd.remote.s32 $0x1  }
0xbf: {  	_ =	sfence.sel $0xFFFF  }
0xc0: {  	[dreg:$0x0] =	wrdreg $0xFFFFFFFF;
	(pc) =	sbr.abs _section_cstart, $3  }
0xc1: {  	[dreg:$0x1] =	wrdreg $0xFFFFFFFF  }
0xc2: {  	_ =	task.clear_ibuf [dreg:s7], $0x2FFFF;
	_ =	strace $0x9FFFFFFF  }
0xc3: {  	(tm) =	ssettm $0x7FFFFFFF  }
tec
execute0_lowered:
.L_overlay_start_1:
0x0: {  	(tag) =	ssettag $0x1  }
0x1: {  	s4 =	rddreg [dreg:$0x0]  }
0x2: {  	s5 =	rddreg [dreg:$0x1]  }
0x3: {  	s2 =	rddreg [dreg:$0x2]  }
0x4: {  	s1 =	stileid.u32;
	s0 =	rddreg [dreg:$0x3]  }
0x5: {  	s3 =	simm.s32 $0x0;
	s7 =	srdreg.scid;
	s6 =	smul.u32 $0x50000, s1  }
0x6: {  	[smem:$0x7FF] =	sst s3;
	s14 =	sadd.s32 $0xA34200, s4;
	s12 =	smul.u32 $0x280, s1  }
0x7: {  	s18 =	sand.u32 $0x1, s7;
	s26 =	sshll.u32 s1, $0x1;
	s9 =	smul.u32 $0x2800, s1  }
0x8: {  	s21 =	sadd.s32 $0x3000, s4;
	s25 =	smul.u32 $0x14000, s1;
	_ =	strace $0x80000050  }
0x9: {  	s8 =	ssub.s32 $0x2, s18;
	s7 =	sor.u32 s18, s26;
	s19 =	smul.u32 $0x140000, s18  }
0xa: {  	s26 =	smul.u32 $0x28000, s18;
	s20 =	sadd.s32 s6, s4;
	s28 =	sshrl.u32 s8, $0x1  }
0xb: {  	s7 =	smul.u32 $0x500, s7;
	s6 =	sshrl.u32 s6, $0x2;
	s29 =	sadd.s32 $0x80, s12  }
0xc: {  	s11 =	sadd.s32 $0x100, s12;
	s13 =	sadd.s32 $0x180, s12;
	s17 =	sadd.s32 $0x200, s12  }
0xd: {  	s8 =	ssub.s32 s8, s28;
	s30 =	sshll.u32 s29, $0x4;
	s15 =	sshll.u32 s29, $0x7  }
0xe: {  	s10 =	sshll.u32 s11, $0x4;
	s22 =	sshll.u32 s11, $0x7;
	s16 =	sshll.u32 s13, $0x4  }
0xf: {  	s23 =	sshll.u32 s13, $0x7;
	s24 =	sshll.u32 s17, $0x4;
	s31 =	sshll.u32 s17, $0x7  }
0x10: {  	s17 =	sadd.s32 s19, s25;
	s4 =	sadd.s32 s5, s7;
	s5 =	sadd.s32 s6, s2  }
0x11: {  	s6 =	smax.u32 s8, $0x1;
	s7 =	sadd.s32 s14, s9;
	s8 =	sadd.s32 s14, s30  }
0x12: {  	s9 =	sadd.s32 s15, s2;
	s10 =	sadd.s32 s14, s10;
	s11 =	sadd.s32 s22, s2  }
0x13: {  	s12 =	sadd.s32 s14, s16;
	s13 =	sadd.s32 s23, s2;
	s14 =	sadd.s32 s14, s24  }
0x14: {  	s25 =	sadd.s32 s19, s15;
	s15 =	sadd.s32 s31, s2;
	s16 =	sshrl.u32 s17, $0x3  }
0x15: {  	s22 =	sadd.s32 s19, s22;
	s23 =	sadd.s32 s19, s23;
	s29 =	sadd.s32 s19, s31  }
0x16: {  	s31 =	sadd.s32 s26, s20;
	s24 =	simm.s32 $0x80;
	s17 =	sshrl.u32 s25, $0x3  }
0x17: {  	s16 =	sadd.s32 s21, s16;
	s22 =	sshrl.u32 s22, $0x3;
	s28 =	sshrl.u32 s23, $0x3  }
0x18: {  	s30 =	sshrl.u32 s29, $0x3;
	s23 =	simm.s32 $0x1;
	s25 =	simm.s32 $0x0  }
0x19: {  	s17 =	sadd.s32 s21, s17;
	s18 =	sadd.s32 s21, s22;
	s19 =	sadd.s32 s21, s28  }
0x1a: {  	s20 =	sadd.s32 s21, s30;
	s21 =	sadd.s32 $0xA5C200, s31;
	s22 =	simm.s32 $0x2800  }
.LBB2_1:
0x1b: {  	[tilespmem:s22], [sflag:$0x1] =	stream.linear.gather [hbm4b:s7+s3], $0x4000, $0x38;
	[tilespmem:$0xE000] =	vst v63  }
0x1c: {  	_ =	swait.ge [sflag:s23], $0x4000  }
0x1d: {  	[sflag:s23] =	ssyncset.done $0x0  }
0x1e: {  	[sflag:s23] =	ssyncadd.s32 $0xFFFFC000  }
0x1f: {  	[spmem:s5] =	stream.linear.scatter [tilespmem:s22], [sflag:$0x1], $0x4000, $0x38;
	[tilespmem:$0xE000] =	vst v63  }
0x20: {  	_ =	swait.ge [sflag:s23], $0x4000  }
0x21: {  	[sflag:s23] =	ssyncset.done $0x0  }
0x22: {  	[sflag:s23] =	ssyncadd.s32 $0xFFFFC000  }
0x23: {  	[tilespmem:s22], [sflag:$0x1] =	stream.linear.gather [hbm4b:s8+s3], $0x4000, $0x38;
	[tilespmem:$0xE000] =	vst v63  }
0x24: {  	_ =	swait.ge [sflag:s23], $0x4000  }
0x25: {  	[sflag:s23] =	ssyncset.done $0x0  }
0x26: {  	[sflag:s23] =	ssyncadd.s32 $0xFFFFC000  }
0x27: {  	[spmem:s9] =	stream.linear.scatter [tilespmem:s22], [sflag:$0x1], $0x4000, $0x38;
	[tilespmem:$0xE000] =	vst v63  }
0x28: {  	_ =	swait.ge [sflag:s23], $0x4000  }
0x29: {  	[sflag:s23] =	ssyncset.done $0x0  }
0x2a: {  	[sflag:s23] =	ssyncadd.s32 $0xFFFFC000  }
0x2b: {  	[tilespmem:s22], [sflag:$0x1] =	stream.linear.gather [hbm4b:s10+s3], $0x4000, $0x38;
	[tilespmem:$0xE000] =	vst v63  }
0x2c: {  	_ =	swait.ge [sflag:s23], $0x4000  }
0x2d: {  	[sflag:s23] =	ssyncset.done $0x0  }
0x2e: {  	[sflag:s23] =	ssyncadd.s32 $0xFFFFC000  }
0x2f: {  	[spmem:s11] =	stream.linear.scatter [tilespmem:s22], [sflag:$0x1], $0x4000, $0x38;
	[tilespmem:$0xE000] =	vst v63  }
0x30: {  	_ =	swait.ge [sflag:s23], $0x4000  }
0x31: {  	[sflag:s23] =	ssyncset.done $0x0  }
0x32: {  	[sflag:s23] =	ssyncadd.s32 $0xFFFFC000  }
0x33: {  	[tilespmem:s22], [sflag:$0x1] =	stream.linear.gather [hbm4b:s12+s3], $0x4000, $0x38;
	[tilespmem:$0xE000] =	vst v63  }
0x34: {  	_ =	swait.ge [sflag:s23], $0x4000  }
0x35: {  	[sflag:s23] =	ssyncset.done $0x0  }
0x36: {  	[sflag:s23] =	ssyncadd.s32 $0xFFFFC000  }
0x37: {  	[spmem:s13] =	stream.linear.scatter [tilespmem:s22], [sflag:$0x1], $0x4000, $0x38;
	[tilespmem:$0xE000] =	vst v63  }
0x38: {  	_ =	swait.ge [sflag:s23], $0x4000  }
0x39: {  	[sflag:s23] =	ssyncset.done $0x0  }
0x3a: {  	[sflag:s23] =	ssyncadd.s32 $0xFFFFC000  }
0x3b: {  	[tilespmem:s22], [sflag:$0x1] =	stream.linear.gather [hbm4b:s14+s3], $0x4000, $0x38;
	[tilespmem:$0xE000] =	vst v63  }
0x3c: {  	_ =	swait.ge [sflag:s23], $0x4000  }
0x3d: {  	[sflag:s23] =	ssyncset.done $0x0  }
0x3e: {  	[sflag:s23] =	ssyncadd.s32 $0xFFFFC000  }
0x3f: {  	[spmem:s15] =	stream.linear.scatter [tilespmem:s22], [sflag:$0x1], $0x4000, $0x38;
	[tilespmem:$0xE000] =	vst v63  }
0x40: {  	_ =	swait.ge [sflag:s23], $0x4000  }
0x41: {  	[sflag:s23] =	ssyncset.done $0x0  }
0x42: {  	[sflag:s23] =	ssyncadd.s32 $0xFFFFC000  }
0x43: {  	[bflag:$0x0] =	sbarrier.arrive $0xFFFF  }
0x44: {  	[tilespmem:s3], [sflag:$0x1] =	stream.linear.gather [hbm4b:s4+s3], $0x2800, $0x38;
	[tilespmem:$0xE000] =	vst v63  }
0x45: {  	_ =	swait.ge [sflag:s23], $0x2800  }
0x46: {  	[sflag:s23] =	ssyncset.done $0x0  }
0x47: {  	[sflag:s23] =	ssyncadd.s32 $0xFFFFD800  }
0x48: {  	[tilespmem:s22], [sflag:$0x1] =	stream.linear.gather [hbm4b:s21+s3], $0x4000, $0x38;
	[tilespmem:$0xE000] =	vst v63  }
0x49: {  	_ =	swait.ge [sflag:s23], $0x4000  }
0x4a: {  	[sflag:s23] =	ssyncset.done $0x0  }
0x4b: {  	s26 =	simm.s32 $0x0;
	[sflag:s23] =	ssyncadd.s32 $0xFFFFC000  }
0x4c: {  	[spmem:s2] =	stream.indirect.scatter.add.f32 [tilespmem:s22], [sflag:$0x1], $0x30, s26, s24, $0xb8;
	[tilespmem:$0xE000] =	vst v63  }
0x4d: {  	_ =	swait.ge [sflag:s23], $0x1800  }
0x4e: {  	s28 =	smov.u32 s21;
	s26 =	simm.s32 $0x200;
	[sflag:s23] =	ssyncset.done $0x0  }
.LBB2_2:
0x4f: {  	p0 =	sne.s32 s26, $0x9E00;
	[sflag:s23] =	ssyncadd.s32 $0xFFFFE800;
	s28 =	sadd.s32 $0x800, s28  }
0x50: {  	[tilespmem:s22], [sflag:$0x1] =	stream.linear.gather [hbm4b:s28+s3], $0x4000, $0x38;
	[tilespmem:$0xE000] =	vst v63  }
0x51: {  	s29 =	smov.u32 s26;
	s26 =	sadd.s32 $0x200, s26;
	_ =	swait.ge [sflag:s23], $0x4000  }
.Ltmp0:
0x52: {  	[sflag:s23] =	ssyncset.done $0x0;
	(pc) =	sbr.rel @p0 .LBB2_2-.Ltmp0, $4  }
0x53: {  	s29 =	sshra.s32 s29, $0x2;
	[sflag:s23] =	ssyncadd.s32 $0xFFFFC000  }
0x54: {  	[spmem:s2] =	stream.indirect.scatter.add.f32 [tilespmem:s22], [sflag:$0x1], $0x30, s29, s24, $0xb8;
	[tilespmem:$0xE000] =	vst v63  }
0x55: {  	_ =	swait.ge [sflag:s23], $0x1800  }
0x56: {  	[sflag:s23] =	ssyncset.done $0x0  }
0x57: {  	[sflag:s23] =	ssyncadd.s32 $0xFFFFE800  }
0x58: {  	[bflag:$0x0] =	sbarrier.arrive $0xFFFF  }
0x59: {  	[tilespmem:s22], [sflag:$0x1] =	stream.linear.gather [spmem:s5], $0x4000, $0x38;
	[tilespmem:$0xE000] =	vst v63  }
0x5a: {  	_ =	swait.ge [sflag:s23], $0x4000  }
0x5b: {  	[sflag:s23] =	ssyncset.done $0x0  }
0x5c: {  	[sflag:s23] =	ssyncadd.s32 $0xFFFFC000  }
0x5d: {  	[hbm4b:s16+s3] =	stream.linear.scatter [tilespmem:s22], [sflag:$0x1], $0x4000, $0x38;
	[tilespmem:$0xE000] =	vst v63  }
0x5e: {  	_ =	swait.ge [sflag:s23], $0x4000  }
0x5f: {  	[sflag:s23] =	ssyncset.done $0x0  }
0x60: {  	[sflag:s23] =	ssyncadd.s32 $0xFFFFC000  }
0x61: {  	[tilespmem:s22], [sflag:$0x1] =	stream.linear.gather [spmem:s9], $0x4000, $0x38;
	[tilespmem:$0xE000] =	vst v63  }
0x62: {  	_ =	swait.ge [sflag:s23], $0x4000  }
0x63: {  	[sflag:s23] =	ssyncset.done $0x0  }
0x64: {  	[sflag:s23] =	ssyncadd.s32 $0xFFFFC000  }
0x65: {  	[hbm4b:s17+s3] =	stream.linear.scatter [tilespmem:s22], [sflag:$0x1], $0x4000, $0x38;
	[tilespmem:$0xE000] =	vst v63  }
0x66: {  	_ =	swait.ge [sflag:s23], $0x4000  }
0x67: {  	[sflag:s23] =	ssyncset.done $0x0  }
0x68: {  	[sflag:s23] =	ssyncadd.s32 $0xFFFFC000  }
0x69: {  	[tilespmem:s22], [sflag:$0x1] =	stream.linear.gather [spmem:s11], $0x4000, $0x38;
	[tilespmem:$0xE000] =	vst v63  }
0x6a: {  	_ =	swait.ge [sflag:s23], $0x4000  }
0x6b: {  	[sflag:s23] =	ssyncset.done $0x0  }
0x6c: {  	[sflag:s23] =	ssyncadd.s32 $0xFFFFC000  }
0x6d: {  	[hbm4b:s18+s3] =	stream.linear.scatter [tilespmem:s22], [sflag:$0x1], $0x4000, $0x38;
	[tilespmem:$0xE000] =	vst v63  }
0x6e: {  	_ =	swait.ge [sflag:s23], $0x4000  }
0x6f: {  	[sflag:s23] =	ssyncset.done $0x0  }
0x70: {  	[sflag:s23] =	ssyncadd.s32 $0xFFFFC000  }
0x71: {  	[tilespmem:s22], [sflag:$0x1] =	stream.linear.gather [spmem:s13], $0x4000, $0x38;
	[tilespmem:$0xE000] =	vst v63  }
0x72: {  	_ =	swait.ge [sflag:s23], $0x4000  }
0x73: {  	[sflag:s23] =	ssyncset.done $0x0  }
0x74: {  	[sflag:s23] =	ssyncadd.s32 $0xFFFFC000  }
0x75: {  	[hbm4b:s19+s3] =	stream.linear.scatter [tilespmem:s22], [sflag:$0x1], $0x4000, $0x38;
	[tilespmem:$0xE000] =	vst v63  }
0x76: {  	_ =	swait.ge [sflag:s23], $0x4000  }
0x77: {  	[sflag:s23] =	ssyncset.done $0x0  }
0x78: {  	[sflag:s23] =	ssyncadd.s32 $0xFFFFC000  }
0x79: {  	[tilespmem:s22], [sflag:$0x1] =	stream.linear.gather [spmem:s15], $0x4000, $0x38;
	[tilespmem:$0xE000] =	vst v63  }
0x7a: {  	s25 =	sadd.s32 $0x1, s25;
	_ =	swait.ge [sflag:s23], $0x4000  }
0x7b: {  	p0 =	sne.s32 s25, s6;
	[sflag:s23] =	ssyncset.done $0x0  }
.Ltmp1:
0x7c: {  	[sflag:s23] =	ssyncadd.s32 $0xFFFFC000;
	(pc) =	sbr.rel @p0 .LBB2_1-.Ltmp1, $4  }
0x7d: {  	[hbm4b:s20+s3] =	stream.linear.scatter [tilespmem:s22], [sflag:$0x1], $0x4000, $0x38;
	[tilespmem:$0xE000] =	vst v63  }
0x7e: {  	_ =	swait.ge [sflag:s23], $0x4000  }
0x7f: {  	[sflag:s23] =	ssyncset.done $0x0  }
0x80: {  	[sflag:s23] =	ssyncadd.s32 $0xFFFFC000  }
0x81: {  	_ =	sfence.sel $0x180000  }
0x82: {  	[bflag:$0x0] =	sbarrier.arrive $0xFFFF  }
0x83: {  	p0 =	sne.s32 s1, $0x0;
	_ =	strace $0x90000050  }
0x84: {  	s0 =	sadd.s32 @!p0 $0x100000, s0;
	[bflag:$0x2] =	sbarrier.arrive $0xFFFF  }
0x85: {  	[sflag:s0] =	ssyncadd.tile.s32 @!p0 $0x1;
	_ =	shalt  }
.Lfunc_end2:
_tile_overlayer_lowered:
.L_overlay_start_2:
0x86: {  	(tag) =	ssettag $0x2  }
0x87: {  	s0 =	rddreg [dreg:$0x0];
	s2 =	stileid.u32  }
0x88: {  	s1 =	rddreg [dreg:$0x1];
	p0 =	sne.s32 s2, $0x0  }
0x89: {  	s3 =	rddreg [dreg:$0x2];
	[bflag:$0x3] =	sbarrier.arrive $0xFFFF;
	s2 =	simm.s32 @!p0 $0x1C01  }
0x8a: {  	[timem:s3], [sflag:s2] =	dma.local @!p0 [hbm:s0], s1  }
0x8b: {  	s0 =	simm.s32 @!p0 $0x1  }
0x8c: {  	_ =	swait.ge @!p0 [sflag:s0], s1  }
0x8d: {  	s1 =	ssub.s32 @!p0 $0x0, s1;
	[sflag:s0] =	ssyncset.done @!p0 $0x0  }
0x8e: {  	[sflag:s0] =	ssyncadd.s32 @!p0 s1  }
0x8f: {  	[bflag:$0x3] =	sbarrier.arrive $0xFFFF  }
0x90: {  	_ =	shalt  }

</sc_bundles>
